<compile_context>
chip_gen: v7x
topology: tpu7x:2x2x1
jax: 0.10.2.dev20260603
libtpu: 0.0.44.dev20260713+nightly
codegen_flags: <defaults>
</compile_context>

<pallas_src>
import functools

import jax
import jax.numpy as jnp
from jax import lax
from jax.experimental import pallas as pl
from jax.experimental.pallas import tpu as pltpu
from jax.experimental.pallas import tpu_sc as plsc

KK = 8192
DD = 32
BETA = 0.25
ROWS = 256


RSUB = 64
LCH = 128


def _argmin_body(sz_ref, se_ref, z_ref, et2_ref, idx_ref, lsum_ref):
    mm = lax.dot_general(
        z_ref[...], et2_ref[...], (((1,), (0,)), ((), ())),
        preferred_element_type=jnp.float32)
    sz = sz_ref[...]
    se = se_ref[...]
    nch = KK // LCH
    lane = lax.broadcasted_iota(jnp.int32, (RSUB, LCH), 1).astype(jnp.float32)
    psum = jnp.float32(0.0)
    idxs = []
    for r0 in range(0, ROWS, RSUB):
        szs = sz[r0:r0 + RSUB, :]
        runmin = (szs + se[:, 0:LCH]) + mm[r0:r0 + RSUB, 0:LCH]
        runcol = jnp.zeros((RSUB, LCH), jnp.int32)
        for j in range(1, nch):
            sl = slice(j * LCH, (j + 1) * LCH)
            dj = (szs + se[:, sl]) + mm[r0:r0 + RSUB, sl]
            mask = dj < runmin
            runmin = jnp.where(mask, dj, runmin)
            runcol = jnp.where(mask, j, runcol)
        rowmin = jnp.min(runmin, axis=1, keepdims=True)
        cand = runcol.astype(jnp.float32) * float(LCH) + lane
        kf = jnp.min(jnp.where(runmin == rowmin, cand, float(KK)), axis=1)
        idxs.append(kf.astype(jnp.int32))
        psum = psum + jnp.sum(rowmin)
    idx_ref[0, 0, :] = jnp.concatenate(idxs)
    lsum_ref[0, 0, 0] = psum


def _tc_argmin(sz2, se2, zf, et2):
    bt = zf.shape[0]
    grid = bt // ROWS
    idx3, lsum = pl.pallas_call(
        _argmin_body,
        grid=(grid,),
        in_specs=[
            pl.BlockSpec((ROWS, 1), lambda g: (g, 0)),
            pl.BlockSpec((1, KK), lambda g: (0, 0)),
            pl.BlockSpec((ROWS, DD), lambda g: (g, 0)),
            pl.BlockSpec((DD, KK), lambda g: (0, 0)),
        ],
        out_specs=[
            pl.BlockSpec((1, 1, ROWS), lambda g: (g, 0, 0)),
            pl.BlockSpec((1, 1, 1), lambda g: (g, 0, 0), memory_space=pltpu.SMEM),
        ],
        out_shape=[
            jax.ShapeDtypeStruct((grid, 1, ROWS), jnp.int32),
            jax.ShapeDtypeStruct((grid, 1, 1), jnp.float32),
        ],
    )(sz2, se2, zf, et2)
    return idx3.reshape(bt), lsum


def _sc_gather(table, idx):
    bt = idx.shape[0]
    info = plsc.get_sparse_core_info()
    nw = info.num_cores * info.num_subcores
    b_per_w = bt // nw
    chunk = 128
    nchunk = b_per_w // chunk
    mesh = plsc.VectorSubcoreMesh(core_axis_name="c", subcore_axis_name="s")

    @functools.partial(
        pl.kernel,
        mesh=mesh,
        compiler_params=pltpu.CompilerParams(use_tc_tiling_on_sc=False),
        out_type=jax.ShapeDtypeStruct((bt, DD), jnp.float32),
        scratch_types=[
            pltpu.VMEM((b_per_w,), jnp.int32),
            pltpu.VMEM((b_per_w, DD), jnp.float32),
            pltpu.SemaphoreType.DMA,
        ],
    )
    def gather_kernel(table_hbm, idx_hbm, out_hbm, idx_v, rows_v, sem):
        wid = lax.axis_index("s") * info.num_cores + lax.axis_index("c")
        base = wid * b_per_w
        pltpu.sync_copy(idx_hbm.at[pl.ds(base, b_per_w)], idx_v)
        copies = []
        for j in range(nchunk):
            copies.append(pltpu.async_copy(
                table_hbm.at[idx_v.at[pl.ds(j * chunk, chunk)]],
                rows_v.at[pl.ds(j * chunk, chunk)], sem))
        for c in copies:
            c.wait()
        pltpu.sync_copy(rows_v, out_hbm.at[pl.ds(base, b_per_w)])

    return gather_kernel(table, idx)


def kernel(z, embeddings):
    b, t, d = z.shape
    bt = b * t
    s_z = (z ** 2).sum(axis=-1, keepdims=True)
    s_e = (embeddings ** 2).sum(axis=-1)
    zf = z.reshape(bt, d)
    zb = zf.astype(jnp.bfloat16)
    et2 = (-2.0 * embeddings.T).astype(jnp.bfloat16)

    closest_flat, lsum = _tc_argmin(
        s_z.reshape(bt, 1), s_e.reshape(1, KK), zb, et2)
    tbl = embeddings.astype(jnp.bfloat16).astype(jnp.float32)
    quantized_flat = _sc_gather(tbl, closest_flat)

    loss = (1.0 + BETA) * (jnp.sum(lsum) / (bt * d))

    quantized_st = (zf + (quantized_flat - zf)).reshape(b, t, d)
    closest = closest_flat.reshape(b, t)
    return quantized_st, loss, closest

# --- scband reference (transcript-rebuilt; emitter-appended) ---
"""Pipeline reference for scband-quantizer-4346506903676 (READ-ONLY COPY).

The authoritative reference and input builder live on the scoring server;
editing this copy changes nothing except your own understanding.
"""

import jax, jax.numpy as jnp
import numpy as np

K = 8192
D = 32
B = 16
T = 1024
BETA = 0.25


def setup_inputs(seed: int = 0) -> dict:
    key = jax.random.key(seed)
    k1, k2 = jax.random.split(key)
    z = jax.random.normal(k1, (B, T, D), dtype=jnp.float32)
    # nn.Embedding weight initialized uniform(-1/K, 1/K); codebook laid out [K, D]
    embeddings = jax.random.uniform(k2, (K, D), dtype=jnp.float32, minval=-1.0 / K, maxval=1.0 / K)
    return {"z": z, "embeddings": embeddings}


def reference(z, embeddings):
    # squared L2 distance: ||z||^2 + ||e||^2 - 2 z e^T
    distances = (z ** 2).sum(axis=-1, keepdims=True) + (embeddings ** 2).sum(axis=-1) - 2.0 * (z @ embeddings.T)
    closest = jnp.argmin(distances, axis=-1)  # [B, T] int
    one_hot_encodings = jax.nn.one_hot(closest, K, dtype=z.dtype)  # [B, T, K]
    quantized = one_hot_encodings @ embeddings  # [B, T, D] (equivalent to embeddings[closest])
    # VQ-VAE losses
    commitment_loss = BETA * jnp.mean((jax.lax.stop_gradient(quantized) - z) ** 2)
    codebook_loss = jnp.mean((quantized - jax.lax.stop_gradient(z)) ** 2)
    loss = commitment_loss + codebook_loss
    # straight-through estimator
    quantized_st = z + jax.lax.stop_gradient(quantized - z)
    return quantized_st, loss, closest

if __name__ == "__main__":
    import jax
    _d = setup_inputs()
    print(jax.jit(kernel)(*tuple(_d.values())))

</pallas_src>

<mosaic_0001>
#map = affine_map<(d0, d1) -> (0, 0)>
#map1 = affine_map<(d0, d1) -> (0)>
module attributes {stable_mosaic.version = 14 : i64} {
  func.func @gather_kernel(%arg0: i32, %arg1: i32, %arg2: memref<8192x32xf32, #tpu.memory_space<hbm>>, %arg3: memref<16384xi32, #tpu.memory_space<hbm>>, %arg4: memref<16384x32xf32, #tpu.memory_space<hbm>>, %arg5: memref<512xi32, #tpu.memory_space<vmem>>, %arg6: memref<512x32xf32, #tpu.memory_space<vmem>>, %arg7: memref<!tpu.dma_semaphore, #tpu.memory_space<semaphore_mem>>) attributes {dimension_semantics = [#tpu.dimension_semantics<core_parallel>, #tpu.dimension_semantics<subcore_parallel>], iteration_bounds = array<i64: 2, 16>, scalar_prefetch = 0 : i64, scratch_operands = 3 : i64, tpu.core_type = #tpu.core_type<sc_vector_subcore>, window_params = [{transform_indices = #map}, {transform_indices = #map1}, {transform_indices = #map}]} {
    %mul3A = arith.constant 2 : i32
    %mul3A_0 = arith.muli %arg1, %mul3A : i32
    %add3A = arith.addi %mul3A_0, %arg0 : i32
    %mul3A_1 = arith.constant 512 : i32
    %mul3A_2 = arith.muli %add3A, %mul3A_1 : i32
    "tpu.region"() ({
      %run_scoped3A = tpu.sem_alloc : memref<!tpu.dma_semaphore, #tpu.memory_space<semaphore_mem>>
      %dma_start3A_65 = tpu.memref_slice %arg3[%mul3A_2] : memref<16384xi32, #tpu.memory_space<hbm>> -> memref<512xi32, #tpu.memory_space<hbm>>
      %dma_start3A_66 = tpu.memref_slice %arg3[%mul3A_2] : memref<16384xi32, #tpu.memory_space<hbm>> -> memref<512xi32, #tpu.memory_space<hbm>>
      tpu.enqueue_dma source(%dma_start3A_66 : memref<512xi32, #tpu.memory_space<hbm>>) target(%arg5 : memref<512xi32, #tpu.memory_space<vmem>>) target_semaphore(%run_scoped3A : memref<!tpu.dma_semaphore, #tpu.memory_space<semaphore_mem>>)
      %dma_wait3A_67 = tpu.memref_slice %arg3[%mul3A_2] : memref<16384xi32, #tpu.memory_space<hbm>> -> memref<512xi32, #tpu.memory_space<hbm>>
      %dma_wait3A_68 = tpu.memref_slice %arg3[%mul3A_2] : memref<16384xi32, #tpu.memory_space<hbm>> -> memref<512xi32, #tpu.memory_space<hbm>>
      tpu.wait_dma2 semaphore(%run_scoped3A : memref<!tpu.dma_semaphore, #tpu.memory_space<semaphore_mem>>) src(%dma_wait3A_68 : memref<512xi32, #tpu.memory_space<hbm>>) dst(%arg5 : memref<512xi32, #tpu.memory_space<vmem>>)
      tpu.yield
    }) : () -> ()
    %dma_start3A = arith.constant 0 : i32
    %dma_start3A_3 = arith.constant 0 : i32
    %dma_start3A_4 = tpu.memref_slice %arg6[%dma_start3A, %dma_start3A_3] : memref<512x32xf32, #tpu.memory_space<vmem>> -> memref<128x32xf32, #tpu.memory_space<vmem>>
    %dma_start3A_5 = arith.constant 0 : i32
    %dma_start3A_6 = tpu.memref_slice %arg5[%dma_start3A_5] : memref<512xi32, #tpu.memory_space<vmem>> -> memref<128xi32, #tpu.memory_space<vmem>>
    %dma_start3A_7 = arith.constant 0 : i32
    %dma_start3A_8 = arith.constant 0 : i32
    %dma_start3A_9 = tpu.memref_slice %arg2[%dma_start3A_7, %dma_start3A_8] : memref<8192x32xf32, #tpu.memory_space<hbm>> -> memref<8192x32xf32, #tpu.memory_space<hbm>>
    tpu.enqueue_indirect_dma source(%dma_start3A_9 : memref<8192x32xf32, #tpu.memory_space<hbm>>) target(%dma_start3A_4 : memref<128x32xf32, #tpu.memory_space<vmem>>) offsets(%dma_start3A_6 : memref<128xi32, #tpu.memory_space<vmem>>) semaphore(%arg7 : memref<!tpu.dma_semaphore, #tpu.memory_space<semaphore_mem>>)
    %dma_start3A_10 = arith.constant 128 : i32
    %dma_start3A_11 = arith.constant 0 : i32
    %dma_start3A_12 = tpu.memref_slice %arg6[%dma_start3A_10, %dma_start3A_11] : memref<512x32xf32, #tpu.memory_space<vmem>> -> memref<128x32xf32, #tpu.memory_space<vmem>>
    %dma_start3A_13 = arith.constant 128 : i32
    %dma_start3A_14 = tpu.memref_slice %arg5[%dma_start3A_13] : memref<512xi32, #tpu.memory_space<vmem>> -> memref<128xi32, #tpu.memory_space<vmem>>
    %dma_start3A_15 = arith.constant 0 : i32
    %dma_start3A_16 = arith.constant 0 : i32
    %dma_start3A_17 = tpu.memref_slice %arg2[%dma_start3A_15, %dma_start3A_16] : memref<8192x32xf32, #tpu.memory_space<hbm>> -> memref<8192x32xf32, #tpu.memory_space<hbm>>
    tpu.enqueue_indirect_dma source(%dma_start3A_17 : memref<8192x32xf32, #tpu.memory_space<hbm>>) target(%dma_start3A_12 : memref<128x32xf32, #tpu.memory_space<vmem>>) offsets(%dma_start3A_14 : memref<128xi32, #tpu.memory_space<vmem>>) semaphore(%arg7 : memref<!tpu.dma_semaphore, #tpu.memory_space<semaphore_mem>>)
    %dma_start3A_18 = arith.constant 256 : i32
    %dma_start3A_19 = arith.constant 0 : i32
    %dma_start3A_20 = tpu.memref_slice %arg6[%dma_start3A_18, %dma_start3A_19] : memref<512x32xf32, #tpu.memory_space<vmem>> -> memref<128x32xf32, #tpu.memory_space<vmem>>
    %dma_start3A_21 = arith.constant 256 : i32
    %dma_start3A_22 = tpu.memref_slice %arg5[%dma_start3A_21] : memref<512xi32, #tpu.memory_space<vmem>> -> memref<128xi32, #tpu.memory_space<vmem>>
    %dma_start3A_23 = arith.constant 0 : i32
    %dma_start3A_24 = arith.constant 0 : i32
    %dma_start3A_25 = tpu.memref_slice %arg2[%dma_start3A_23, %dma_start3A_24] : memref<8192x32xf32, #tpu.memory_space<hbm>> -> memref<8192x32xf32, #tpu.memory_space<hbm>>
    tpu.enqueue_indirect_dma source(%dma_start3A_25 : memref<8192x32xf32, #tpu.memory_space<hbm>>) target(%dma_start3A_20 : memref<128x32xf32, #tpu.memory_space<vmem>>) offsets(%dma_start3A_22 : memref<128xi32, #tpu.memory_space<vmem>>) semaphore(%arg7 : memref<!tpu.dma_semaphore, #tpu.memory_space<semaphore_mem>>)
    %dma_start3A_26 = arith.constant 384 : i32
    %dma_start3A_27 = arith.constant 0 : i32
    %dma_start3A_28 = tpu.memref_slice %arg6[%dma_start3A_26, %dma_start3A_27] : memref<512x32xf32, #tpu.memory_space<vmem>> -> memref<128x32xf32, #tpu.memory_space<vmem>>
    %dma_start3A_29 = arith.constant 384 : i32
    %dma_start3A_30 = tpu.memref_slice %arg5[%dma_start3A_29] : memref<512xi32, #tpu.memory_space<vmem>> -> memref<128xi32, #tpu.memory_space<vmem>>
    %dma_start3A_31 = arith.constant 0 : i32
    %dma_start3A_32 = arith.constant 0 : i32
    %dma_start3A_33 = tpu.memref_slice %arg2[%dma_start3A_31, %dma_start3A_32] : memref<8192x32xf32, #tpu.memory_space<hbm>> -> memref<8192x32xf32, #tpu.memory_space<hbm>>
    tpu.enqueue_indirect_dma source(%dma_start3A_33 : memref<8192x32xf32, #tpu.memory_space<hbm>>) target(%dma_start3A_28 : memref<128x32xf32, #tpu.memory_space<vmem>>) offsets(%dma_start3A_30 : memref<128xi32, #tpu.memory_space<vmem>>) semaphore(%arg7 : memref<!tpu.dma_semaphore, #tpu.memory_space<semaphore_mem>>)
    %dma_wait3A = arith.constant 0 : i32
    %dma_wait3A_34 = arith.constant 0 : i32
    %dma_wait3A_35 = tpu.memref_slice %arg6[%dma_wait3A, %dma_wait3A_34] : memref<512x32xf32, #tpu.memory_space<vmem>> -> memref<128x32xf32, #tpu.memory_space<vmem>>
    %dma_wait3A_36 = arith.constant 0 : i32
    %dma_wait3A_37 = tpu.memref_slice %arg5[%dma_wait3A_36] : memref<512xi32, #tpu.memory_space<vmem>> -> memref<128xi32, #tpu.memory_space<vmem>>
    %dma_wait3A_38 = arith.constant 0 : i32
    %dma_wait3A_39 = arith.constant 0 : i32
    %dma_wait3A_40 = tpu.memref_slice %arg2[%dma_wait3A_38, %dma_wait3A_39] : memref<8192x32xf32, #tpu.memory_space<hbm>> -> memref<8192x32xf32, #tpu.memory_space<hbm>>
    tpu.wait_indirect_dma semaphore(%arg7 : memref<!tpu.dma_semaphore, #tpu.memory_space<semaphore_mem>>) src(%dma_wait3A_40 : memref<8192x32xf32, #tpu.memory_space<hbm>>) dst(%dma_wait3A_35 : memref<128x32xf32, #tpu.memory_space<vmem>>)
    %dma_wait3A_41 = arith.constant 128 : i32
    %dma_wait3A_42 = arith.constant 0 : i32
    %dma_wait3A_43 = tpu.memref_slice %arg6[%dma_wait3A_41, %dma_wait3A_42] : memref<512x32xf32, #tpu.memory_space<vmem>> -> memref<128x32xf32, #tpu.memory_space<vmem>>
    %dma_wait3A_44 = arith.constant 128 : i32
    %dma_wait3A_45 = tpu.memref_slice %arg5[%dma_wait3A_44] : memref<512xi32, #tpu.memory_space<vmem>> -> memref<128xi32, #tpu.memory_space<vmem>>
    %dma_wait3A_46 = arith.constant 0 : i32
    %dma_wait3A_47 = arith.constant 0 : i32
    %dma_wait3A_48 = tpu.memref_slice %arg2[%dma_wait3A_46, %dma_wait3A_47] : memref<8192x32xf32, #tpu.memory_space<hbm>> -> memref<8192x32xf32, #tpu.memory_space<hbm>>
    tpu.wait_indirect_dma semaphore(%arg7 : memref<!tpu.dma_semaphore, #tpu.memory_space<semaphore_mem>>) src(%dma_wait3A_48 : memref<8192x32xf32, #tpu.memory_space<hbm>>) dst(%dma_wait3A_43 : memref<128x32xf32, #tpu.memory_space<vmem>>)
    %dma_wait3A_49 = arith.constant 256 : i32
    %dma_wait3A_50 = arith.constant 0 : i32
    %dma_wait3A_51 = tpu.memref_slice %arg6[%dma_wait3A_49, %dma_wait3A_50] : memref<512x32xf32, #tpu.memory_space<vmem>> -> memref<128x32xf32, #tpu.memory_space<vmem>>
    %dma_wait3A_52 = arith.constant 256 : i32
    %dma_wait3A_53 = tpu.memref_slice %arg5[%dma_wait3A_52] : memref<512xi32, #tpu.memory_space<vmem>> -> memref<128xi32, #tpu.memory_space<vmem>>
    %dma_wait3A_54 = arith.constant 0 : i32
    %dma_wait3A_55 = arith.constant 0 : i32
    %dma_wait3A_56 = tpu.memref_slice %arg2[%dma_wait3A_54, %dma_wait3A_55] : memref<8192x32xf32, #tpu.memory_space<hbm>> -> memref<8192x32xf32, #tpu.memory_space<hbm>>
    tpu.wait_indirect_dma semaphore(%arg7 : memref<!tpu.dma_semaphore, #tpu.memory_space<semaphore_mem>>) src(%dma_wait3A_56 : memref<8192x32xf32, #tpu.memory_space<hbm>>) dst(%dma_wait3A_51 : memref<128x32xf32, #tpu.memory_space<vmem>>)
    %dma_wait3A_57 = arith.constant 384 : i32
    %dma_wait3A_58 = arith.constant 0 : i32
    %dma_wait3A_59 = tpu.memref_slice %arg6[%dma_wait3A_57, %dma_wait3A_58] : memref<512x32xf32, #tpu.memory_space<vmem>> -> memref<128x32xf32, #tpu.memory_space<vmem>>
    %dma_wait3A_60 = arith.constant 384 : i32
    %dma_wait3A_61 = tpu.memref_slice %arg5[%dma_wait3A_60] : memref<512xi32, #tpu.memory_space<vmem>> -> memref<128xi32, #tpu.memory_space<vmem>>
    %dma_wait3A_62 = arith.constant 0 : i32
    %dma_wait3A_63 = arith.constant 0 : i32
    %dma_wait3A_64 = tpu.memref_slice %arg2[%dma_wait3A_62, %dma_wait3A_63] : memref<8192x32xf32, #tpu.memory_space<hbm>> -> memref<8192x32xf32, #tpu.memory_space<hbm>>
    tpu.wait_indirect_dma semaphore(%arg7 : memref<!tpu.dma_semaphore, #tpu.memory_space<semaphore_mem>>) src(%dma_wait3A_64 : memref<8192x32xf32, #tpu.memory_space<hbm>>) dst(%dma_wait3A_59 : memref<128x32xf32, #tpu.memory_space<vmem>>)
    "tpu.region"() ({
      %run_scoped3A = tpu.sem_alloc : memref<!tpu.dma_semaphore, #tpu.memory_space<semaphore_mem>>
      %dma_start3A_65 = arith.constant 0 : i32
      %dma_start3A_66 = tpu.memref_slice %arg4[%mul3A_2, %dma_start3A_65] : memref<16384x32xf32, #tpu.memory_space<hbm>> -> memref<512x32xf32, #tpu.memory_space<hbm>>
      %dma_start3A_67 = arith.constant 0 : i32
      %dma_start3A_68 = tpu.memref_slice %arg4[%mul3A_2, %dma_start3A_67] : memref<16384x32xf32, #tpu.memory_space<hbm>> -> memref<512x32xf32, #tpu.memory_space<hbm>>
      tpu.enqueue_dma source(%arg6 : memref<512x32xf32, #tpu.memory_space<vmem>>) target(%dma_start3A_68 : memref<512x32xf32, #tpu.memory_space<hbm>>) target_semaphore(%run_scoped3A : memref<!tpu.dma_semaphore, #tpu.memory_space<semaphore_mem>>)
      %dma_wait3A_69 = arith.constant 0 : i32
      %dma_wait3A_70 = tpu.memref_slice %arg4[%mul3A_2, %dma_wait3A_69] : memref<16384x32xf32, #tpu.memory_space<hbm>> -> memref<512x32xf32, #tpu.memory_space<hbm>>
      %dma_wait3A_71 = arith.constant 0 : i32
      %dma_wait3A_72 = tpu.memref_slice %arg4[%mul3A_2, %dma_wait3A_71] : memref<16384x32xf32, #tpu.memory_space<hbm>> -> memref<512x32xf32, #tpu.memory_space<hbm>>
      tpu.wait_dma2 semaphore(%run_scoped3A : memref<!tpu.dma_semaphore, #tpu.memory_space<semaphore_mem>>) src(%arg6 : memref<512x32xf32, #tpu.memory_space<vmem>>) dst(%dma_wait3A_72 : memref<512x32xf32, #tpu.memory_space<hbm>>)
      tpu.yield
    }) : () -> ()
    return
  }
}

module attributes {stable_mosaic.version = 14 : i64} {
  func.func @_argmin_body(%arg0: i32, %arg1: memref<256x1xf32, #tpu.memory_space<vmem>>, %arg2: memref<1x8192xf32, #tpu.memory_space<vmem>>, %arg3: memref<256x32xbf16, #tpu.memory_space<vmem>>, %arg4: memref<32x8192xbf16, #tpu.memory_space<vmem>>, %arg5: memref<1x1x256xi32, #tpu.memory_space<vmem>>, %arg6: memref<1x1x1xf32, #tpu.memory_space<smem>>) attributes {dimension_semantics = [#tpu.dimension_semantics<arbitrary>], iteration_bounds = array<i64: 64>, scalar_prefetch = 0 : i64, scratch_operands = 0 : i64, tpu.core_type = #tpu.core_type<tc>, window_params = [{transform_indices = @transform_0, window_bounds = array<i64: 256, 1>}, {pipeline_mode = #tpu.pipeline_mode<synchronous>, transform_indices = @transform_1, window_bounds = array<i64: 1, 8192>}, {transform_indices = @transform_2, window_bounds = array<i64: 256, 32>}, {pipeline_mode = #tpu.pipeline_mode<synchronous>, transform_indices = @transform_3, window_bounds = array<i64: 32, 8192>}, {transform_indices = @transform_4, window_bounds = array<i64: 1, 1, 256>}, {transform_indices = @transform_5, window_bounds = array<i64: 1, 1, 1>}]} {
    %get3A = arith.constant 0 : index
    %get3A_0 = arith.constant 0 : index
    %get3A_1 = vector.load %arg3[%get3A, %get3A_0] : memref<256x32xbf16, #tpu.memory_space<vmem>>, vector<256x32xbf16>
    %get3A_2 = arith.constant 0 : index
    %get3A_3 = arith.constant 0 : index
    %get3A_4 = vector.load %arg4[%get3A_2, %get3A_3] : memref<32x8192xbf16, #tpu.memory_space<vmem>>, vector<32x8192xbf16>
    %dot_general3A = arith.constant dense<0.000000e+00> : vector<256x8192xf32>
    %dot_general3A_5 = tpu.matmul %get3A_1, %get3A_4, %dot_general3A {dimension_numbers = #tpu.dot_dimension_numbers<[1], [0], [0], [1], [0, 0, 1, 1], [], []>, transpose_lhs_hint = false} : vector<256x32xbf16>, vector<32x8192xbf16>, vector<256x8192xf32> -> vector<256x8192xf32>
    %get3A_6 = arith.constant 0 : index
    %get3A_7 = arith.constant 0 : index
    %get3A_8 = vector.load %arg1[%get3A_6, %get3A_7] : memref<256x1xf32, #tpu.memory_space<vmem>>, vector<256x1xf32>
    %get3A_9 = arith.constant 0 : index
    %get3A_10 = arith.constant 0 : index
    %get3A_11 = vector.load %arg2[%get3A_9, %get3A_10] : memref<1x8192xf32, #tpu.memory_space<vmem>>, vector<1x8192xf32>
    %iota3A = tpu.iota {dimensions = array<i32: 1>} : vector<64x128xi32>
    %convert_element_type3A = arith.sitofp %iota3A : vector<64x128xi32> to vector<64x128xf32>
    %slice3A = vector.extract_strided_slice %get3A_8 {offsets = [0, 0], sizes = [64, 1], strides = [1, 1]} : vector<256x1xf32> to vector<64x1xf32>
    %slice3A_12 = vector.extract_strided_slice %get3A_11 {offsets = [0, 0], sizes = [1, 128], strides = [1, 1]} : vector<1x8192xf32> to vector<1x128xf32>
    %add3A = vector.broadcast %slice3A : vector<64x1xf32> to vector<64x128xf32>
    %add3A_13 = vector.broadcast %slice3A_12 : vector<1x128xf32> to vector<64x128xf32>
    %add3A_14 = arith.addf %add3A, %add3A_13 : vector<64x128xf32>
    %slice3A_15 = vector.extract_strided_slice %dot_general3A_5 {offsets = [0, 0], sizes = [64, 128], strides = [1, 1]} : vector<256x8192xf32> to vector<64x128xf32>
    %add3A_16 = arith.addf %add3A_14, %slice3A_15 : vector<64x128xf32>
    %broadcast_in_dim3A = arith.constant 0 : i32
    %broadcast_in_dim3A_17 = vector.broadcast %broadcast_in_dim3A : i32 to vector<64x128xi32>
    %slice3A_18 = vector.extract_strided_slice %get3A_11 {offsets = [0, 128], sizes = [1, 128], strides = [1, 1]} : vector<1x8192xf32> to vector<1x128xf32>
    %add3A_19 = vector.broadcast %slice3A : vector<64x1xf32> to vector<64x128xf32>
    %add3A_20 = vector.broadcast %slice3A_18 : vector<1x128xf32> to vector<64x128xf32>
    %add3A_21 = arith.addf %add3A_19, %add3A_20 : vector<64x128xf32>
    %slice3A_22 = vector.extract_strided_slice %dot_general3A_5 {offsets = [0, 128], sizes = [64, 128], strides = [1, 1]} : vector<256x8192xf32> to vector<64x128xf32>
    %add3A_23 = arith.addf %add3A_21, %slice3A_22 : vector<64x128xf32>
    %lt3A = arith.cmpf olt, %add3A_23, %add3A_16 : vector<64x128xf32>
    %select_n3A = arith.select %lt3A, %add3A_23, %add3A_16 : vector<64x128xi1>, vector<64x128xf32>
    %jit3A = arith.constant 1 : i32
    %broadcast_in_dim3A_24 = vector.broadcast %jit3A : i32 to vector<64x128xi32>
    %select_n3A_25 = arith.select %lt3A, %broadcast_in_dim3A_24, %broadcast_in_dim3A_17 : vector<64x128xi1>, vector<64x128xi32>
    %slice3A_26 = vector.extract_strided_slice %get3A_11 {offsets = [0, 256], sizes = [1, 128], strides = [1, 1]} : vector<1x8192xf32> to vector<1x128xf32>
    %add3A_27 = vector.broadcast %slice3A : vector<64x1xf32> to vector<64x128xf32>
    %add3A_28 = vector.broadcast %slice3A_26 : vector<1x128xf32> to vector<64x128xf32>
    %add3A_29 = arith.addf %add3A_27, %add3A_28 : vector<64x128xf32>
    %slice3A_30 = vector.extract_strided_slice %dot_general3A_5 {offsets = [0, 256], sizes = [64, 128], strides = [1, 1]} : vector<256x8192xf32> to vector<64x128xf32>
    %add3A_31 = arith.addf %add3A_29, %slice3A_30 : vector<64x128xf32>
    %lt3A_32 = arith.cmpf olt, %add3A_31, %select_n3A : vector<64x128xf32>
    %select_n3A_33 = arith.select %lt3A_32, %add3A_31, %select_n3A : vector<64x128xi1>, vector<64x128xf32>
    %jit3A_34 = arith.constant 2 : i32
    %broadcast_in_dim3A_35 = vector.broadcast %jit3A_34 : i32 to vector<64x128xi32>
    %select_n3A_36 = arith.select %lt3A_32, %broadcast_in_dim3A_35, %select_n3A_25 : vector<64x128xi1>, vector<64x128xi32>
    %slice3A_37 = vector.extract_strided_slice %get3A_11 {offsets = [0, 384], sizes = [1, 128], strides = [1, 1]} : vector<1x8192xf32> to vector<1x128xf32>
    %add3A_38 = vector.broadcast %slice3A : vector<64x1xf32> to vector<64x128xf32>
    %add3A_39 = vector.broadcast %slice3A_37 : vector<1x128xf32> to vector<64x128xf32>
    %add3A_40 = arith.addf %add3A_38, %add3A_39 : vector<64x128xf32>
    %slice3A_41 = vector.extract_strided_slice %dot_general3A_5 {offsets = [0, 384], sizes = [64, 128], strides = [1, 1]} : vector<256x8192xf32> to vector<64x128xf32>
    %add3A_42 = arith.addf %add3A_40, %slice3A_41 : vector<64x128xf32>
    %lt3A_43 = arith.cmpf olt, %add3A_42, %select_n3A_33 : vector<64x128xf32>
    %select_n3A_44 = arith.select %lt3A_43, %add3A_42, %select_n3A_33 : vector<64x128xi1>, vector<64x128xf32>
    %jit3A_45 = arith.constant 3 : i32
    %broadcast_in_dim3A_46 = vector.broadcast %jit3A_45 : i32 to vector<64x128xi32>
    %select_n3A_47 = arith.select %lt3A_43, %broadcast_in_dim3A_46, %select_n3A_36 : vector<64x128xi1>, vector<64x128xi32>
    %slice3A_48 = vector.extract_strided_slice %get3A_11 {offsets = [0, 512], sizes = [1, 128], strides = [1, 1]} : vector<1x8192xf32> to vector<1x128xf32>
    %add3A_49 = vector.broadcast %slice3A : vector<64x1xf32> to vector<64x128xf32>
    %add3A_50 = vector.broadcast %slice3A_48 : vector<1x128xf32> to vector<64x128xf32>
    %add3A_51 = arith.addf %add3A_49, %add3A_50 : vector<64x128xf32>
    %slice3A_52 = vector.extract_strided_slice %dot_general3A_5 {offsets = [0, 512], sizes = [64, 128], strides = [1, 1]} : vector<256x8192xf32> to vector<64x128xf32>
    %add3A_53 = arith.addf %add3A_51, %slice3A_52 : vector<64x128xf32>
    %lt3A_54 = arith.cmpf olt, %add3A_53, %select_n3A_44 : vector<64x128xf32>
    %select_n3A_55 = arith.select %lt3A_54, %add3A_53, %select_n3A_44 : vector<64x128xi1>, vector<64x128xf32>
    %jit3A_56 = arith.constant 4 : i32
    %broadcast_in_dim3A_57 = vector.broadcast %jit3A_56 : i32 to vector<64x128xi32>
    %select_n3A_58 = arith.select %lt3A_54, %broadcast_in_dim3A_57, %select_n3A_47 : vector<64x128xi1>, vector<64x128xi32>
    %slice3A_59 = vector.extract_strided_slice %get3A_11 {offsets = [0, 640], sizes = [1, 128], strides = [1, 1]} : vector<1x8192xf32> to vector<1x128xf32>
    %add3A_60 = vector.broadcast %slice3A : vector<64x1xf32> to vector<64x128xf32>
    %add3A_61 = vector.broadcast %slice3A_59 : vector<1x128xf32> to vector<64x128xf32>
    %add3A_62 = arith.addf %add3A_60, %add3A_61 : vector<64x128xf32>
    %slice3A_63 = vector.extract_strided_slice %dot_general3A_5 {offsets = [0, 640], sizes = [64, 128], strides = [1, 1]} : vector<256x8192xf32> to vector<64x128xf32>
    %add3A_64 = arith.addf %add3A_62, %slice3A_63 : vector<64x128xf32>
    %lt3A_65 = arith.cmpf olt, %add3A_64, %select_n3A_55 : vector<64x128xf32>
    %select_n3A_66 = arith.select %lt3A_65, %add3A_64, %select_n3A_55 : vector<64x128xi1>, vector<64x128xf32>
    %jit3A_67 = arith.constant 5 : i32
    %broadcast_in_dim3A_68 = vector.broadcast %jit3A_67 : i32 to vector<64x128xi32>
    %select_n3A_69 = arith.select %lt3A_65, %broadcast_in_dim3A_68, %select_n3A_58 : vector<64x128xi1>, vector<64x128xi32>
    %slice3A_70 = vector.extract_strided_slice %get3A_11 {offsets = [0, 768], sizes = [1, 128], strides = [1, 1]} : vector<1x8192xf32> to vector<1x128xf32>
    %add3A_71 = vector.broadcast %slice3A : vector<64x1xf32> to vector<64x128xf32>
    %add3A_72 = vector.broadcast %slice3A_70 : vector<1x128xf32> to vector<64x128xf32>
    %add3A_73 = arith.addf %add3A_71, %add3A_72 : vector<64x128xf32>
    %slice3A_74 = vector.extract_strided_slice %dot_general3A_5 {offsets = [0, 768], sizes = [64, 128], strides = [1, 1]} : vector<256x8192xf32> to vector<64x128xf32>
    %add3A_75 = arith.addf %add3A_73, %slice3A_74 : vector<64x128xf32>
    %lt3A_76 = arith.cmpf olt, %add3A_75, %select_n3A_66 : vector<64x128xf32>
    %select_n3A_77 = arith.select %lt3A_76, %add3A_75, %select_n3A_66 : vector<64x128xi1>, vector<64x128xf32>
    %jit3A_78 = arith.constant 6 : i32
    %broadcast_in_dim3A_79 = vector.broadcast %jit3A_78 : i32 to vector<64x128xi32>
    %select_n3A_80 = arith.select %lt3A_76, %broadcast_in_dim3A_79, %select_n3A_69 : vector<64x128xi1>, vector<64x128xi32>
    %slice3A_81 = vector.extract_strided_slice %get3A_11 {offsets = [0, 896], sizes = [1, 128], strides = [1, 1]} : vector<1x8192xf32> to vector<1x128xf32>
    %add3A_82 = vector.broadcast %slice3A : vector<64x1xf32> to vector<64x128xf32>
    %add3A_83 = vector.broadcast %slice3A_81 : vector<1x128xf32> to vector<64x128xf32>
    %add3A_84 = arith.addf %add3A_82, %add3A_83 : vector<64x128xf32>
    %slice3A_85 = vector.extract_strided_slice %dot_general3A_5 {offsets = [0, 896], sizes = [64, 128], strides = [1, 1]} : vector<256x8192xf32> to vector<64x128xf32>
    %add3A_86 = arith.addf %add3A_84, %slice3A_85 : vector<64x128xf32>
    %lt3A_87 = arith.cmpf olt, %add3A_86, %select_n3A_77 : vector<64x128xf32>
    %select_n3A_88 = arith.select %lt3A_87, %add3A_86, %select_n3A_77 : vector<64x128xi1>, vector<64x128xf32>
    %jit3A_89 = arith.constant 7 : i32
    %broadcast_in_dim3A_90 = vector.broadcast %jit3A_89 : i32 to vector<64x128xi32>
    %select_n3A_91 = arith.select %lt3A_87, %broadcast_in_dim3A_90, %select_n3A_80 : vector<64x128xi1>, vector<64x128xi32>
    %slice3A_92 = vector.extract_strided_slice %get3A_11 {offsets = [0, 1024], sizes = [1, 128], strides = [1, 1]} : vector<1x8192xf32> to vector<1x128xf32>
    %add3A_93 = vector.broadcast %slice3A : vector<64x1xf32> to vector<64x128xf32>
    %add3A_94 = vector.broadcast %slice3A_92 : vector<1x128xf32> to vector<64x128xf32>
    %add3A_95 = arith.addf %add3A_93, %add3A_94 : vector<64x128xf32>
    %slice3A_96 = vector.extract_strided_slice %dot_general3A_5 {offsets = [0, 1024], sizes = [64, 128], strides = [1, 1]} : vector<256x8192xf32> to vector<64x128xf32>
    %add3A_97 = arith.addf %add3A_95, %slice3A_96 : vector<64x128xf32>
    %lt3A_98 = arith.cmpf olt, %add3A_97, %select_n3A_88 : vector<64x128xf32>
    %select_n3A_99 = arith.select %lt3A_98, %add3A_97, %select_n3A_88 : vector<64x128xi1>, vector<64x128xf32>
    %jit3A_100 = arith.constant 8 : i32
    %broadcast_in_dim3A_101 = vector.broadcast %jit3A_100 : i32 to vector<64x128xi32>
    %select_n3A_102 = arith.select %lt3A_98, %broadcast_in_dim3A_101, %select_n3A_91 : vector<64x128xi1>, vector<64x128xi32>
    %slice3A_103 = vector.extract_strided_slice %get3A_11 {offsets = [0, 1152], sizes = [1, 128], strides = [1, 1]} : vector<1x8192xf32> to vector<1x128xf32>
    %add3A_104 = vector.broadcast %slice3A : vector<64x1xf32> to vector<64x128xf32>
    %add3A_105 = vector.broadcast %slice3A_103 : vector<1x128xf32> to vector<64x128xf32>
    %add3A_106 = arith.addf %add3A_104, %add3A_105 : vector<64x128xf32>
    %slice3A_107 = vector.extract_strided_slice %dot_general3A_5 {offsets = [0, 1152], sizes = [64, 128], strides = [1, 1]} : vector<256x8192xf32> to vector<64x128xf32>
    %add3A_108 = arith.addf %add3A_106, %slice3A_107 : vector<64x128xf32>
    %lt3A_109 = arith.cmpf olt, %add3A_108, %select_n3A_99 : vector<64x128xf32>
    %select_n3A_110 = arith.select %lt3A_109, %add3A_108, %select_n3A_99 : vector<64x128xi1>, vector<64x128xf32>
    %jit3A_111 = arith.constant 9 : i32
    %broadcast_in_dim3A_112 = vector.broadcast %jit3A_111 : i32 to vector<64x128xi32>
    %select_n3A_113 = arith.select %lt3A_109, %broadcast_in_dim3A_112, %select_n3A_102 : vector<64x128xi1>, vector<64x128xi32>
    %slice3A_114 = vector.extract_strided_slice %get3A_11 {offsets = [0, 1280], sizes = [1, 128], strides = [1, 1]} : vector<1x8192xf32> to vector<1x128xf32>
    %add3A_115 = vector.broadcast %slice3A : vector<64x1xf32> to vector<64x128xf32>
    %add3A_116 = vector.broadcast %slice3A_114 : vector<1x128xf32> to vector<64x128xf32>
    %add3A_117 = arith.addf %add3A_115, %add3A_116 : vector<64x128xf32>
    %slice3A_118 = vector.extract_strided_slice %dot_general3A_5 {offsets = [0, 1280], sizes = [64, 128], strides = [1, 1]} : vector<256x8192xf32> to vector<64x128xf32>
    %add3A_119 = arith.addf %add3A_117, %slice3A_118 : vector<64x128xf32>
    %lt3A_120 = arith.cmpf olt, %add3A_119, %select_n3A_110 : vector<64x128xf32>
    %select_n3A_121 = arith.select %lt3A_120, %add3A_119, %select_n3A_110 : vector<64x128xi1>, vector<64x128xf32>
    %jit3A_122 = arith.constant 10 : i32
    %broadcast_in_dim3A_123 = vector.broadcast %jit3A_122 : i32 to vector<64x128xi32>
    %select_n3A_124 = arith.select %lt3A_120, %broadcast_in_dim3A_123, %select_n3A_113 : vector<64x128xi1>, vector<64x128xi32>
    %slice3A_125 = vector.extract_strided_slice %get3A_11 {offsets = [0, 1408], sizes = [1, 128], strides = [1, 1]} : vector<1x8192xf32> to vector<1x128xf32>
    %add3A_126 = vector.broadcast %slice3A : vector<64x1xf32> to vector<64x128xf32>
    %add3A_127 = vector.broadcast %slice3A_125 : vector<1x128xf32> to vector<64x128xf32>
    %add3A_128 = arith.addf %add3A_126, %add3A_127 : vector<64x128xf32>
    %slice3A_129 = vector.extract_strided_slice %dot_general3A_5 {offsets = [0, 1408], sizes = [64, 128], strides = [1, 1]} : vector<256x8192xf32> to vector<64x128xf32>
    %add3A_130 = arith.addf %add3A_128, %slice3A_129 : vector<64x128xf32>
    %lt3A_131 = arith.cmpf olt, %add3A_130, %select_n3A_121 : vector<64x128xf32>
    %select_n3A_132 = arith.select %lt3A_131, %add3A_130, %select_n3A_121 : vector<64x128xi1>, vector<64x128xf32>
    %jit3A_133 = arith.constant 11 : i32
    %broadcast_in_dim3A_134 = vector.broadcast %jit3A_133 : i32 to vector<64x128xi32>
    %select_n3A_135 = arith.select %lt3A_131, %broadcast_in_dim3A_134, %select_n3A_124 : vector<64x128xi1>, vector<64x128xi32>
    %slice3A_136 = vector.extract_strided_slice %get3A_11 {offsets = [0, 1536], sizes = [1, 128], strides = [1, 1]} : vector<1x8192xf32> to vector<1x128xf32>
    %add3A_137 = vector.broadcast %slice3A : vector<64x1xf32> to vector<64x128xf32>
    %add3A_138 = vector.broadcast %slice3A_136 : vector<1x128xf32> to vector<64x128xf32>
    %add3A_139 = arith.addf %add3A_137, %add3A_138 : vector<64x128xf32>
    %slice3A_140 = vector.extract_strided_slice %dot_general3A_5 {offsets = [0, 1536], sizes = [64, 128], strides = [1, 1]} : vector<256x8192xf32> to vector<64x128xf32>
    %add3A_141 = arith.addf %add3A_139, %slice3A_140 : vector<64x128xf32>
    %lt3A_142 = arith.cmpf olt, %add3A_141, %select_n3A_132 : vector<64x128xf32>
    %select_n3A_143 = arith.select %lt3A_142, %add3A_141, %select_n3A_132 : vector<64x128xi1>, vector<64x128xf32>
    %jit3A_144 = arith.constant 12 : i32
    %broadcast_in_dim3A_145 = vector.broadcast %jit3A_144 : i32 to vector<64x128xi32>
    %select_n3A_146 = arith.select %lt3A_142, %broadcast_in_dim3A_145, %select_n3A_135 : vector<64x128xi1>, vector<64x128xi32>
    %slice3A_147 = vector.extract_strided_slice %get3A_11 {offsets = [0, 1664], sizes = [1, 128], strides = [1, 1]} : vector<1x8192xf32> to vector<1x128xf32>
    %add3A_148 = vector.broadcast %slice3A : vector<64x1xf32> to vector<64x128xf32>
    %add3A_149 = vector.broadcast %slice3A_147 : vector<1x128xf32> to vector<64x128xf32>
    %add3A_150 = arith.addf %add3A_148, %add3A_149 : vector<64x128xf32>
    %slice3A_151 = vector.extract_strided_slice %dot_general3A_5 {offsets = [0, 1664], sizes = [64, 128], strides = [1, 1]} : vector<256x8192xf32> to vector<64x128xf32>
    %add3A_152 = arith.addf %add3A_150, %slice3A_151 : vector<64x128xf32>
    %lt3A_153 = arith.cmpf olt, %add3A_152, %select_n3A_143 : vector<64x128xf32>
    %select_n3A_154 = arith.select %lt3A_153, %add3A_152, %select_n3A_143 : vector<64x128xi1>, vector<64x128xf32>
    %jit3A_155 = arith.constant 13 : i32
    %broadcast_in_dim3A_156 = vector.broadcast %jit3A_155 : i32 to vector<64x128xi32>
    %select_n3A_157 = arith.select %lt3A_153, %broadcast_in_dim3A_156, %select_n3A_146 : vector<64x128xi1>, vector<64x128xi32>
    %slice3A_158 = vector.extract_strided_slice %get3A_11 {offsets = [0, 1792], sizes = [1, 128], strides = [1, 1]} : vector<1x8192xf32> to vector<1x128xf32>
    %add3A_159 = vector.broadcast %slice3A : vector<64x1xf32> to vector<64x128xf32>
    %add3A_160 = vector.broadcast %slice3A_158 : vector<1x128xf32> to vector<64x128xf32>
    %add3A_161 = arith.addf %add3A_159, %add3A_160 : vector<64x128xf32>
    %slice3A_162 = vector.extract_strided_slice %dot_general3A_5 {offsets = [0, 1792], sizes = [64, 128], strides = [1, 1]} : vector<256x8192xf32> to vector<64x128xf32>
    %add3A_163 = arith.addf %add3A_161, %slice3A_162 : vector<64x128xf32>
    %lt3A_164 = arith.cmpf olt, %add3A_163, %select_n3A_154 : vector<64x128xf32>
    %select_n3A_165 = arith.select %lt3A_164, %add3A_163, %select_n3A_154 : vector<64x128xi1>, vector<64x128xf32>
    %jit3A_166 = arith.constant 14 : i32
    %broadcast_in_dim3A_167 = vector.broadcast %jit3A_166 : i32 to vector<64x128xi32>
    %select_n3A_168 = arith.select %lt3A_164, %broadcast_in_dim3A_167, %select_n3A_157 : vector<64x128xi1>, vector<64x128xi32>
    %slice3A_169 = vector.extract_strided_slice %get3A_11 {offsets = [0, 1920], sizes = [1, 128], strides = [1, 1]} : vector<1x8192xf32> to vector<1x128xf32>
    %add3A_170 = vector.broadcast %slice3A : vector<64x1xf32> to vector<64x128xf32>
    %add3A_171 = vector.broadcast %slice3A_169 : vector<1x128xf32> to vector<64x128xf32>
    %add3A_172 = arith.addf %add3A_170, %add3A_171 : vector<64x128xf32>
    %slice3A_173 = vector.extract_strided_slice %dot_general3A_5 {offsets = [0, 1920], sizes = [64, 128], strides = [1, 1]} : vector<256x8192xf32> to vector<64x128xf32>
    %add3A_174 = arith.addf %add3A_172, %slice3A_173 : vector<64x128xf32>
    %lt3A_175 = arith.cmpf olt, %add3A_174, %select_n3A_165 : vector<64x128xf32>
    %select_n3A_176 = arith.select %lt3A_175, %add3A_174, %select_n3A_165 : vector<64x128xi1>, vector<64x128xf32>
    %jit3A_177 = arith.constant 15 : i32
    %broadcast_in_dim3A_178 = vector.broadcast %jit3A_177 : i32 to vector<64x128xi32>
    %select_n3A_179 = arith.select %lt3A_175, %broadcast_in_dim3A_178, %select_n3A_168 : vector<64x128xi1>, vector<64x128xi32>
    %slice3A_180 = vector.extract_strided_slice %get3A_11 {offsets = [0, 2048], sizes = [1, 128], strides = [1, 1]} : vector<1x8192xf32> to vector<1x128xf32>
    %add3A_181 = vector.broadcast %slice3A : vector<64x1xf32> to vector<64x128xf32>
    %add3A_182 = vector.broadcast %slice3A_180 : vector<1x128xf32> to vector<64x128xf32>
    %add3A_183 = arith.addf %add3A_181, %add3A_182 : vector<64x128xf32>
    %slice3A_184 = vector.extract_strided_slice %dot_general3A_5 {offsets = [0, 2048], sizes = [64, 128], strides = [1, 1]} : vector<256x8192xf32> to vector<64x128xf32>
    %add3A_185 = arith.addf %add3A_183, %slice3A_184 : vector<64x128xf32>
    %lt3A_186 = arith.cmpf olt, %add3A_185, %select_n3A_176 : vector<64x128xf32>
    %select_n3A_187 = arith.select %lt3A_186, %add3A_185, %select_n3A_176 : vector<64x128xi1>, vector<64x128xf32>
    %jit3A_188 = arith.constant 16 : i32
    %broadcast_in_dim3A_189 = vector.broadcast %jit3A_188 : i32 to vector<64x128xi32>
    %select_n3A_190 = arith.select %lt3A_186, %broadcast_in_dim3A_189, %select_n3A_179 : vector<64x128xi1>, vector<64x128xi32>
    %slice3A_191 = vector.extract_strided_slice %get3A_11 {offsets = [0, 2176], sizes = [1, 128], strides = [1, 1]} : vector<1x8192xf32> to vector<1x128xf32>
    %add3A_192 = vector.broadcast %slice3A : vector<64x1xf32> to vector<64x128xf32>
    %add3A_193 = vector.broadcast %slice3A_191 : vector<1x128xf32> to vector<64x128xf32>
    %add3A_194 = arith.addf %add3A_192, %add3A_193 : vector<64x128xf32>
    %slice3A_195 = vector.extract_strided_slice %dot_general3A_5 {offsets = [0, 2176], sizes = [64, 128], strides = [1, 1]} : vector<256x8192xf32> to vector<64x128xf32>
    %add3A_196 = arith.addf %add3A_194, %slice3A_195 : vector<64x128xf32>
    %lt3A_197 = arith.cmpf olt, %add3A_196, %select_n3A_187 : vector<64x128xf32>
    %select_n3A_198 = arith.select %lt3A_197, %add3A_196, %select_n3A_187 : vector<64x128xi1>, vector<64x128xf32>
    %jit3A_199 = arith.constant 17 : i32
    %broadcast_in_dim3A_200 = vector.broadcast %jit3A_199 : i32 to vector<64x128xi32>
    %select_n3A_201 = arith.select %lt3A_197, %broadcast_in_dim3A_200, %select_n3A_190 : vector<64x128xi1>, vector<64x128xi32>
    %slice3A_202 = vector.extract_strided_slice %get3A_11 {offsets = [0, 2304], sizes = [1, 128], strides = [1, 1]} : vector<1x8192xf32> to vector<1x128xf32>
    %add3A_203 = vector.broadcast %slice3A : vector<64x1xf32> to vector<64x128xf32>
    %add3A_204 = vector.broadcast %slice3A_202 : vector<1x128xf32> to vector<64x128xf32>
    %add3A_205 = arith.addf %add3A_203, %add3A_204 : vector<64x128xf32>
    %slice3A_206 = vector.extract_strided_slice %dot_general3A_5 {offsets = [0, 2304], sizes = [64, 128], strides = [1, 1]} : vector<256x8192xf32> to vector<64x128xf32>
    %add3A_207 = arith.addf %add3A_205, %slice3A_206 : vector<64x128xf32>
    %lt3A_208 = arith.cmpf olt, %add3A_207, %select_n3A_198 : vector<64x128xf32>
    %select_n3A_209 = arith.select %lt3A_208, %add3A_207, %select_n3A_198 : vector<64x128xi1>, vector<64x128xf32>
    %jit3A_210 = arith.constant 18 : i32
    %broadcast_in_dim3A_211 = vector.broadcast %jit3A_210 : i32 to vector<64x128xi32>
    %select_n3A_212 = arith.select %lt3A_208, %broadcast_in_dim3A_211, %select_n3A_201 : vector<64x128xi1>, vector<64x128xi32>
    %slice3A_213 = vector.extract_strided_slice %get3A_11 {offsets = [0, 2432], sizes = [1, 128], strides = [1, 1]} : vector<1x8192xf32> to vector<1x128xf32>
    %add3A_214 = vector.broadcast %slice3A : vector<64x1xf32> to vector<64x128xf32>
    %add3A_215 = vector.broadcast %slice3A_213 : vector<1x128xf32> to vector<64x128xf32>
    %add3A_216 = arith.addf %add3A_214, %add3A_215 : vector<64x128xf32>
    %slice3A_217 = vector.extract_strided_slice %dot_general3A_5 {offsets = [0, 2432], sizes = [64, 128], strides = [1, 1]} : vector<256x8192xf32> to vector<64x128xf32>
    %add3A_218 = arith.addf %add3A_216, %slice3A_217 : vector<64x128xf32>
    %lt3A_219 = arith.cmpf olt, %add3A_218, %select_n3A_209 : vector<64x128xf32>
    %select_n3A_220 = arith.select %lt3A_219, %add3A_218, %select_n3A_209 : vector<64x128xi1>, vector<64x128xf32>
    %jit3A_221 = arith.constant 19 : i32
    %broadcast_in_dim3A_222 = vector.broadcast %jit3A_221 : i32 to vector<64x128xi32>
    %select_n3A_223 = arith.select %lt3A_219, %broadcast_in_dim3A_222, %select_n3A_212 : vector<64x128xi1>, vector<64x128xi32>
    %slice3A_224 = vector.extract_strided_slice %get3A_11 {offsets = [0, 2560], sizes = [1, 128], strides = [1, 1]} : vector<1x8192xf32> to vector<1x128xf32>
    %add3A_225 = vector.broadcast %slice3A : vector<64x1xf32> to vector<64x128xf32>
    %add3A_226 = vector.broadcast %slice3A_224 : vector<1x128xf32> to vector<64x128xf32>
    %add3A_227 = arith.addf %add3A_225, %add3A_226 : vector<64x128xf32>
    %slice3A_228 = vector.extract_strided_slice %dot_general3A_5 {offsets = [0, 2560], sizes = [64, 128], strides = [1, 1]} : vector<256x8192xf32> to vector<64x128xf32>
    %add3A_229 = arith.addf %add3A_227, %slice3A_228 : vector<64x128xf32>
    %lt3A_230 = arith.cmpf olt, %add3A_229, %select_n3A_220 : vector<64x128xf32>
    %select_n3A_231 = arith.select %lt3A_230, %add3A_229, %select_n3A_220 : vector<64x128xi1>, vector<64x128xf32>
    %jit3A_232 = arith.constant 20 : i32
    %broadcast_in_dim3A_233 = vector.broadcast %jit3A_232 : i32 to vector<64x128xi32>
    %select_n3A_234 = arith.select %lt3A_230, %broadcast_in_dim3A_233, %select_n3A_223 : vector<64x128xi1>, vector<64x128xi32>
    %slice3A_235 = vector.extract_strided_slice %get3A_11 {offsets = [0, 2688], sizes = [1, 128], strides = [1, 1]} : vector<1x8192xf32> to vector<1x128xf32>
    %add3A_236 = vector.broadcast %slice3A : vector<64x1xf32> to vector<64x128xf32>
    %add3A_237 = vector.broadcast %slice3A_235 : vector<1x128xf32> to vector<64x128xf32>
    %add3A_238 = arith.addf %add3A_236, %add3A_237 : vector<64x128xf32>
    %slice3A_239 = vector.extract_strided_slice %dot_general3A_5 {offsets = [0, 2688], sizes = [64, 128], strides = [1, 1]} : vector<256x8192xf32> to vector<64x128xf32>
    %add3A_240 = arith.addf %add3A_238, %slice3A_239 : vector<64x128xf32>
    %lt3A_241 = arith.cmpf olt, %add3A_240, %select_n3A_231 : vector<64x128xf32>
    %select_n3A_242 = arith.select %lt3A_241, %add3A_240, %select_n3A_231 : vector<64x128xi1>, vector<64x128xf32>
    %jit3A_243 = arith.constant 21 : i32
    %broadcast_in_dim3A_244 = vector.broadcast %jit3A_243 : i32 to vector<64x128xi32>
    %select_n3A_245 = arith.select %lt3A_241, %broadcast_in_dim3A_244, %select_n3A_234 : vector<64x128xi1>, vector<64x128xi32>
    %slice3A_246 = vector.extract_strided_slice %get3A_11 {offsets = [0, 2816], sizes = [1, 128], strides = [1, 1]} : vector<1x8192xf32> to vector<1x128xf32>
    %add3A_247 = vector.broadcast %slice3A : vector<64x1xf32> to vector<64x128xf32>
    %add3A_248 = vector.broadcast %slice3A_246 : vector<1x128xf32> to vector<64x128xf32>
    %add3A_249 = arith.addf %add3A_247, %add3A_248 : vector<64x128xf32>
    %slice3A_250 = vector.extract_strided_slice %dot_general3A_5 {offsets = [0, 2816], sizes = [64, 128], strides = [1, 1]} : vector<256x8192xf32> to vector<64x128xf32>
    %add3A_251 = arith.addf %add3A_249, %slice3A_250 : vector<64x128xf32>
    %lt3A_252 = arith.cmpf olt, %add3A_251, %select_n3A_242 : vector<64x128xf32>
    %select_n3A_253 = arith.select %lt3A_252, %add3A_251, %select_n3A_242 : vector<64x128xi1>, vector<64x128xf32>
    %jit3A_254 = arith.constant 22 : i32
    %broadcast_in_dim3A_255 = vector.broadcast %jit3A_254 : i32 to vector<64x128xi32>
    %select_n3A_256 = arith.select %lt3A_252, %broadcast_in_dim3A_255, %select_n3A_245 : vector<64x128xi1>, vector<64x128xi32>
    %slice3A_257 = vector.extract_strided_slice %get3A_11 {offsets = [0, 2944], sizes = [1, 128], strides = [1, 1]} : vector<1x8192xf32> to vector<1x128xf32>
    %add3A_258 = vector.broadcast %slice3A : vector<64x1xf32> to vector<64x128xf32>
    %add3A_259 = vector.broadcast %slice3A_257 : vector<1x128xf32> to vector<64x128xf32>
    %add3A_260 = arith.addf %add3A_258, %add3A_259 : vector<64x128xf32>
    %slice3A_261 = vector.extract_strided_slice %dot_general3A_5 {offsets = [0, 2944], sizes = [64, 128], strides = [1, 1]} : vector<256x8192xf32> to vector<64x128xf32>
    %add3A_262 = arith.addf %add3A_260, %slice3A_261 : vector<64x128xf32>
    %lt3A_263 = arith.cmpf olt, %add3A_262, %select_n3A_253 : vector<64x128xf32>
    %select_n3A_264 = arith.select %lt3A_263, %add3A_262, %select_n3A_253 : vector<64x128xi1>, vector<64x128xf32>
    %jit3A_265 = arith.constant 23 : i32
    %broadcast_in_dim3A_266 = vector.broadcast %jit3A_265 : i32 to vector<64x128xi32>
    %select_n3A_267 = arith.select %lt3A_263, %broadcast_in_dim3A_266, %select_n3A_256 : vector<64x128xi1>, vector<64x128xi32>
    %slice3A_268 = vector.extract_strided_slice %get3A_11 {offsets = [0, 3072], sizes = [1, 128], strides = [1, 1]} : vector<1x8192xf32> to vector<1x128xf32>
    %add3A_269 = vector.broadcast %slice3A : vector<64x1xf32> to vector<64x128xf32>
    %add3A_270 = vector.broadcast %slice3A_268 : vector<1x128xf32> to vector<64x128xf32>
    %add3A_271 = arith.addf %add3A_269, %add3A_270 : vector<64x128xf32>
    %slice3A_272 = vector.extract_strided_slice %dot_general3A_5 {offsets = [0, 3072], sizes = [64, 128], strides = [1, 1]} : vector<256x8192xf32> to vector<64x128xf32>
    %add3A_273 = arith.addf %add3A_271, %slice3A_272 : vector<64x128xf32>
    %lt3A_274 = arith.cmpf olt, %add3A_273, %select_n3A_264 : vector<64x128xf32>
    %select_n3A_275 = arith.select %lt3A_274, %add3A_273, %select_n3A_264 : vector<64x128xi1>, vector<64x128xf32>
    %jit3A_276 = arith.constant 24 : i32
    %broadcast_in_dim3A_277 = vector.broadcast %jit3A_276 : i32 to vector<64x128xi32>
    %select_n3A_278 = arith.select %lt3A_274, %broadcast_in_dim3A_277, %select_n3A_267 : vector<64x128xi1>, vector<64x128xi32>
    %slice3A_279 = vector.extract_strided_slice %get3A_11 {offsets = [0, 3200], sizes = [1, 128], strides = [1, 1]} : vector<1x8192xf32> to vector<1x128xf32>
    %add3A_280 = vector.broadcast %slice3A : vector<64x1xf32> to vector<64x128xf32>
    %add3A_281 = vector.broadcast %slice3A_279 : vector<1x128xf32> to vector<64x128xf32>
    %add3A_282 = arith.addf %add3A_280, %add3A_281 : vector<64x128xf32>
    %slice3A_283 = vector.extract_strided_slice %dot_general3A_5 {offsets = [0, 3200], sizes = [64, 128], strides = [1, 1]} : vector<256x8192xf32> to vector<64x128xf32>
    %add3A_284 = arith.addf %add3A_282, %slice3A_283 : vector<64x128xf32>
    %lt3A_285 = arith.cmpf olt, %add3A_284, %select_n3A_275 : vector<64x128xf32>
    %select_n3A_286 = arith.select %lt3A_285, %add3A_284, %select_n3A_275 : vector<64x128xi1>, vector<64x128xf32>
    %jit3A_287 = arith.constant 25 : i32
    %broadcast_in_dim3A_288 = vector.broadcast %jit3A_287 : i32 to vector<64x128xi32>
    %select_n3A_289 = arith.select %lt3A_285, %broadcast_in_dim3A_288, %select_n3A_278 : vector<64x128xi1>, vector<64x128xi32>
    %slice3A_290 = vector.extract_strided_slice %get3A_11 {offsets = [0, 3328], sizes = [1, 128], strides = [1, 1]} : vector<1x8192xf32> to vector<1x128xf32>
    %add3A_291 = vector.broadcast %slice3A : vector<64x1xf32> to vector<64x128xf32>
    %add3A_292 = vector.broadcast %slice3A_290 : vector<1x128xf32> to vector<64x128xf32>
    %add3A_293 = arith.addf %add3A_291, %add3A_292 : vector<64x128xf32>
    %slice3A_294 = vector.extract_strided_slice %dot_general3A_5 {offsets = [0, 3328], sizes = [64, 128], strides = [1, 1]} : vector<256x8192xf32> to vector<64x128xf32>
    %add3A_295 = arith.addf %add3A_293, %slice3A_294 : vector<64x128xf32>
    %lt3A_296 = arith.cmpf olt, %add3A_295, %select_n3A_286 : vector<64x128xf32>
    %select_n3A_297 = arith.select %lt3A_296, %add3A_295, %select_n3A_286 : vector<64x128xi1>, vector<64x128xf32>
    %jit3A_298 = arith.constant 26 : i32
    %broadcast_in_dim3A_299 = vector.broadcast %jit3A_298 : i32 to vector<64x128xi32>
    %select_n3A_300 = arith.select %lt3A_296, %broadcast_in_dim3A_299, %select_n3A_289 : vector<64x128xi1>, vector<64x128xi32>
    %slice3A_301 = vector.extract_strided_slice %get3A_11 {offsets = [0, 3456], sizes = [1, 128], strides = [1, 1]} : vector<1x8192xf32> to vector<1x128xf32>
    %add3A_302 = vector.broadcast %slice3A : vector<64x1xf32> to vector<64x128xf32>
    %add3A_303 = vector.broadcast %slice3A_301 : vector<1x128xf32> to vector<64x128xf32>
    %add3A_304 = arith.addf %add3A_302, %add3A_303 : vector<64x128xf32>
    %slice3A_305 = vector.extract_strided_slice %dot_general3A_5 {offsets = [0, 3456], sizes = [64, 128], strides = [1, 1]} : vector<256x8192xf32> to vector<64x128xf32>
    %add3A_306 = arith.addf %add3A_304, %slice3A_305 : vector<64x128xf32>
    %lt3A_307 = arith.cmpf olt, %add3A_306, %select_n3A_297 : vector<64x128xf32>
    %select_n3A_308 = arith.select %lt3A_307, %add3A_306, %select_n3A_297 : vector<64x128xi1>, vector<64x128xf32>
    %jit3A_309 = arith.constant 27 : i32
    %broadcast_in_dim3A_310 = vector.broadcast %jit3A_309 : i32 to vector<64x128xi32>
    %select_n3A_311 = arith.select %lt3A_307, %broadcast_in_dim3A_310, %select_n3A_300 : vector<64x128xi1>, vector<64x128xi32>
    %slice3A_312 = vector.extract_strided_slice %get3A_11 {offsets = [0, 3584], sizes = [1, 128], strides = [1, 1]} : vector<1x8192xf32> to vector<1x128xf32>
    %add3A_313 = vector.broadcast %slice3A : vector<64x1xf32> to vector<64x128xf32>
    %add3A_314 = vector.broadcast %slice3A_312 : vector<1x128xf32> to vector<64x128xf32>
    %add3A_315 = arith.addf %add3A_313, %add3A_314 : vector<64x128xf32>
    %slice3A_316 = vector.extract_strided_slice %dot_general3A_5 {offsets = [0, 3584], sizes = [64, 128], strides = [1, 1]} : vector<256x8192xf32> to vector<64x128xf32>
    %add3A_317 = arith.addf %add3A_315, %slice3A_316 : vector<64x128xf32>
    %lt3A_318 = arith.cmpf olt, %add3A_317, %select_n3A_308 : vector<64x128xf32>
    %select_n3A_319 = arith.select %lt3A_318, %add3A_317, %select_n3A_308 : vector<64x128xi1>, vector<64x128xf32>
    %jit3A_320 = arith.constant 28 : i32
    %broadcast_in_dim3A_321 = vector.broadcast %jit3A_320 : i32 to vector<64x128xi32>
    %select_n3A_322 = arith.select %lt3A_318, %broadcast_in_dim3A_321, %select_n3A_311 : vector<64x128xi1>, vector<64x128xi32>
    %slice3A_323 = vector.extract_strided_slice %get3A_11 {offsets = [0, 3712], sizes = [1, 128], strides = [1, 1]} : vector<1x8192xf32> to vector<1x128xf32>
    %add3A_324 = vector.broadcast %slice3A : vector<64x1xf32> to vector<64x128xf32>
    %add3A_325 = vector.broadcast %slice3A_323 : vector<1x128xf32> to vector<64x128xf32>
    %add3A_326 = arith.addf %add3A_324, %add3A_325 : vector<64x128xf32>
    %slice3A_327 = vector.extract_strided_slice %dot_general3A_5 {offsets = [0, 3712], sizes = [64, 128], strides = [1, 1]} : vector<256x8192xf32> to vector<64x128xf32>
    %add3A_328 = arith.addf %add3A_326, %slice3A_327 : vector<64x128xf32>
    %lt3A_329 = arith.cmpf olt, %add3A_328, %select_n3A_319 : vector<64x128xf32>
    %select_n3A_330 = arith.select %lt3A_329, %add3A_328, %select_n3A_319 : vector<64x128xi1>, vector<64x128xf32>
    %jit3A_331 = arith.constant 29 : i32
    %broadcast_in_dim3A_332 = vector.broadcast %jit3A_331 : i32 to vector<64x128xi32>
    %select_n3A_333 = arith.select %lt3A_329, %broadcast_in_dim3A_332, %select_n3A_322 : vector<64x128xi1>, vector<64x128xi32>
    %slice3A_334 = vector.extract_strided_slice %get3A_11 {offsets = [0, 3840], sizes = [1, 128], strides = [1, 1]} : vector<1x8192xf32> to vector<1x128xf32>
    %add3A_335 = vector.broadcast %slice3A : vector<64x1xf32> to vector<64x128xf32>
    %add3A_336 = vector.broadcast %slice3A_334 : vector<1x128xf32> to vector<64x128xf32>
    %add3A_337 = arith.addf %add3A_335, %add3A_336 : vector<64x128xf32>
    %slice3A_338 = vector.extract_strided_slice %dot_general3A_5 {offsets = [0, 3840], sizes = [64, 128], strides = [1, 1]} : vector<256x8192xf32> to vector<64x128xf32>
    %add3A_339 = arith.addf %add3A_337, %slice3A_338 : vector<64x128xf32>
    %lt3A_340 = arith.cmpf olt, %add3A_339, %select_n3A_330 : vector<64x128xf32>
    %select_n3A_341 = arith.select %lt3A_340, %add3A_339, %select_n3A_330 : vector<64x128xi1>, vector<64x128xf32>
    %jit3A_342 = arith.constant 30 : i32
    %broadcast_in_dim3A_343 = vector.broadcast %jit3A_342 : i32 to vector<64x128xi32>
    %select_n3A_344 = arith.select %lt3A_340, %broadcast_in_dim3A_343, %select_n3A_333 : vector<64x128xi1>, vector<64x128xi32>
    %slice3A_345 = vector.extract_strided_slice %get3A_11 {offsets = [0, 3968], sizes = [1, 128], strides = [1, 1]} : vector<1x8192xf32> to vector<1x128xf32>
    %add3A_346 = vector.broadcast %slice3A : vector<64x1xf32> to vector<64x128xf32>
    %add3A_347 = vector.broadcast %slice3A_345 : vector<1x128xf32> to vector<64x128xf32>
    %add3A_348 = arith.addf %add3A_346, %add3A_347 : vector<64x128xf32>
    %slice3A_349 = vector.extract_strided_slice %dot_general3A_5 {offsets = [0, 3968], sizes = [64, 128], strides = [1, 1]} : vector<256x8192xf32> to vector<64x128xf32>
    %add3A_350 = arith.addf %add3A_348, %slice3A_349 : vector<64x128xf32>
    %lt3A_351 = arith.cmpf olt, %add3A_350, %select_n3A_341 : vector<64x128xf32>
    %select_n3A_352 = arith.select %lt3A_351, %add3A_350, %select_n3A_341 : vector<64x128xi1>, vector<64x128xf32>
    %jit3A_353 = arith.constant 31 : i32
    %broadcast_in_dim3A_354 = vector.broadcast %jit3A_353 : i32 to vector<64x128xi32>
    %select_n3A_355 = arith.select %lt3A_351, %broadcast_in_dim3A_354, %select_n3A_344 : vector<64x128xi1>, vector<64x128xi32>
    %slice3A_356 = vector.extract_strided_slice %get3A_11 {offsets = [0, 4096], sizes = [1, 128], strides = [1, 1]} : vector<1x8192xf32> to vector<1x128xf32>
    %add3A_357 = vector.broadcast %slice3A : vector<64x1xf32> to vector<64x128xf32>
    %add3A_358 = vector.broadcast %slice3A_356 : vector<1x128xf32> to vector<64x128xf32>
    %add3A_359 = arith.addf %add3A_357, %add3A_358 : vector<64x128xf32>
    %slice3A_360 = vector.extract_strided_slice %dot_general3A_5 {offsets = [0, 4096], sizes = [64, 128], strides = [1, 1]} : vector<256x8192xf32> to vector<64x128xf32>
    %add3A_361 = arith.addf %add3A_359, %slice3A_360 : vector<64x128xf32>
    %lt3A_362 = arith.cmpf olt, %add3A_361, %select_n3A_352 : vector<64x128xf32>
    %select_n3A_363 = arith.select %lt3A_362, %add3A_361, %select_n3A_352 : vector<64x128xi1>, vector<64x128xf32>
    %jit3A_364 = arith.constant 32 : i32
    %broadcast_in_dim3A_365 = vector.broadcast %jit3A_364 : i32 to vector<64x128xi32>
    %select_n3A_366 = arith.select %lt3A_362, %broadcast_in_dim3A_365, %select_n3A_355 : vector<64x128xi1>, vector<64x128xi32>
    %slice3A_367 = vector.extract_strided_slice %get3A_11 {offsets = [0, 4224], sizes = [1, 128], strides = [1, 1]} : vector<1x8192xf32> to vector<1x128xf32>
    %add3A_368 = vector.broadcast %slice3A : vector<64x1xf32> to vector<64x128xf32>
    %add3A_369 = vector.broadcast %slice3A_367 : vector<1x128xf32> to vector<64x128xf32>
    %add3A_370 = arith.addf %add3A_368, %add3A_369 : vector<64x128xf32>
    %slice3A_371 = vector.extract_strided_slice %dot_general3A_5 {offsets = [0, 4224], sizes = [64, 128], strides = [1, 1]} : vector<256x8192xf32> to vector<64x128xf32>
    %add3A_372 = arith.addf %add3A_370, %slice3A_371 : vector<64x128xf32>
    %lt3A_373 = arith.cmpf olt, %add3A_372, %select_n3A_363 : vector<64x128xf32>
    %select_n3A_374 = arith.select %lt3A_373, %add3A_372, %select_n3A_363 : vector<64x128xi1>, vector<64x128xf32>
    %jit3A_375 = arith.constant 33 : i32
    %broadcast_in_dim3A_376 = vector.broadcast %jit3A_375 : i32 to vector<64x128xi32>
    %select_n3A_377 = arith.select %lt3A_373, %broadcast_in_dim3A_376, %select_n3A_366 : vector<64x128xi1>, vector<64x128xi32>
    %slice3A_378 = vector.extract_strided_slice %get3A_11 {offsets = [0, 4352], sizes = [1, 128], strides = [1, 1]} : vector<1x8192xf32> to vector<1x128xf32>
    %add3A_379 = vector.broadcast %slice3A : vector<64x1xf32> to vector<64x128xf32>
    %add3A_380 = vector.broadcast %slice3A_378 : vector<1x128xf32> to vector<64x128xf32>
    %add3A_381 = arith.addf %add3A_379, %add3A_380 : vector<64x128xf32>
    %slice3A_382 = vector.extract_strided_slice %dot_general3A_5 {offsets = [0, 4352], sizes = [64, 128], strides = [1, 1]} : vector<256x8192xf32> to vector<64x128xf32>
    %add3A_383 = arith.addf %add3A_381, %slice3A_382 : vector<64x128xf32>
    %lt3A_384 = arith.cmpf olt, %add3A_383, %select_n3A_374 : vector<64x128xf32>
    %select_n3A_385 = arith.select %lt3A_384, %add3A_383, %select_n3A_374 : vector<64x128xi1>, vector<64x128xf32>
    %jit3A_386 = arith.constant 34 : i32
    %broadcast_in_dim3A_387 = vector.broadcast %jit3A_386 : i32 to vector<64x128xi32>
    %select_n3A_388 = arith.select %lt3A_384, %broadcast_in_dim3A_387, %select_n3A_377 : vector<64x128xi1>, vector<64x128xi32>
    %slice3A_389 = vector.extract_strided_slice %get3A_11 {offsets = [0, 4480], sizes = [1, 128], strides = [1, 1]} : vector<1x8192xf32> to vector<1x128xf32>
    %add3A_390 = vector.broadcast %slice3A : vector<64x1xf32> to vector<64x128xf32>
    %add3A_391 = vector.broadcast %slice3A_389 : vector<1x128xf32> to vector<64x128xf32>
    %add3A_392 = arith.addf %add3A_390, %add3A_391 : vector<64x128xf32>
    %slice3A_393 = vector.extract_strided_slice %dot_general3A_5 {offsets = [0, 4480], sizes = [64, 128], strides = [1, 1]} : vector<256x8192xf32> to vector<64x128xf32>
    %add3A_394 = arith.addf %add3A_392, %slice3A_393 : vector<64x128xf32>
    %lt3A_395 = arith.cmpf olt, %add3A_394, %select_n3A_385 : vector<64x128xf32>
    %select_n3A_396 = arith.select %lt3A_395, %add3A_394, %select_n3A_385 : vector<64x128xi1>, vector<64x128xf32>
    %jit3A_397 = arith.constant 35 : i32
    %broadcast_in_dim3A_398 = vector.broadcast %jit3A_397 : i32 to vector<64x128xi32>
    %select_n3A_399 = arith.select %lt3A_395, %broadcast_in_dim3A_398, %select_n3A_388 : vector<64x128xi1>, vector<64x128xi32>
    %slice3A_400 = vector.extract_strided_slice %get3A_11 {offsets = [0, 4608], sizes = [1, 128], strides = [1, 1]} : vector<1x8192xf32> to vector<1x128xf32>
    %add3A_401 = vector.broadcast %slice3A : vector<64x1xf32> to vector<64x128xf32>
    %add3A_402 = vector.broadcast %slice3A_400 : vector<1x128xf32> to vector<64x128xf32>
    %add3A_403 = arith.addf %add3A_401, %add3A_402 : vector<64x128xf32>
    %slice3A_404 = vector.extract_strided_slice %dot_general3A_5 {offsets = [0, 4608], sizes = [64, 128], strides = [1, 1]} : vector<256x8192xf32> to vector<64x128xf32>
    %add3A_405 = arith.addf %add3A_403, %slice3A_404 : vector<64x128xf32>
    %lt3A_406 = arith.cmpf olt, %add3A_405, %select_n3A_396 : vector<64x128xf32>
    %select_n3A_407 = arith.select %lt3A_406, %add3A_405, %select_n3A_396 : vector<64x128xi1>, vector<64x128xf32>
    %jit3A_408 = arith.constant 36 : i32
    %broadcast_in_dim3A_409 = vector.broadcast %jit3A_408 : i32 to vector<64x128xi32>
    %select_n3A_410 = arith.select %lt3A_406, %broadcast_in_dim3A_409, %select_n3A_399 : vector<64x128xi1>, vector<64x128xi32>
    %slice3A_411 = vector.extract_strided_slice %get3A_11 {offsets = [0, 4736], sizes = [1, 128], strides = [1, 1]} : vector<1x8192xf32> to vector<1x128xf32>
    %add3A_412 = vector.broadcast %slice3A : vector<64x1xf32> to vector<64x128xf32>
    %add3A_413 = vector.broadcast %slice3A_411 : vector<1x128xf32> to vector<64x128xf32>
    %add3A_414 = arith.addf %add3A_412, %add3A_413 : vector<64x128xf32>
    %slice3A_415 = vector.extract_strided_slice %dot_general3A_5 {offsets = [0, 4736], sizes = [64, 128], strides = [1, 1]} : vector<256x8192xf32> to vector<64x128xf32>
    %add3A_416 = arith.addf %add3A_414, %slice3A_415 : vector<64x128xf32>
    %lt3A_417 = arith.cmpf olt, %add3A_416, %select_n3A_407 : vector<64x128xf32>
    %select_n3A_418 = arith.select %lt3A_417, %add3A_416, %select_n3A_407 : vector<64x128xi1>, vector<64x128xf32>
    %jit3A_419 = arith.constant 37 : i32
    %broadcast_in_dim3A_420 = vector.broadcast %jit3A_419 : i32 to vector<64x128xi32>
    %select_n3A_421 = arith.select %lt3A_417, %broadcast_in_dim3A_420, %select_n3A_410 : vector<64x128xi1>, vector<64x128xi32>
    %slice3A_422 = vector.extract_strided_slice %get3A_11 {offsets = [0, 4864], sizes = [1, 128], strides = [1, 1]} : vector<1x8192xf32> to vector<1x128xf32>
    %add3A_423 = vector.broadcast %slice3A : vector<64x1xf32> to vector<64x128xf32>
    %add3A_424 = vector.broadcast %slice3A_422 : vector<1x128xf32> to vector<64x128xf32>
    %add3A_425 = arith.addf %add3A_423, %add3A_424 : vector<64x128xf32>
    %slice3A_426 = vector.extract_strided_slice %dot_general3A_5 {offsets = [0, 4864], sizes = [64, 128], strides = [1, 1]} : vector<256x8192xf32> to vector<64x128xf32>
    %add3A_427 = arith.addf %add3A_425, %slice3A_426 : vector<64x128xf32>
    %lt3A_428 = arith.cmpf olt, %add3A_427, %select_n3A_418 : vector<64x128xf32>
    %select_n3A_429 = arith.select %lt3A_428, %add3A_427, %select_n3A_418 : vector<64x128xi1>, vector<64x128xf32>
    %jit3A_430 = arith.constant 38 : i32
    %broadcast_in_dim3A_431 = vector.broadcast %jit3A_430 : i32 to vector<64x128xi32>
    %select_n3A_432 = arith.select %lt3A_428, %broadcast_in_dim3A_431, %select_n3A_421 : vector<64x128xi1>, vector<64x128xi32>
    %slice3A_433 = vector.extract_strided_slice %get3A_11 {offsets = [0, 4992], sizes = [1, 128], strides = [1, 1]} : vector<1x8192xf32> to vector<1x128xf32>
    %add3A_434 = vector.broadcast %slice3A : vector<64x1xf32> to vector<64x128xf32>
    %add3A_435 = vector.broadcast %slice3A_433 : vector<1x128xf32> to vector<64x128xf32>
    %add3A_436 = arith.addf %add3A_434, %add3A_435 : vector<64x128xf32>
    %slice3A_437 = vector.extract_strided_slice %dot_general3A_5 {offsets = [0, 4992], sizes = [64, 128], strides = [1, 1]} : vector<256x8192xf32> to vector<64x128xf32>
    %add3A_438 = arith.addf %add3A_436, %slice3A_437 : vector<64x128xf32>
    %lt3A_439 = arith.cmpf olt, %add3A_438, %select_n3A_429 : vector<64x128xf32>
    %select_n3A_440 = arith.select %lt3A_439, %add3A_438, %select_n3A_429 : vector<64x128xi1>, vector<64x128xf32>
    %jit3A_441 = arith.constant 39 : i32
    %broadcast_in_dim3A_442 = vector.broadcast %jit3A_441 : i32 to vector<64x128xi32>
    %select_n3A_443 = arith.select %lt3A_439, %broadcast_in_dim3A_442, %select_n3A_432 : vector<64x128xi1>, vector<64x128xi32>
    %slice3A_444 = vector.extract_strided_slice %get3A_11 {offsets = [0, 5120], sizes = [1, 128], strides = [1, 1]} : vector<1x8192xf32> to vector<1x128xf32>
    %add3A_445 = vector.broadcast %slice3A : vector<64x1xf32> to vector<64x128xf32>
    %add3A_446 = vector.broadcast %slice3A_444 : vector<1x128xf32> to vector<64x128xf32>
    %add3A_447 = arith.addf %add3A_445, %add3A_446 : vector<64x128xf32>
    %slice3A_448 = vector.extract_strided_slice %dot_general3A_5 {offsets = [0, 5120], sizes = [64, 128], strides = [1, 1]} : vector<256x8192xf32> to vector<64x128xf32>
    %add3A_449 = arith.addf %add3A_447, %slice3A_448 : vector<64x128xf32>
    %lt3A_450 = arith.cmpf olt, %add3A_449, %select_n3A_440 : vector<64x128xf32>
    %select_n3A_451 = arith.select %lt3A_450, %add3A_449, %select_n3A_440 : vector<64x128xi1>, vector<64x128xf32>
    %jit3A_452 = arith.constant 40 : i32
    %broadcast_in_dim3A_453 = vector.broadcast %jit3A_452 : i32 to vector<64x128xi32>
    %select_n3A_454 = arith.select %lt3A_450, %broadcast_in_dim3A_453, %select_n3A_443 : vector<64x128xi1>, vector<64x128xi32>
    %slice3A_455 = vector.extract_strided_slice %get3A_11 {offsets = [0, 5248], sizes = [1, 128], strides = [1, 1]} : vector<1x8192xf32> to vector<1x128xf32>
    %add3A_456 = vector.broadcast %slice3A : vector<64x1xf32> to vector<64x128xf32>
    %add3A_457 = vector.broadcast %slice3A_455 : vector<1x128xf32> to vector<64x128xf32>
    %add3A_458 = arith.addf %add3A_456, %add3A_457 : vector<64x128xf32>
    %slice3A_459 = vector.extract_strided_slice %dot_general3A_5 {offsets = [0, 5248], sizes = [64, 128], strides = [1, 1]} : vector<256x8192xf32> to vector<64x128xf32>
    %add3A_460 = arith.addf %add3A_458, %slice3A_459 : vector<64x128xf32>
    %lt3A_461 = arith.cmpf olt, %add3A_460, %select_n3A_451 : vector<64x128xf32>
    %select_n3A_462 = arith.select %lt3A_461, %add3A_460, %select_n3A_451 : vector<64x128xi1>, vector<64x128xf32>
    %jit3A_463 = arith.constant 41 : i32
    %broadcast_in_dim3A_464 = vector.broadcast %jit3A_463 : i32 to vector<64x128xi32>
    %select_n3A_465 = arith.select %lt3A_461, %broadcast_in_dim3A_464, %select_n3A_454 : vector<64x128xi1>, vector<64x128xi32>
    %slice3A_466 = vector.extract_strided_slice %get3A_11 {offsets = [0, 5376], sizes = [1, 128], strides = [1, 1]} : vector<1x8192xf32> to vector<1x128xf32>
    %add3A_467 = vector.broadcast %slice3A : vector<64x1xf32> to vector<64x128xf32>
    %add3A_468 = vector.broadcast %slice3A_466 : vector<1x128xf32> to vector<64x128xf32>
    %add3A_469 = arith.addf %add3A_467, %add3A_468 : vector<64x128xf32>
    %slice3A_470 = vector.extract_strided_slice %dot_general3A_5 {offsets = [0, 5376], sizes = [64, 128], strides = [1, 1]} : vector<256x8192xf32> to vector<64x128xf32>
    %add3A_471 = arith.addf %add3A_469, %slice3A_470 : vector<64x128xf32>
    %lt3A_472 = arith.cmpf olt, %add3A_471, %select_n3A_462 : vector<64x128xf32>
    %select_n3A_473 = arith.select %lt3A_472, %add3A_471, %select_n3A_462 : vector<64x128xi1>, vector<64x128xf32>
    %jit3A_474 = arith.constant 42 : i32
    %broadcast_in_dim3A_475 = vector.broadcast %jit3A_474 : i32 to vector<64x128xi32>
    %select_n3A_476 = arith.select %lt3A_472, %broadcast_in_dim3A_475, %select_n3A_465 : vector<64x128xi1>, vector<64x128xi32>
    %slice3A_477 = vector.extract_strided_slice %get3A_11 {offsets = [0, 5504], sizes = [1, 128], strides = [1, 1]} : vector<1x8192xf32> to vector<1x128xf32>
    %add3A_478 = vector.broadcast %slice3A : vector<64x1xf32> to vector<64x128xf32>
    %add3A_479 = vector.broadcast %slice3A_477 : vector<1x128xf32> to vector<64x128xf32>
    %add3A_480 = arith.addf %add3A_478, %add3A_479 : vector<64x128xf32>
    %slice3A_481 = vector.extract_strided_slice %dot_general3A_5 {offsets = [0, 5504], sizes = [64, 128], strides = [1, 1]} : vector<256x8192xf32> to vector<64x128xf32>
    %add3A_482 = arith.addf %add3A_480, %slice3A_481 : vector<64x128xf32>
    %lt3A_483 = arith.cmpf olt, %add3A_482, %select_n3A_473 : vector<64x128xf32>
    %select_n3A_484 = arith.select %lt3A_483, %add3A_482, %select_n3A_473 : vector<64x128xi1>, vector<64x128xf32>
    %jit3A_485 = arith.constant 43 : i32
    %broadcast_in_dim3A_486 = vector.broadcast %jit3A_485 : i32 to vector<64x128xi32>
    %select_n3A_487 = arith.select %lt3A_483, %broadcast_in_dim3A_486, %select_n3A_476 : vector<64x128xi1>, vector<64x128xi32>
    %slice3A_488 = vector.extract_strided_slice %get3A_11 {offsets = [0, 5632], sizes = [1, 128], strides = [1, 1]} : vector<1x8192xf32> to vector<1x128xf32>
    %add3A_489 = vector.broadcast %slice3A : vector<64x1xf32> to vector<64x128xf32>
    %add3A_490 = vector.broadcast %slice3A_488 : vector<1x128xf32> to vector<64x128xf32>
    %add3A_491 = arith.addf %add3A_489, %add3A_490 : vector<64x128xf32>
    %slice3A_492 = vector.extract_strided_slice %dot_general3A_5 {offsets = [0, 5632], sizes = [64, 128], strides = [1, 1]} : vector<256x8192xf32> to vector<64x128xf32>
    %add3A_493 = arith.addf %add3A_491, %slice3A_492 : vector<64x128xf32>
    %lt3A_494 = arith.cmpf olt, %add3A_493, %select_n3A_484 : vector<64x128xf32>
    %select_n3A_495 = arith.select %lt3A_494, %add3A_493, %select_n3A_484 : vector<64x128xi1>, vector<64x128xf32>
    %jit3A_496 = arith.constant 44 : i32
    %broadcast_in_dim3A_497 = vector.broadcast %jit3A_496 : i32 to vector<64x128xi32>
    %select_n3A_498 = arith.select %lt3A_494, %broadcast_in_dim3A_497, %select_n3A_487 : vector<64x128xi1>, vector<64x128xi32>
    %slice3A_499 = vector.extract_strided_slice %get3A_11 {offsets = [0, 5760], sizes = [1, 128], strides = [1, 1]} : vector<1x8192xf32> to vector<1x128xf32>
    %add3A_500 = vector.broadcast %slice3A : vector<64x1xf32> to vector<64x128xf32>
    %add3A_501 = vector.broadcast %slice3A_499 : vector<1x128xf32> to vector<64x128xf32>
    %add3A_502 = arith.addf %add3A_500, %add3A_501 : vector<64x128xf32>
    %slice3A_503 = vector.extract_strided_slice %dot_general3A_5 {offsets = [0, 5760], sizes = [64, 128], strides = [1, 1]} : vector<256x8192xf32> to vector<64x128xf32>
    %add3A_504 = arith.addf %add3A_502, %slice3A_503 : vector<64x128xf32>
    %lt3A_505 = arith.cmpf olt, %add3A_504, %select_n3A_495 : vector<64x128xf32>
    %select_n3A_506 = arith.select %lt3A_505, %add3A_504, %select_n3A_495 : vector<64x128xi1>, vector<64x128xf32>
    %jit3A_507 = arith.constant 45 : i32
    %broadcast_in_dim3A_508 = vector.broadcast %jit3A_507 : i32 to vector<64x128xi32>
    %select_n3A_509 = arith.select %lt3A_505, %broadcast_in_dim3A_508, %select_n3A_498 : vector<64x128xi1>, vector<64x128xi32>
    %slice3A_510 = vector.extract_strided_slice %get3A_11 {offsets = [0, 5888], sizes = [1, 128], strides = [1, 1]} : vector<1x8192xf32> to vector<1x128xf32>
    %add3A_511 = vector.broadcast %slice3A : vector<64x1xf32> to vector<64x128xf32>
    %add3A_512 = vector.broadcast %slice3A_510 : vector<1x128xf32> to vector<64x128xf32>
    %add3A_513 = arith.addf %add3A_511, %add3A_512 : vector<64x128xf32>
    %slice3A_514 = vector.extract_strided_slice %dot_general3A_5 {offsets = [0, 5888], sizes = [64, 128], strides = [1, 1]} : vector<256x8192xf32> to vector<64x128xf32>
    %add3A_515 = arith.addf %add3A_513, %slice3A_514 : vector<64x128xf32>
    %lt3A_516 = arith.cmpf olt, %add3A_515, %select_n3A_506 : vector<64x128xf32>
    %select_n3A_517 = arith.select %lt3A_516, %add3A_515, %select_n3A_506 : vector<64x128xi1>, vector<64x128xf32>
    %jit3A_518 = arith.constant 46 : i32
    %broadcast_in_dim3A_519 = vector.broadcast %jit3A_518 : i32 to vector<64x128xi32>
    %select_n3A_520 = arith.select %lt3A_516, %broadcast_in_dim3A_519, %select_n3A_509 : vector<64x128xi1>, vector<64x128xi32>
    %slice3A_521 = vector.extract_strided_slice %get3A_11 {offsets = [0, 6016], sizes = [1, 128], strides = [1, 1]} : vector<1x8192xf32> to vector<1x128xf32>
    %add3A_522 = vector.broadcast %slice3A : vector<64x1xf32> to vector<64x128xf32>
    %add3A_523 = vector.broadcast %slice3A_521 : vector<1x128xf32> to vector<64x128xf32>
    %add3A_524 = arith.addf %add3A_522, %add3A_523 : vector<64x128xf32>
    %slice3A_525 = vector.extract_strided_slice %dot_general3A_5 {offsets = [0, 6016], sizes = [64, 128], strides = [1, 1]} : vector<256x8192xf32> to vector<64x128xf32>
    %add3A_526 = arith.addf %add3A_524, %slice3A_525 : vector<64x128xf32>
    %lt3A_527 = arith.cmpf olt, %add3A_526, %select_n3A_517 : vector<64x128xf32>
    %select_n3A_528 = arith.select %lt3A_527, %add3A_526, %select_n3A_517 : vector<64x128xi1>, vector<64x128xf32>
    %jit3A_529 = arith.constant 47 : i32
    %broadcast_in_dim3A_530 = vector.broadcast %jit3A_529 : i32 to vector<64x128xi32>
    %select_n3A_531 = arith.select %lt3A_527, %broadcast_in_dim3A_530, %select_n3A_520 : vector<64x128xi1>, vector<64x128xi32>
    %slice3A_532 = vector.extract_strided_slice %get3A_11 {offsets = [0, 6144], sizes = [1, 128], strides = [1, 1]} : vector<1x8192xf32> to vector<1x128xf32>
    %add3A_533 = vector.broadcast %slice3A : vector<64x1xf32> to vector<64x128xf32>
    %add3A_534 = vector.broadcast %slice3A_532 : vector<1x128xf32> to vector<64x128xf32>
    %add3A_535 = arith.addf %add3A_533, %add3A_534 : vector<64x128xf32>
    %slice3A_536 = vector.extract_strided_slice %dot_general3A_5 {offsets = [0, 6144], sizes = [64, 128], strides = [1, 1]} : vector<256x8192xf32> to vector<64x128xf32>
    %add3A_537 = arith.addf %add3A_535, %slice3A_536 : vector<64x128xf32>
    %lt3A_538 = arith.cmpf olt, %add3A_537, %select_n3A_528 : vector<64x128xf32>
    %select_n3A_539 = arith.select %lt3A_538, %add3A_537, %select_n3A_528 : vector<64x128xi1>, vector<64x128xf32>
    %jit3A_540 = arith.constant 48 : i32
    %broadcast_in_dim3A_541 = vector.broadcast %jit3A_540 : i32 to vector<64x128xi32>
    %select_n3A_542 = arith.select %lt3A_538, %broadcast_in_dim3A_541, %select_n3A_531 : vector<64x128xi1>, vector<64x128xi32>
    %slice3A_543 = vector.extract_strided_slice %get3A_11 {offsets = [0, 6272], sizes = [1, 128], strides = [1, 1]} : vector<1x8192xf32> to vector<1x128xf32>
    %add3A_544 = vector.broadcast %slice3A : vector<64x1xf32> to vector<64x128xf32>
    %add3A_545 = vector.broadcast %slice3A_543 : vector<1x128xf32> to vector<64x128xf32>
    %add3A_546 = arith.addf %add3A_544, %add3A_545 : vector<64x128xf32>
    %slice3A_547 = vector.extract_strided_slice %dot_general3A_5 {offsets = [0, 6272], sizes = [64, 128], strides = [1, 1]} : vector<256x8192xf32> to vector<64x128xf32>
    %add3A_548 = arith.addf %add3A_546, %slice3A_547 : vector<64x128xf32>
    %lt3A_549 = arith.cmpf olt, %add3A_548, %select_n3A_539 : vector<64x128xf32>
    %select_n3A_550 = arith.select %lt3A_549, %add3A_548, %select_n3A_539 : vector<64x128xi1>, vector<64x128xf32>
    %jit3A_551 = arith.constant 49 : i32
    %broadcast_in_dim3A_552 = vector.broadcast %jit3A_551 : i32 to vector<64x128xi32>
    %select_n3A_553 = arith.select %lt3A_549, %broadcast_in_dim3A_552, %select_n3A_542 : vector<64x128xi1>, vector<64x128xi32>
    %slice3A_554 = vector.extract_strided_slice %get3A_11 {offsets = [0, 6400], sizes = [1, 128], strides = [1, 1]} : vector<1x8192xf32> to vector<1x128xf32>
    %add3A_555 = vector.broadcast %slice3A : vector<64x1xf32> to vector<64x128xf32>
    %add3A_556 = vector.broadcast %slice3A_554 : vector<1x128xf32> to vector<64x128xf32>
    %add3A_557 = arith.addf %add3A_555, %add3A_556 : vector<64x128xf32>
    %slice3A_558 = vector.extract_strided_slice %dot_general3A_5 {offsets = [0, 6400], sizes = [64, 128], strides = [1, 1]} : vector<256x8192xf32> to vector<64x128xf32>
    %add3A_559 = arith.addf %add3A_557, %slice3A_558 : vector<64x128xf32>
    %lt3A_560 = arith.cmpf olt, %add3A_559, %select_n3A_550 : vector<64x128xf32>
    %select_n3A_561 = arith.select %lt3A_560, %add3A_559, %select_n3A_550 : vector<64x128xi1>, vector<64x128xf32>
    %jit3A_562 = arith.constant 50 : i32
    %broadcast_in_dim3A_563 = vector.broadcast %jit3A_562 : i32 to vector<64x128xi32>
    %select_n3A_564 = arith.select %lt3A_560, %broadcast_in_dim3A_563, %select_n3A_553 : vector<64x128xi1>, vector<64x128xi32>
    %slice3A_565 = vector.extract_strided_slice %get3A_11 {offsets = [0, 6528], sizes = [1, 128], strides = [1, 1]} : vector<1x8192xf32> to vector<1x128xf32>
    %add3A_566 = vector.broadcast %slice3A : vector<64x1xf32> to vector<64x128xf32>
    %add3A_567 = vector.broadcast %slice3A_565 : vector<1x128xf32> to vector<64x128xf32>
    %add3A_568 = arith.addf %add3A_566, %add3A_567 : vector<64x128xf32>
    %slice3A_569 = vector.extract_strided_slice %dot_general3A_5 {offsets = [0, 6528], sizes = [64, 128], strides = [1, 1]} : vector<256x8192xf32> to vector<64x128xf32>
    %add3A_570 = arith.addf %add3A_568, %slice3A_569 : vector<64x128xf32>
    %lt3A_571 = arith.cmpf olt, %add3A_570, %select_n3A_561 : vector<64x128xf32>
    %select_n3A_572 = arith.select %lt3A_571, %add3A_570, %select_n3A_561 : vector<64x128xi1>, vector<64x128xf32>
    %jit3A_573 = arith.constant 51 : i32
    %broadcast_in_dim3A_574 = vector.broadcast %jit3A_573 : i32 to vector<64x128xi32>
    %select_n3A_575 = arith.select %lt3A_571, %broadcast_in_dim3A_574, %select_n3A_564 : vector<64x128xi1>, vector<64x128xi32>
    %slice3A_576 = vector.extract_strided_slice %get3A_11 {offsets = [0, 6656], sizes = [1, 128], strides = [1, 1]} : vector<1x8192xf32> to vector<1x128xf32>
    %add3A_577 = vector.broadcast %slice3A : vector<64x1xf32> to vector<64x128xf32>
    %add3A_578 = vector.broadcast %slice3A_576 : vector<1x128xf32> to vector<64x128xf32>
    %add3A_579 = arith.addf %add3A_577, %add3A_578 : vector<64x128xf32>
    %slice3A_580 = vector.extract_strided_slice %dot_general3A_5 {offsets = [0, 6656], sizes = [64, 128], strides = [1, 1]} : vector<256x8192xf32> to vector<64x128xf32>
    %add3A_581 = arith.addf %add3A_579, %slice3A_580 : vector<64x128xf32>
    %lt3A_582 = arith.cmpf olt, %add3A_581, %select_n3A_572 : vector<64x128xf32>
    %select_n3A_583 = arith.select %lt3A_582, %add3A_581, %select_n3A_572 : vector<64x128xi1>, vector<64x128xf32>
    %jit3A_584 = arith.constant 52 : i32
    %broadcast_in_dim3A_585 = vector.broadcast %jit3A_584 : i32 to vector<64x128xi32>
    %select_n3A_586 = arith.select %lt3A_582, %broadcast_in_dim3A_585, %select_n3A_575 : vector<64x128xi1>, vector<64x128xi32>
    %slice3A_587 = vector.extract_strided_slice %get3A_11 {offsets = [0, 6784], sizes = [1, 128], strides = [1, 1]} : vector<1x8192xf32> to vector<1x128xf32>
    %add3A_588 = vector.broadcast %slice3A : vector<64x1xf32> to vector<64x128xf32>
    %add3A_589 = vector.broadcast %slice3A_587 : vector<1x128xf32> to vector<64x128xf32>
    %add3A_590 = arith.addf %add3A_588, %add3A_589 : vector<64x128xf32>
    %slice3A_591 = vector.extract_strided_slice %dot_general3A_5 {offsets = [0, 6784], sizes = [64, 128], strides = [1, 1]} : vector<256x8192xf32> to vector<64x128xf32>
    %add3A_592 = arith.addf %add3A_590, %slice3A_591 : vector<64x128xf32>
    %lt3A_593 = arith.cmpf olt, %add3A_592, %select_n3A_583 : vector<64x128xf32>
    %select_n3A_594 = arith.select %lt3A_593, %add3A_592, %select_n3A_583 : vector<64x128xi1>, vector<64x128xf32>
    %jit3A_595 = arith.constant 53 : i32
    %broadcast_in_dim3A_596 = vector.broadcast %jit3A_595 : i32 to vector<64x128xi32>
    %select_n3A_597 = arith.select %lt3A_593, %broadcast_in_dim3A_596, %select_n3A_586 : vector<64x128xi1>, vector<64x128xi32>
    %slice3A_598 = vector.extract_strided_slice %get3A_11 {offsets = [0, 6912], sizes = [1, 128], strides = [1, 1]} : vector<1x8192xf32> to vector<1x128xf32>
    %add3A_599 = vector.broadcast %slice3A : vector<64x1xf32> to vector<64x128xf32>
    %add3A_600 = vector.broadcast %slice3A_598 : vector<1x128xf32> to vector<64x128xf32>
    %add3A_601 = arith.addf %add3A_599, %add3A_600 : vector<64x128xf32>
    %slice3A_602 = vector.extract_strided_slice %dot_general3A_5 {offsets = [0, 6912], sizes = [64, 128], strides = [1, 1]} : vector<256x8192xf32> to vector<64x128xf32>
    %add3A_603 = arith.addf %add3A_601, %slice3A_602 : vector<64x128xf32>
    %lt3A_604 = arith.cmpf olt, %add3A_603, %select_n3A_594 : vector<64x128xf32>
    %select_n3A_605 = arith.select %lt3A_604, %add3A_603, %select_n3A_594 : vector<64x128xi1>, vector<64x128xf32>
    %jit3A_606 = arith.constant 54 : i32
    %broadcast_in_dim3A_607 = vector.broadcast %jit3A_606 : i32 to vector<64x128xi32>
    %select_n3A_608 = arith.select %lt3A_604, %broadcast_in_dim3A_607, %select_n3A_597 : vector<64x128xi1>, vector<64x128xi32>
    %slice3A_609 = vector.extract_strided_slice %get3A_11 {offsets = [0, 7040], sizes = [1, 128], strides = [1, 1]} : vector<1x8192xf32> to vector<1x128xf32>
    %add3A_610 = vector.broadcast %slice3A : vector<64x1xf32> to vector<64x128xf32>
    %add3A_611 = vector.broadcast %slice3A_609 : vector<1x128xf32> to vector<64x128xf32>
    %add3A_612 = arith.addf %add3A_610, %add3A_611 : vector<64x128xf32>
    %slice3A_613 = vector.extract_strided_slice %dot_general3A_5 {offsets = [0, 7040], sizes = [64, 128], strides = [1, 1]} : vector<256x8192xf32> to vector<64x128xf32>
    %add3A_614 = arith.addf %add3A_612, %slice3A_613 : vector<64x128xf32>
    %lt3A_615 = arith.cmpf olt, %add3A_614, %select_n3A_605 : vector<64x128xf32>
    %select_n3A_616 = arith.select %lt3A_615, %add3A_614, %select_n3A_605 : vector<64x128xi1>, vector<64x128xf32>
    %jit3A_617 = arith.constant 55 : i32
    %broadcast_in_dim3A_618 = vector.broadcast %jit3A_617 : i32 to vector<64x128xi32>
    %select_n3A_619 = arith.select %lt3A_615, %broadcast_in_dim3A_618, %select_n3A_608 : vector<64x128xi1>, vector<64x128xi32>
    %slice3A_620 = vector.extract_strided_slice %get3A_11 {offsets = [0, 7168], sizes = [1, 128], strides = [1, 1]} : vector<1x8192xf32> to vector<1x128xf32>
    %add3A_621 = vector.broadcast %slice3A : vector<64x1xf32> to vector<64x128xf32>
    %add3A_622 = vector.broadcast %slice3A_620 : vector<1x128xf32> to vector<64x128xf32>
    %add3A_623 = arith.addf %add3A_621, %add3A_622 : vector<64x128xf32>
    %slice3A_624 = vector.extract_strided_slice %dot_general3A_5 {offsets = [0, 7168], sizes = [64, 128], strides = [1, 1]} : vector<256x8192xf32> to vector<64x128xf32>
    %add3A_625 = arith.addf %add3A_623, %slice3A_624 : vector<64x128xf32>
    %lt3A_626 = arith.cmpf olt, %add3A_625, %select_n3A_616 : vector<64x128xf32>
    %select_n3A_627 = arith.select %lt3A_626, %add3A_625, %select_n3A_616 : vector<64x128xi1>, vector<64x128xf32>
    %jit3A_628 = arith.constant 56 : i32
    %broadcast_in_dim3A_629 = vector.broadcast %jit3A_628 : i32 to vector<64x128xi32>
    %select_n3A_630 = arith.select %lt3A_626, %broadcast_in_dim3A_629, %select_n3A_619 : vector<64x128xi1>, vector<64x128xi32>
    %slice3A_631 = vector.extract_strided_slice %get3A_11 {offsets = [0, 7296], sizes = [1, 128], strides = [1, 1]} : vector<1x8192xf32> to vector<1x128xf32>
    %add3A_632 = vector.broadcast %slice3A : vector<64x1xf32> to vector<64x128xf32>
    %add3A_633 = vector.broadcast %slice3A_631 : vector<1x128xf32> to vector<64x128xf32>
    %add3A_634 = arith.addf %add3A_632, %add3A_633 : vector<64x128xf32>
    %slice3A_635 = vector.extract_strided_slice %dot_general3A_5 {offsets = [0, 7296], sizes = [64, 128], strides = [1, 1]} : vector<256x8192xf32> to vector<64x128xf32>
    %add3A_636 = arith.addf %add3A_634, %slice3A_635 : vector<64x128xf32>
    %lt3A_637 = arith.cmpf olt, %add3A_636, %select_n3A_627 : vector<64x128xf32>
    %select_n3A_638 = arith.select %lt3A_637, %add3A_636, %select_n3A_627 : vector<64x128xi1>, vector<64x128xf32>
    %jit3A_639 = arith.constant 57 : i32
    %broadcast_in_dim3A_640 = vector.broadcast %jit3A_639 : i32 to vector<64x128xi32>
    %select_n3A_641 = arith.select %lt3A_637, %broadcast_in_dim3A_640, %select_n3A_630 : vector<64x128xi1>, vector<64x128xi32>
    %slice3A_642 = vector.extract_strided_slice %get3A_11 {offsets = [0, 7424], sizes = [1, 128], strides = [1, 1]} : vector<1x8192xf32> to vector<1x128xf32>
    %add3A_643 = vector.broadcast %slice3A : vector<64x1xf32> to vector<64x128xf32>
    %add3A_644 = vector.broadcast %slice3A_642 : vector<1x128xf32> to vector<64x128xf32>
    %add3A_645 = arith.addf %add3A_643, %add3A_644 : vector<64x128xf32>
    %slice3A_646 = vector.extract_strided_slice %dot_general3A_5 {offsets = [0, 7424], sizes = [64, 128], strides = [1, 1]} : vector<256x8192xf32> to vector<64x128xf32>
    %add3A_647 = arith.addf %add3A_645, %slice3A_646 : vector<64x128xf32>
    %lt3A_648 = arith.cmpf olt, %add3A_647, %select_n3A_638 : vector<64x128xf32>
    %select_n3A_649 = arith.select %lt3A_648, %add3A_647, %select_n3A_638 : vector<64x128xi1>, vector<64x128xf32>
    %jit3A_650 = arith.constant 58 : i32
    %broadcast_in_dim3A_651 = vector.broadcast %jit3A_650 : i32 to vector<64x128xi32>
    %select_n3A_652 = arith.select %lt3A_648, %broadcast_in_dim3A_651, %select_n3A_641 : vector<64x128xi1>, vector<64x128xi32>
    %slice3A_653 = vector.extract_strided_slice %get3A_11 {offsets = [0, 7552], sizes = [1, 128], strides = [1, 1]} : vector<1x8192xf32> to vector<1x128xf32>
    %add3A_654 = vector.broadcast %slice3A : vector<64x1xf32> to vector<64x128xf32>
    %add3A_655 = vector.broadcast %slice3A_653 : vector<1x128xf32> to vector<64x128xf32>
    %add3A_656 = arith.addf %add3A_654, %add3A_655 : vector<64x128xf32>
    %slice3A_657 = vector.extract_strided_slice %dot_general3A_5 {offsets = [0, 7552], sizes = [64, 128], strides = [1, 1]} : vector<256x8192xf32> to vector<64x128xf32>
    %add3A_658 = arith.addf %add3A_656, %slice3A_657 : vector<64x128xf32>
    %lt3A_659 = arith.cmpf olt, %add3A_658, %select_n3A_649 : vector<64x128xf32>
    %select_n3A_660 = arith.select %lt3A_659, %add3A_658, %select_n3A_649 : vector<64x128xi1>, vector<64x128xf32>
    %jit3A_661 = arith.constant 59 : i32
    %broadcast_in_dim3A_662 = vector.broadcast %jit3A_661 : i32 to vector<64x128xi32>
    %select_n3A_663 = arith.select %lt3A_659, %broadcast_in_dim3A_662, %select_n3A_652 : vector<64x128xi1>, vector<64x128xi32>
    %slice3A_664 = vector.extract_strided_slice %get3A_11 {offsets = [0, 7680], sizes = [1, 128], strides = [1, 1]} : vector<1x8192xf32> to vector<1x128xf32>
    %add3A_665 = vector.broadcast %slice3A : vector<64x1xf32> to vector<64x128xf32>
    %add3A_666 = vector.broadcast %slice3A_664 : vector<1x128xf32> to vector<64x128xf32>
    %add3A_667 = arith.addf %add3A_665, %add3A_666 : vector<64x128xf32>
    %slice3A_668 = vector.extract_strided_slice %dot_general3A_5 {offsets = [0, 7680], sizes = [64, 128], strides = [1, 1]} : vector<256x8192xf32> to vector<64x128xf32>
    %add3A_669 = arith.addf %add3A_667, %slice3A_668 : vector<64x128xf32>
    %lt3A_670 = arith.cmpf olt, %add3A_669, %select_n3A_660 : vector<64x128xf32>
    %select_n3A_671 = arith.select %lt3A_670, %add3A_669, %select_n3A_660 : vector<64x128xi1>, vector<64x128xf32>
    %jit3A_672 = arith.constant 60 : i32
    %broadcast_in_dim3A_673 = vector.broadcast %jit3A_672 : i32 to vector<64x128xi32>
    %select_n3A_674 = arith.select %lt3A_670, %broadcast_in_dim3A_673, %select_n3A_663 : vector<64x128xi1>, vector<64x128xi32>
    %slice3A_675 = vector.extract_strided_slice %get3A_11 {offsets = [0, 7808], sizes = [1, 128], strides = [1, 1]} : vector<1x8192xf32> to vector<1x128xf32>
    %add3A_676 = vector.broadcast %slice3A : vector<64x1xf32> to vector<64x128xf32>
    %add3A_677 = vector.broadcast %slice3A_675 : vector<1x128xf32> to vector<64x128xf32>
    %add3A_678 = arith.addf %add3A_676, %add3A_677 : vector<64x128xf32>
    %slice3A_679 = vector.extract_strided_slice %dot_general3A_5 {offsets = [0, 7808], sizes = [64, 128], strides = [1, 1]} : vector<256x8192xf32> to vector<64x128xf32>
    %add3A_680 = arith.addf %add3A_678, %slice3A_679 : vector<64x128xf32>
    %lt3A_681 = arith.cmpf olt, %add3A_680, %select_n3A_671 : vector<64x128xf32>
    %select_n3A_682 = arith.select %lt3A_681, %add3A_680, %select_n3A_671 : vector<64x128xi1>, vector<64x128xf32>
    %jit3A_683 = arith.constant 61 : i32
    %broadcast_in_dim3A_684 = vector.broadcast %jit3A_683 : i32 to vector<64x128xi32>
    %select_n3A_685 = arith.select %lt3A_681, %broadcast_in_dim3A_684, %select_n3A_674 : vector<64x128xi1>, vector<64x128xi32>
    %slice3A_686 = vector.extract_strided_slice %get3A_11 {offsets = [0, 7936], sizes = [1, 128], strides = [1, 1]} : vector<1x8192xf32> to vector<1x128xf32>
    %add3A_687 = vector.broadcast %slice3A : vector<64x1xf32> to vector<64x128xf32>
    %add3A_688 = vector.broadcast %slice3A_686 : vector<1x128xf32> to vector<64x128xf32>
    %add3A_689 = arith.addf %add3A_687, %add3A_688 : vector<64x128xf32>
    %slice3A_690 = vector.extract_strided_slice %dot_general3A_5 {offsets = [0, 7936], sizes = [64, 128], strides = [1, 1]} : vector<256x8192xf32> to vector<64x128xf32>
    %add3A_691 = arith.addf %add3A_689, %slice3A_690 : vector<64x128xf32>
    %lt3A_692 = arith.cmpf olt, %add3A_691, %select_n3A_682 : vector<64x128xf32>
    %select_n3A_693 = arith.select %lt3A_692, %add3A_691, %select_n3A_682 : vector<64x128xi1>, vector<64x128xf32>
    %jit3A_694 = arith.constant 62 : i32
    %broadcast_in_dim3A_695 = vector.broadcast %jit3A_694 : i32 to vector<64x128xi32>
    %select_n3A_696 = arith.select %lt3A_692, %broadcast_in_dim3A_695, %select_n3A_685 : vector<64x128xi1>, vector<64x128xi32>
    %slice3A_697 = vector.extract_strided_slice %get3A_11 {offsets = [0, 8064], sizes = [1, 128], strides = [1, 1]} : vector<1x8192xf32> to vector<1x128xf32>
    %add3A_698 = vector.broadcast %slice3A : vector<64x1xf32> to vector<64x128xf32>
    %add3A_699 = vector.broadcast %slice3A_697 : vector<1x128xf32> to vector<64x128xf32>
    %add3A_700 = arith.addf %add3A_698, %add3A_699 : vector<64x128xf32>
    %slice3A_701 = vector.extract_strided_slice %dot_general3A_5 {offsets = [0, 8064], sizes = [64, 128], strides = [1, 1]} : vector<256x8192xf32> to vector<64x128xf32>
    %add3A_702 = arith.addf %add3A_700, %slice3A_701 : vector<64x128xf32>
    %lt3A_703 = arith.cmpf olt, %add3A_702, %select_n3A_693 : vector<64x128xf32>
    %select_n3A_704 = arith.select %lt3A_703, %add3A_702, %select_n3A_693 : vector<64x128xi1>, vector<64x128xf32>
    %jit3A_705 = arith.constant 63 : i32
    %broadcast_in_dim3A_706 = vector.broadcast %jit3A_705 : i32 to vector<64x128xi32>
    %select_n3A_707 = arith.select %lt3A_703, %broadcast_in_dim3A_706, %select_n3A_696 : vector<64x128xi1>, vector<64x128xi32>
    %reduce_min3A = arith.constant dense<0x7F800000> : vector<64xf32>
    %reduce_min3A_708 = vector.multi_reduction <minimumf>, %select_n3A_704, %reduce_min3A [1] : vector<64x128xf32> to vector<64xf32>
    %broadcast_in_dim3A_709 = vector.shape_cast %reduce_min3A_708 : vector<64xf32> to vector<64x1xf32>
    %convert_element_type3A_710 = arith.sitofp %select_n3A_707 : vector<64x128xi32> to vector<64x128xf32>
    %mul3A = arith.constant 1.280000e+02 : f32
    %mul3A_711 = vector.broadcast %mul3A : f32 to vector<64x128xf32>
    %mul3A_712 = arith.mulf %convert_element_type3A_710, %mul3A_711 : vector<64x128xf32>
    %add3A_713 = arith.addf %mul3A_712, %convert_element_type3A : vector<64x128xf32>
    %eq3A = vector.broadcast %broadcast_in_dim3A_709 : vector<64x1xf32> to vector<64x128xf32>
    %eq3A_714 = arith.cmpf oeq, %select_n3A_704, %eq3A : vector<64x128xf32>
    %jit3A_715 = arith.constant 8.192000e+03 : f32
    %broadcast_in_dim3A_716 = vector.broadcast %jit3A_715 : f32 to vector<64x128xf32>
    %select_n3A_717 = arith.select %eq3A_714, %add3A_713, %broadcast_in_dim3A_716 : vector<64x128xi1>, vector<64x128xf32>
    %reduce_min3A_718 = arith.constant dense<0x7F800000> : vector<64xf32>
    %reduce_min3A_719 = vector.multi_reduction <minimumf>, %select_n3A_717, %reduce_min3A_718 [1] : vector<64x128xf32> to vector<64xf32>
    %convert_element_type3A_720 = arith.fptosi %reduce_min3A_719 : vector<64xf32> to vector<64xi32>
    %reduce_sum3A = vector.shape_cast %broadcast_in_dim3A_709 : vector<64x1xf32> to vector<1x64x1xf32>
    %reduce_sum3A_721 = arith.constant dense<0.000000e+00> : vector<1xf32>
    %reduce_sum3A_722 = vector.multi_reduction <add>, %reduce_sum3A, %reduce_sum3A_721 [1, 2] : vector<1x64x1xf32> to vector<1xf32>
    %reduce_sum3A_723 = vector.shape_cast %reduce_sum3A_722 : vector<1xf32> to vector<1x1x1xf32>
    %reduce_sum3A_724 = vector.extract %reduce_sum3A_723[0, 0, 0] : f32 from vector<1x1x1xf32>
    %add3A_725 = arith.constant 0.000000e+00 : f32
    %add3A_726 = arith.addf %add3A_725, %reduce_sum3A_724 : f32
    %slice3A_727 = vector.extract_strided_slice %get3A_8 {offsets = [64, 0], sizes = [64, 1], strides = [1, 1]} : vector<256x1xf32> to vector<64x1xf32>
    %slice3A_728 = vector.extract_strided_slice %get3A_11 {offsets = [0, 0], sizes = [1, 128], strides = [1, 1]} : vector<1x8192xf32> to vector<1x128xf32>
    %add3A_729 = vector.broadcast %slice3A_727 : vector<64x1xf32> to vector<64x128xf32>
    %add3A_730 = vector.broadcast %slice3A_728 : vector<1x128xf32> to vector<64x128xf32>
    %add3A_731 = arith.addf %add3A_729, %add3A_730 : vector<64x128xf32>
    %slice3A_732 = vector.extract_strided_slice %dot_general3A_5 {offsets = [64, 0], sizes = [64, 128], strides = [1, 1]} : vector<256x8192xf32> to vector<64x128xf32>
    %add3A_733 = arith.addf %add3A_731, %slice3A_732 : vector<64x128xf32>
    %broadcast_in_dim3A_734 = arith.constant 0 : i32
    %broadcast_in_dim3A_735 = vector.broadcast %broadcast_in_dim3A_734 : i32 to vector<64x128xi32>
    %slice3A_736 = vector.extract_strided_slice %get3A_11 {offsets = [0, 128], sizes = [1, 128], strides = [1, 1]} : vector<1x8192xf32> to vector<1x128xf32>
    %add3A_737 = vector.broadcast %slice3A_727 : vector<64x1xf32> to vector<64x128xf32>
    %add3A_738 = vector.broadcast %slice3A_736 : vector<1x128xf32> to vector<64x128xf32>
    %add3A_739 = arith.addf %add3A_737, %add3A_738 : vector<64x128xf32>
    %slice3A_740 = vector.extract_strided_slice %dot_general3A_5 {offsets = [64, 128], sizes = [64, 128], strides = [1, 1]} : vector<256x8192xf32> to vector<64x128xf32>
    %add3A_741 = arith.addf %add3A_739, %slice3A_740 : vector<64x128xf32>
    %lt3A_742 = arith.cmpf olt, %add3A_741, %add3A_733 : vector<64x128xf32>
    %select_n3A_743 = arith.select %lt3A_742, %add3A_741, %add3A_733 : vector<64x128xi1>, vector<64x128xf32>
    %jit3A_744 = arith.constant 1 : i32
    %broadcast_in_dim3A_745 = vector.broadcast %jit3A_744 : i32 to vector<64x128xi32>
    %select_n3A_746 = arith.select %lt3A_742, %broadcast_in_dim3A_745, %broadcast_in_dim3A_735 : vector<64x128xi1>, vector<64x128xi32>
    %slice3A_747 = vector.extract_strided_slice %get3A_11 {offsets = [0, 256], sizes = [1, 128], strides = [1, 1]} : vector<1x8192xf32> to vector<1x128xf32>
    %add3A_748 = vector.broadcast %slice3A_727 : vector<64x1xf32> to vector<64x128xf32>
    %add3A_749 = vector.broadcast %slice3A_747 : vector<1x128xf32> to vector<64x128xf32>
    %add3A_750 = arith.addf %add3A_748, %add3A_749 : vector<64x128xf32>
    %slice3A_751 = vector.extract_strided_slice %dot_general3A_5 {offsets = [64, 256], sizes = [64, 128], strides = [1, 1]} : vector<256x8192xf32> to vector<64x128xf32>
    %add3A_752 = arith.addf %add3A_750, %slice3A_751 : vector<64x128xf32>
    %lt3A_753 = arith.cmpf olt, %add3A_752, %select_n3A_743 : vector<64x128xf32>
    %select_n3A_754 = arith.select %lt3A_753, %add3A_752, %select_n3A_743 : vector<64x128xi1>, vector<64x128xf32>
    %jit3A_755 = arith.constant 2 : i32
    %broadcast_in_dim3A_756 = vector.broadcast %jit3A_755 : i32 to vector<64x128xi32>
    %select_n3A_757 = arith.select %lt3A_753, %broadcast_in_dim3A_756, %select_n3A_746 : vector<64x128xi1>, vector<64x128xi32>
    %slice3A_758 = vector.extract_strided_slice %get3A_11 {offsets = [0, 384], sizes = [1, 128], strides = [1, 1]} : vector<1x8192xf32> to vector<1x128xf32>
    %add3A_759 = vector.broadcast %slice3A_727 : vector<64x1xf32> to vector<64x128xf32>
    %add3A_760 = vector.broadcast %slice3A_758 : vector<1x128xf32> to vector<64x128xf32>
    %add3A_761 = arith.addf %add3A_759, %add3A_760 : vector<64x128xf32>
    %slice3A_762 = vector.extract_strided_slice %dot_general3A_5 {offsets = [64, 384], sizes = [64, 128], strides = [1, 1]} : vector<256x8192xf32> to vector<64x128xf32>
    %add3A_763 = arith.addf %add3A_761, %slice3A_762 : vector<64x128xf32>
    %lt3A_764 = arith.cmpf olt, %add3A_763, %select_n3A_754 : vector<64x128xf32>
    %select_n3A_765 = arith.select %lt3A_764, %add3A_763, %select_n3A_754 : vector<64x128xi1>, vector<64x128xf32>
    %jit3A_766 = arith.constant 3 : i32
    %broadcast_in_dim3A_767 = vector.broadcast %jit3A_766 : i32 to vector<64x128xi32>
    %select_n3A_768 = arith.select %lt3A_764, %broadcast_in_dim3A_767, %select_n3A_757 : vector<64x128xi1>, vector<64x128xi32>
    %slice3A_769 = vector.extract_strided_slice %get3A_11 {offsets = [0, 512], sizes = [1, 128], strides = [1, 1]} : vector<1x8192xf32> to vector<1x128xf32>
    %add3A_770 = vector.broadcast %slice3A_727 : vector<64x1xf32> to vector<64x128xf32>
    %add3A_771 = vector.broadcast %slice3A_769 : vector<1x128xf32> to vector<64x128xf32>
    %add3A_772 = arith.addf %add3A_770, %add3A_771 : vector<64x128xf32>
    %slice3A_773 = vector.extract_strided_slice %dot_general3A_5 {offsets = [64, 512], sizes = [64, 128], strides = [1, 1]} : vector<256x8192xf32> to vector<64x128xf32>
    %add3A_774 = arith.addf %add3A_772, %slice3A_773 : vector<64x128xf32>
    %lt3A_775 = arith.cmpf olt, %add3A_774, %select_n3A_765 : vector<64x128xf32>
    %select_n3A_776 = arith.select %lt3A_775, %add3A_774, %select_n3A_765 : vector<64x128xi1>, vector<64x128xf32>
    %jit3A_777 = arith.constant 4 : i32
    %broadcast_in_dim3A_778 = vector.broadcast %jit3A_777 : i32 to vector<64x128xi32>
    %select_n3A_779 = arith.select %lt3A_775, %broadcast_in_dim3A_778, %select_n3A_768 : vector<64x128xi1>, vector<64x128xi32>
    %slice3A_780 = vector.extract_strided_slice %get3A_11 {offsets = [0, 640], sizes = [1, 128], strides = [1, 1]} : vector<1x8192xf32> to vector<1x128xf32>
    %add3A_781 = vector.broadcast %slice3A_727 : vector<64x1xf32> to vector<64x128xf32>
    %add3A_782 = vector.broadcast %slice3A_780 : vector<1x128xf32> to vector<64x128xf32>
    %add3A_783 = arith.addf %add3A_781, %add3A_782 : vector<64x128xf32>
    %slice3A_784 = vector.extract_strided_slice %dot_general3A_5 {offsets = [64, 640], sizes = [64, 128], strides = [1, 1]} : vector<256x8192xf32> to vector<64x128xf32>
    %add3A_785 = arith.addf %add3A_783, %slice3A_784 : vector<64x128xf32>
    %lt3A_786 = arith.cmpf olt, %add3A_785, %select_n3A_776 : vector<64x128xf32>
    %select_n3A_787 = arith.select %lt3A_786, %add3A_785, %select_n3A_776 : vector<64x128xi1>, vector<64x128xf32>
    %jit3A_788 = arith.constant 5 : i32
    %broadcast_in_dim3A_789 = vector.broadcast %jit3A_788 : i32 to vector<64x128xi32>
    %select_n3A_790 = arith.select %lt3A_786, %broadcast_in_dim3A_789, %select_n3A_779 : vector<64x128xi1>, vector<64x128xi32>
    %slice3A_791 = vector.extract_strided_slice %get3A_11 {offsets = [0, 768], sizes = [1, 128], strides = [1, 1]} : vector<1x8192xf32> to vector<1x128xf32>
    %add3A_792 = vector.broadcast %slice3A_727 : vector<64x1xf32> to vector<64x128xf32>
    %add3A_793 = vector.broadcast %slice3A_791 : vector<1x128xf32> to vector<64x128xf32>
    %add3A_794 = arith.addf %add3A_792, %add3A_793 : vector<64x128xf32>
    %slice3A_795 = vector.extract_strided_slice %dot_general3A_5 {offsets = [64, 768], sizes = [64, 128], strides = [1, 1]} : vector<256x8192xf32> to vector<64x128xf32>
    %add3A_796 = arith.addf %add3A_794, %slice3A_795 : vector<64x128xf32>
    %lt3A_797 = arith.cmpf olt, %add3A_796, %select_n3A_787 : vector<64x128xf32>
    %select_n3A_798 = arith.select %lt3A_797, %add3A_796, %select_n3A_787 : vector<64x128xi1>, vector<64x128xf32>
    %jit3A_799 = arith.constant 6 : i32
    %broadcast_in_dim3A_800 = vector.broadcast %jit3A_799 : i32 to vector<64x128xi32>
    %select_n3A_801 = arith.select %lt3A_797, %broadcast_in_dim3A_800, %select_n3A_790 : vector<64x128xi1>, vector<64x128xi32>
    %slice3A_802 = vector.extract_strided_slice %get3A_11 {offsets = [0, 896], sizes = [1, 128], strides = [1, 1]} : vector<1x8192xf32> to vector<1x128xf32>
    %add3A_803 = vector.broadcast %slice3A_727 : vector<64x1xf32> to vector<64x128xf32>
    %add3A_804 = vector.broadcast %slice3A_802 : vector<1x128xf32> to vector<64x128xf32>
    %add3A_805 = arith.addf %add3A_803, %add3A_804 : vector<64x128xf32>
    %slice3A_806 = vector.extract_strided_slice %dot_general3A_5 {offsets = [64, 896], sizes = [64, 128], strides = [1, 1]} : vector<256x8192xf32> to vector<64x128xf32>
    %add3A_807 = arith.addf %add3A_805, %slice3A_806 : vector<64x128xf32>
    %lt3A_808 = arith.cmpf olt, %add3A_807, %select_n3A_798 : vector<64x128xf32>
    %select_n3A_809 = arith.select %lt3A_808, %add3A_807, %select_n3A_798 : vector<64x128xi1>, vector<64x128xf32>
    %jit3A_810 = arith.constant 7 : i32
    %broadcast_in_dim3A_811 = vector.broadcast %jit3A_810 : i32 to vector<64x128xi32>
    %select_n3A_812 = arith.select %lt3A_808, %broadcast_in_dim3A_811, %select_n3A_801 : vector<64x128xi1>, vector<64x128xi32>
    %slice3A_813 = vector.extract_strided_slice %get3A_11 {offsets = [0, 1024], sizes = [1, 128], strides = [1, 1]} : vector<1x8192xf32> to vector<1x128xf32>
    %add3A_814 = vector.broadcast %slice3A_727 : vector<64x1xf32> to vector<64x128xf32>
    %add3A_815 = vector.broadcast %slice3A_813 : vector<1x128xf32> to vector<64x128xf32>
    %add3A_816 = arith.addf %add3A_814, %add3A_815 : vector<64x128xf32>
    %slice3A_817 = vector.extract_strided_slice %dot_general3A_5 {offsets = [64, 1024], sizes = [64, 128], strides = [1, 1]} : vector<256x8192xf32> to vector<64x128xf32>
    %add3A_818 = arith.addf %add3A_816, %slice3A_817 : vector<64x128xf32>
    %lt3A_819 = arith.cmpf olt, %add3A_818, %select_n3A_809 : vector<64x128xf32>
    %select_n3A_820 = arith.select %lt3A_819, %add3A_818, %select_n3A_809 : vector<64x128xi1>, vector<64x128xf32>
    %jit3A_821 = arith.constant 8 : i32
    %broadcast_in_dim3A_822 = vector.broadcast %jit3A_821 : i32 to vector<64x128xi32>
    %select_n3A_823 = arith.select %lt3A_819, %broadcast_in_dim3A_822, %select_n3A_812 : vector<64x128xi1>, vector<64x128xi32>
    %slice3A_824 = vector.extract_strided_slice %get3A_11 {offsets = [0, 1152], sizes = [1, 128], strides = [1, 1]} : vector<1x8192xf32> to vector<1x128xf32>
    %add3A_825 = vector.broadcast %slice3A_727 : vector<64x1xf32> to vector<64x128xf32>
    %add3A_826 = vector.broadcast %slice3A_824 : vector<1x128xf32> to vector<64x128xf32>
    %add3A_827 = arith.addf %add3A_825, %add3A_826 : vector<64x128xf32>
    %slice3A_828 = vector.extract_strided_slice %dot_general3A_5 {offsets = [64, 1152], sizes = [64, 128], strides = [1, 1]} : vector<256x8192xf32> to vector<64x128xf32>
    %add3A_829 = arith.addf %add3A_827, %slice3A_828 : vector<64x128xf32>
    %lt3A_830 = arith.cmpf olt, %add3A_829, %select_n3A_820 : vector<64x128xf32>
    %select_n3A_831 = arith.select %lt3A_830, %add3A_829, %select_n3A_820 : vector<64x128xi1>, vector<64x128xf32>
    %jit3A_832 = arith.constant 9 : i32
    %broadcast_in_dim3A_833 = vector.broadcast %jit3A_832 : i32 to vector<64x128xi32>
    %select_n3A_834 = arith.select %lt3A_830, %broadcast_in_dim3A_833, %select_n3A_823 : vector<64x128xi1>, vector<64x128xi32>
    %slice3A_835 = vector.extract_strided_slice %get3A_11 {offsets = [0, 1280], sizes = [1, 128], strides = [1, 1]} : vector<1x8192xf32> to vector<1x128xf32>
    %add3A_836 = vector.broadcast %slice3A_727 : vector<64x1xf32> to vector<64x128xf32>
    %add3A_837 = vector.broadcast %slice3A_835 : vector<1x128xf32> to vector<64x128xf32>
    %add3A_838 = arith.addf %add3A_836, %add3A_837 : vector<64x128xf32>
    %slice3A_839 = vector.extract_strided_slice %dot_general3A_5 {offsets = [64, 1280], sizes = [64, 128], strides = [1, 1]} : vector<256x8192xf32> to vector<64x128xf32>
    %add3A_840 = arith.addf %add3A_838, %slice3A_839 : vector<64x128xf32>
    %lt3A_841 = arith.cmpf olt, %add3A_840, %select_n3A_831 : vector<64x128xf32>
    %select_n3A_842 = arith.select %lt3A_841, %add3A_840, %select_n3A_831 : vector<64x128xi1>, vector<64x128xf32>
    %jit3A_843 = arith.constant 10 : i32
    %broadcast_in_dim3A_844 = vector.broadcast %jit3A_843 : i32 to vector<64x128xi32>
    %select_n3A_845 = arith.select %lt3A_841, %broadcast_in_dim3A_844, %select_n3A_834 : vector<64x128xi1>, vector<64x128xi32>
    %slice3A_846 = vector.extract_strided_slice %get3A_11 {offsets = [0, 1408], sizes = [1, 128], strides = [1, 1]} : vector<1x8192xf32> to vector<1x128xf32>
    %add3A_847 = vector.broadcast %slice3A_727 : vector<64x1xf32> to vector<64x128xf32>
    %add3A_848 = vector.broadcast %slice3A_846 : vector<1x128xf32> to vector<64x128xf32>
    %add3A_849 = arith.addf %add3A_847, %add3A_848 : vector<64x128xf32>
    %slice3A_850 = vector.extract_strided_slice %dot_general3A_5 {offsets = [64, 1408], sizes = [64, 128], strides = [1, 1]} : vector<256x8192xf32> to vector<64x128xf32>
    %add3A_851 = arith.addf %add3A_849, %slice3A_850 : vector<64x128xf32>
    %lt3A_852 = arith.cmpf olt, %add3A_851, %select_n3A_842 : vector<64x128xf32>
    %select_n3A_853 = arith.select %lt3A_852, %add3A_851, %select_n3A_842 : vector<64x128xi1>, vector<64x128xf32>
    %jit3A_854 = arith.constant 11 : i32
    %broadcast_in_dim3A_855 = vector.broadcast %jit3A_854 : i32 to vector<64x128xi32>
    %select_n3A_856 = arith.select %lt3A_852, %broadcast_in_dim3A_855, %select_n3A_845 : vector<64x128xi1>, vector<64x128xi32>
    %slice3A_857 = vector.extract_strided_slice %get3A_11 {offsets = [0, 1536], sizes = [1, 128], strides = [1, 1]} : vector<1x8192xf32> to vector<1x128xf32>
    %add3A_858 = vector.broadcast %slice3A_727 : vector<64x1xf32> to vector<64x128xf32>
    %add3A_859 = vector.broadcast %slice3A_857 : vector<1x128xf32> to vector<64x128xf32>
    %add3A_860 = arith.addf %add3A_858, %add3A_859 : vector<64x128xf32>
    %slice3A_861 = vector.extract_strided_slice %dot_general3A_5 {offsets = [64, 1536], sizes = [64, 128], strides = [1, 1]} : vector<256x8192xf32> to vector<64x128xf32>
    %add3A_862 = arith.addf %add3A_860, %slice3A_861 : vector<64x128xf32>
    %lt3A_863 = arith.cmpf olt, %add3A_862, %select_n3A_853 : vector<64x128xf32>
    %select_n3A_864 = arith.select %lt3A_863, %add3A_862, %select_n3A_853 : vector<64x128xi1>, vector<64x128xf32>
    %jit3A_865 = arith.constant 12 : i32
    %broadcast_in_dim3A_866 = vector.broadcast %jit3A_865 : i32 to vector<64x128xi32>
    %select_n3A_867 = arith.select %lt3A_863, %broadcast_in_dim3A_866, %select_n3A_856 : vector<64x128xi1>, vector<64x128xi32>
    %slice3A_868 = vector.extract_strided_slice %get3A_11 {offsets = [0, 1664], sizes = [1, 128], strides = [1, 1]} : vector<1x8192xf32> to vector<1x128xf32>
    %add3A_869 = vector.broadcast %slice3A_727 : vector<64x1xf32> to vector<64x128xf32>
    %add3A_870 = vector.broadcast %slice3A_868 : vector<1x128xf32> to vector<64x128xf32>
    %add3A_871 = arith.addf %add3A_869, %add3A_870 : vector<64x128xf32>
    %slice3A_872 = vector.extract_strided_slice %dot_general3A_5 {offsets = [64, 1664], sizes = [64, 128], strides = [1, 1]} : vector<256x8192xf32> to vector<64x128xf32>
    %add3A_873 = arith.addf %add3A_871, %slice3A_872 : vector<64x128xf32>
    %lt3A_874 = arith.cmpf olt, %add3A_873, %select_n3A_864 : vector<64x128xf32>
    %select_n3A_875 = arith.select %lt3A_874, %add3A_873, %select_n3A_864 : vector<64x128xi1>, vector<64x128xf32>
    %jit3A_876 = arith.constant 13 : i32
    %broadcast_in_dim3A_877 = vector.broadcast %jit3A_876 : i32 to vector<64x128xi32>
    %select_n3A_878 = arith.select %lt3A_874, %broadcast_in_dim3A_877, %select_n3A_867 : vector<64x128xi1>, vector<64x128xi32>
    %slice3A_879 = vector.extract_strided_slice %get3A_11 {offsets = [0, 1792], sizes = [1, 128], strides = [1, 1]} : vector<1x8192xf32> to vector<1x128xf32>
    %add3A_880 = vector.broadcast %slice3A_727 : vector<64x1xf32> to vector<64x128xf32>
    %add3A_881 = vector.broadcast %slice3A_879 : vector<1x128xf32> to vector<64x128xf32>
    %add3A_882 = arith.addf %add3A_880, %add3A_881 : vector<64x128xf32>
    %slice3A_883 = vector.extract_strided_slice %dot_general3A_5 {offsets = [64, 1792], sizes = [64, 128], strides = [1, 1]} : vector<256x8192xf32> to vector<64x128xf32>
    %add3A_884 = arith.addf %add3A_882, %slice3A_883 : vector<64x128xf32>
    %lt3A_885 = arith.cmpf olt, %add3A_884, %select_n3A_875 : vector<64x128xf32>
    %select_n3A_886 = arith.select %lt3A_885, %add3A_884, %select_n3A_875 : vector<64x128xi1>, vector<64x128xf32>
    %jit3A_887 = arith.constant 14 : i32
    %broadcast_in_dim3A_888 = vector.broadcast %jit3A_887 : i32 to vector<64x128xi32>
    %select_n3A_889 = arith.select %lt3A_885, %broadcast_in_dim3A_888, %select_n3A_878 : vector<64x128xi1>, vector<64x128xi32>
    %slice3A_890 = vector.extract_strided_slice %get3A_11 {offsets = [0, 1920], sizes = [1, 128], strides = [1, 1]} : vector<1x8192xf32> to vector<1x128xf32>
    %add3A_891 = vector.broadcast %slice3A_727 : vector<64x1xf32> to vector<64x128xf32>
    %add3A_892 = vector.broadcast %slice3A_890 : vector<1x128xf32> to vector<64x128xf32>
    %add3A_893 = arith.addf %add3A_891, %add3A_892 : vector<64x128xf32>
    %slice3A_894 = vector.extract_strided_slice %dot_general3A_5 {offsets = [64, 1920], sizes = [64, 128], strides = [1, 1]} : vector<256x8192xf32> to vector<64x128xf32>
    %add3A_895 = arith.addf %add3A_893, %slice3A_894 : vector<64x128xf32>
    %lt3A_896 = arith.cmpf olt, %add3A_895, %select_n3A_886 : vector<64x128xf32>
    %select_n3A_897 = arith.select %lt3A_896, %add3A_895, %select_n3A_886 : vector<64x128xi1>, vector<64x128xf32>
    %jit3A_898 = arith.constant 15 : i32
    %broadcast_in_dim3A_899 = vector.broadcast %jit3A_898 : i32 to vector<64x128xi32>
    %select_n3A_900 = arith.select %lt3A_896, %broadcast_in_dim3A_899, %select_n3A_889 : vector<64x128xi1>, vector<64x128xi32>
    %slice3A_901 = vector.extract_strided_slice %get3A_11 {offsets = [0, 2048], sizes = [1, 128], strides = [1, 1]} : vector<1x8192xf32> to vector<1x128xf32>
    %add3A_902 = vector.broadcast %slice3A_727 : vector<64x1xf32> to vector<64x128xf32>
    %add3A_903 = vector.broadcast %slice3A_901 : vector<1x128xf32> to vector<64x128xf32>
    %add3A_904 = arith.addf %add3A_902, %add3A_903 : vector<64x128xf32>
    %slice3A_905 = vector.extract_strided_slice %dot_general3A_5 {offsets = [64, 2048], sizes = [64, 128], strides = [1, 1]} : vector<256x8192xf32> to vector<64x128xf32>
    %add3A_906 = arith.addf %add3A_904, %slice3A_905 : vector<64x128xf32>
    %lt3A_907 = arith.cmpf olt, %add3A_906, %select_n3A_897 : vector<64x128xf32>
    %select_n3A_908 = arith.select %lt3A_907, %add3A_906, %select_n3A_897 : vector<64x128xi1>, vector<64x128xf32>
    %jit3A_909 = arith.constant 16 : i32
    %broadcast_in_dim3A_910 = vector.broadcast %jit3A_909 : i32 to vector<64x128xi32>
    %select_n3A_911 = arith.select %lt3A_907, %broadcast_in_dim3A_910, %select_n3A_900 : vector<64x128xi1>, vector<64x128xi32>
    %slice3A_912 = vector.extract_strided_slice %get3A_11 {offsets = [0, 2176], sizes = [1, 128], strides = [1, 1]} : vector<1x8192xf32> to vector<1x128xf32>
    %add3A_913 = vector.broadcast %slice3A_727 : vector<64x1xf32> to vector<64x128xf32>
    %add3A_914 = vector.broadcast %slice3A_912 : vector<1x128xf32> to vector<64x128xf32>
    %add3A_915 = arith.addf %add3A_913, %add3A_914 : vector<64x128xf32>
    %slice3A_916 = vector.extract_strided_slice %dot_general3A_5 {offsets = [64, 2176], sizes = [64, 128], strides = [1, 1]} : vector<256x8192xf32> to vector<64x128xf32>
    %add3A_917 = arith.addf %add3A_915, %slice3A_916 : vector<64x128xf32>
    %lt3A_918 = arith.cmpf olt, %add3A_917, %select_n3A_908 : vector<64x128xf32>
    %select_n3A_919 = arith.select %lt3A_918, %add3A_917, %select_n3A_908 : vector<64x128xi1>, vector<64x128xf32>
    %jit3A_920 = arith.constant 17 : i32
    %broadcast_in_dim3A_921 = vector.broadcast %jit3A_920 : i32 to vector<64x128xi32>
    %select_n3A_922 = arith.select %lt3A_918, %broadcast_in_dim3A_921, %select_n3A_911 : vector<64x128xi1>, vector<64x128xi32>
    %slice3A_923 = vector.extract_strided_slice %get3A_11 {offsets = [0, 2304], sizes = [1, 128], strides = [1, 1]} : vector<1x8192xf32> to vector<1x128xf32>
    %add3A_924 = vector.broadcast %slice3A_727 : vector<64x1xf32> to vector<64x128xf32>
    %add3A_925 = vector.broadcast %slice3A_923 : vector<1x128xf32> to vector<64x128xf32>
    %add3A_926 = arith.addf %add3A_924, %add3A_925 : vector<64x128xf32>
    %slice3A_927 = vector.extract_strided_slice %dot_general3A_5 {offsets = [64, 2304], sizes = [64, 128], strides = [1, 1]} : vector<256x8192xf32> to vector<64x128xf32>
    %add3A_928 = arith.addf %add3A_926, %slice3A_927 : vector<64x128xf32>
    %lt3A_929 = arith.cmpf olt, %add3A_928, %select_n3A_919 : vector<64x128xf32>
    %select_n3A_930 = arith.select %lt3A_929, %add3A_928, %select_n3A_919 : vector<64x128xi1>, vector<64x128xf32>
    %jit3A_931 = arith.constant 18 : i32
    %broadcast_in_dim3A_932 = vector.broadcast %jit3A_931 : i32 to vector<64x128xi32>
    %select_n3A_933 = arith.select %lt3A_929, %broadcast_in_dim3A_932, %select_n3A_922 : vector<64x128xi1>, vector<64x128xi32>
    %slice3A_934 = vector.extract_strided_slice %get3A_11 {offsets = [0, 2432], sizes = [1, 128], strides = [1, 1]} : vector<1x8192xf32> to vector<1x128xf32>
    %add3A_935 = vector.broadcast %slice3A_727 : vector<64x1xf32> to vector<64x128xf32>
    %add3A_936 = vector.broadcast %slice3A_934 : vector<1x128xf32> to vector<64x128xf32>
    %add3A_937 = arith.addf %add3A_935, %add3A_936 : vector<64x128xf32>
    %slice3A_938 = vector.extract_strided_slice %dot_general3A_5 {offsets = [64, 2432], sizes = [64, 128], strides = [1, 1]} : vector<256x8192xf32> to vector<64x128xf32>
    %add3A_939 = arith.addf %add3A_937, %slice3A_938 : vector<64x128xf32>
    %lt3A_940 = arith.cmpf olt, %add3A_939, %select_n3A_930 : vector<64x128xf32>
    %select_n3A_941 = arith.select %lt3A_940, %add3A_939, %select_n3A_930 : vector<64x128xi1>, vector<64x128xf32>
    %jit3A_942 = arith.constant 19 : i32
    %broadcast_in_dim3A_943 = vector.broadcast %jit3A_942 : i32 to vector<64x128xi32>
    %select_n3A_944 = arith.select %lt3A_940, %broadcast_in_dim3A_943, %select_n3A_933 : vector<64x128xi1>, vector<64x128xi32>
    %slice3A_945 = vector.extract_strided_slice %get3A_11 {offsets = [0, 2560], sizes = [1, 128], strides = [1, 1]} : vector<1x8192xf32> to vector<1x128xf32>
    %add3A_946 = vector.broadcast %slice3A_727 : vector<64x1xf32> to vector<64x128xf32>
    %add3A_947 = vector.broadcast %slice3A_945 : vector<1x128xf32> to vector<64x128xf32>
    %add3A_948 = arith.addf %add3A_946, %add3A_947 : vector<64x128xf32>
    %slice3A_949 = vector.extract_strided_slice %dot_general3A_5 {offsets = [64, 2560], sizes = [64, 128], strides = [1, 1]} : vector<256x8192xf32> to vector<64x128xf32>
    %add3A_950 = arith.addf %add3A_948, %slice3A_949 : vector<64x128xf32>
    %lt3A_951 = arith.cmpf olt, %add3A_950, %select_n3A_941 : vector<64x128xf32>
    %select_n3A_952 = arith.select %lt3A_951, %add3A_950, %select_n3A_941 : vector<64x128xi1>, vector<64x128xf32>
    %jit3A_953 = arith.constant 20 : i32
    %broadcast_in_dim3A_954 = vector.broadcast %jit3A_953 : i32 to vector<64x128xi32>
    %select_n3A_955 = arith.select %lt3A_951, %broadcast_in_dim3A_954, %select_n3A_944 : vector<64x128xi1>, vector<64x128xi32>
    %slice3A_956 = vector.extract_strided_slice %get3A_11 {offsets = [0, 2688], sizes = [1, 128], strides = [1, 1]} : vector<1x8192xf32> to vector<1x128xf32>
    %add3A_957 = vector.broadcast %slice3A_727 : vector<64x1xf32> to vector<64x128xf32>
    %add3A_958 = vector.broadcast %slice3A_956 : vector<1x128xf32> to vector<64x128xf32>
    %add3A_959 = arith.addf %add3A_957, %add3A_958 : vector<64x128xf32>
    %slice3A_960 = vector.extract_strided_slice %dot_general3A_5 {offsets = [64, 2688], sizes = [64, 128], strides = [1, 1]} : vector<256x8192xf32> to vector<64x128xf32>
    %add3A_961 = arith.addf %add3A_959, %slice3A_960 : vector<64x128xf32>
    %lt3A_962 = arith.cmpf olt, %add3A_961, %select_n3A_952 : vector<64x128xf32>
    %select_n3A_963 = arith.select %lt3A_962, %add3A_961, %select_n3A_952 : vector<64x128xi1>, vector<64x128xf32>
    %jit3A_964 = arith.constant 21 : i32
    %broadcast_in_dim3A_965 = vector.broadcast %jit3A_964 : i32 to vector<64x128xi32>
    %select_n3A_966 = arith.select %lt3A_962, %broadcast_in_dim3A_965, %select_n3A_955 : vector<64x128xi1>, vector<64x128xi32>
    %slice3A_967 = vector.extract_strided_slice %get3A_11 {offsets = [0, 2816], sizes = [1, 128], strides = [1, 1]} : vector<1x8192xf32> to vector<1x128xf32>
    %add3A_968 = vector.broadcast %slice3A_727 : vector<64x1xf32> to vector<64x128xf32>
    %add3A_969 = vector.broadcast %slice3A_967 : vector<1x128xf32> to vector<64x128xf32>
    %add3A_970 = arith.addf %add3A_968, %add3A_969 : vector<64x128xf32>
    %slice3A_971 = vector.extract_strided_slice %dot_general3A_5 {offsets = [64, 2816], sizes = [64, 128], strides = [1, 1]} : vector<256x8192xf32> to vector<64x128xf32>
    %add3A_972 = arith.addf %add3A_970, %slice3A_971 : vector<64x128xf32>
    %lt3A_973 = arith.cmpf olt, %add3A_972, %select_n3A_963 : vector<64x128xf32>
    %select_n3A_974 = arith.select %lt3A_973, %add3A_972, %select_n3A_963 : vector<64x128xi1>, vector<64x128xf32>
    %jit3A_975 = arith.constant 22 : i32
    %broadcast_in_dim3A_976 = vector.broadcast %jit3A_975 : i32 to vector<64x128xi32>
    %select_n3A_977 = arith.select %lt3A_973, %broadcast_in_dim3A_976, %select_n3A_966 : vector<64x128xi1>, vector<64x128xi32>
    %slice3A_978 = vector.extract_strided_slice %get3A_11 {offsets = [0, 2944], sizes = [1, 128], strides = [1, 1]} : vector<1x8192xf32> to vector<1x128xf32>
    %add3A_979 = vector.broadcast %slice3A_727 : vector<64x1xf32> to vector<64x128xf32>
    %add3A_980 = vector.broadcast %slice3A_978 : vector<1x128xf32> to vector<64x128xf32>
    %add3A_981 = arith.addf %add3A_979, %add3A_980 : vector<64x128xf32>
    %slice3A_982 = vector.extract_strided_slice %dot_general3A_5 {offsets = [64, 2944], sizes = [64, 128], strides = [1, 1]} : vector<256x8192xf32> to vector<64x128xf32>
    %add3A_983 = arith.addf %add3A_981, %slice3A_982 : vector<64x128xf32>
    %lt3A_984 = arith.cmpf olt, %add3A_983, %select_n3A_974 : vector<64x128xf32>
    %select_n3A_985 = arith.select %lt3A_984, %add3A_983, %select_n3A_974 : vector<64x128xi1>, vector<64x128xf32>
    %jit3A_986 = arith.constant 23 : i32
    %broadcast_in_dim3A_987 = vector.broadcast %jit3A_986 : i32 to vector<64x128xi32>
    %select_n3A_988 = arith.select %lt3A_984, %broadcast_in_dim3A_987, %select_n3A_977 : vector<64x128xi1>, vector<64x128xi32>
    %slice3A_989 = vector.extract_strided_slice %get3A_11 {offsets = [0, 3072], sizes = [1, 128], strides = [1, 1]} : vector<1x8192xf32> to vector<1x128xf32>
    %add3A_990 = vector.broadcast %slice3A_727 : vector<64x1xf32> to vector<64x128xf32>
    %add3A_991 = vector.broadcast %slice3A_989 : vector<1x128xf32> to vector<64x128xf32>
    %add3A_992 = arith.addf %add3A_990, %add3A_991 : vector<64x128xf32>
    %slice3A_993 = vector.extract_strided_slice %dot_general3A_5 {offsets = [64, 3072], sizes = [64, 128], strides = [1, 1]} : vector<256x8192xf32> to vector<64x128xf32>
    %add3A_994 = arith.addf %add3A_992, %slice3A_993 : vector<64x128xf32>
    %lt3A_995 = arith.cmpf olt, %add3A_994, %select_n3A_985 : vector<64x128xf32>
    %select_n3A_996 = arith.select %lt3A_995, %add3A_994, %select_n3A_985 : vector<64x128xi1>, vector<64x128xf32>
    %jit3A_997 = arith.constant 24 : i32
    %broadcast_in_dim3A_998 = vector.broadcast %jit3A_997 : i32 to vector<64x128xi32>
    %select_n3A_999 = arith.select %lt3A_995, %broadcast_in_dim3A_998, %select_n3A_988 : vector<64x128xi1>, vector<64x128xi32>
    %slice3A_1000 = vector.extract_strided_slice %get3A_11 {offsets = [0, 3200], sizes = [1, 128], strides = [1, 1]} : vector<1x8192xf32> to vector<1x128xf32>
    %add3A_1001 = vector.broadcast %slice3A_727 : vector<64x1xf32> to vector<64x128xf32>
    %add3A_1002 = vector.broadcast %slice3A_1000 : vector<1x128xf32> to vector<64x128xf32>
    %add3A_1003 = arith.addf %add3A_1001, %add3A_1002 : vector<64x128xf32>
    %slice3A_1004 = vector.extract_strided_slice %dot_general3A_5 {offsets = [64, 3200], sizes = [64, 128], strides = [1, 1]} : vector<256x8192xf32> to vector<64x128xf32>
    %add3A_1005 = arith.addf %add3A_1003, %slice3A_1004 : vector<64x128xf32>
    %lt3A_1006 = arith.cmpf olt, %add3A_1005, %select_n3A_996 : vector<64x128xf32>
    %select_n3A_1007 = arith.select %lt3A_1006, %add3A_1005, %select_n3A_996 : vector<64x128xi1>, vector<64x128xf32>
    %jit3A_1008 = arith.constant 25 : i32
    %broadcast_in_dim3A_1009 = vector.broadcast %jit3A_1008 : i32 to vector<64x128xi32>
    %select_n3A_1010 = arith.select %lt3A_1006, %broadcast_in_dim3A_1009, %select_n3A_999 : vector<64x128xi1>, vector<64x128xi32>
    %slice3A_1011 = vector.extract_strided_slice %get3A_11 {offsets = [0, 3328], sizes = [1, 128], strides = [1, 1]} : vector<1x8192xf32> to vector<1x128xf32>
    %add3A_1012 = vector.broadcast %slice3A_727 : vector<64x1xf32> to vector<64x128xf32>
    %add3A_1013 = vector.broadcast %slice3A_1011 : vector<1x128xf32> to vector<64x128xf32>
    %add3A_1014 = arith.addf %add3A_1012, %add3A_1013 : vector<64x128xf32>
    %slice3A_1015 = vector.extract_strided_slice %dot_general3A_5 {offsets = [64, 3328], sizes = [64, 128], strides = [1, 1]} : vector<256x8192xf32> to vector<64x128xf32>
    %add3A_1016 = arith.addf %add3A_1014, %slice3A_1015 : vector<64x128xf32>
    %lt3A_1017 = arith.cmpf olt, %add3A_1016, %select_n3A_1007 : vector<64x128xf32>
    %select_n3A_1018 = arith.select %lt3A_1017, %add3A_1016, %select_n3A_1007 : vector<64x128xi1>, vector<64x128xf32>
    %jit3A_1019 = arith.constant 26 : i32
    %broadcast_in_dim3A_1020 = vector.broadcast %jit3A_1019 : i32 to vector<64x128xi32>
    %select_n3A_1021 = arith.select %lt3A_1017, %broadcast_in_dim3A_1020, %select_n3A_1010 : vector<64x128xi1>, vector<64x128xi32>
    %slice3A_1022 = vector.extract_strided_slice %get3A_11 {offsets = [0, 3456], sizes = [1, 128], strides = [1, 1]} : vector<1x8192xf32> to vector<1x128xf32>
    %add3A_1023 = vector.broadcast %slice3A_727 : vector<64x1xf32> to vector<64x128xf32>
    %add3A_1024 = vector.broadcast %slice3A_1022 : vector<1x128xf32> to vector<64x128xf32>
    %add3A_1025 = arith.addf %add3A_1023, %add3A_1024 : vector<64x128xf32>
    %slice3A_1026 = vector.extract_strided_slice %dot_general3A_5 {offsets = [64, 3456], sizes = [64, 128], strides = [1, 1]} : vector<256x8192xf32> to vector<64x128xf32>
    %add3A_1027 = arith.addf %add3A_1025, %slice3A_1026 : vector<64x128xf32>
    %lt3A_1028 = arith.cmpf olt, %add3A_1027, %select_n3A_1018 : vector<64x128xf32>
    %select_n3A_1029 = arith.select %lt3A_1028, %add3A_1027, %select_n3A_1018 : vector<64x128xi1>, vector<64x128xf32>
    %jit3A_1030 = arith.constant 27 : i32
    %broadcast_in_dim3A_1031 = vector.broadcast %jit3A_1030 : i32 to vector<64x128xi32>
    %select_n3A_1032 = arith.select %lt3A_1028, %broadcast_in_dim3A_1031, %select_n3A_1021 : vector<64x128xi1>, vector<64x128xi32>
    %slice3A_1033 = vector.extract_strided_slice %get3A_11 {offsets = [0, 3584], sizes = [1, 128], strides = [1, 1]} : vector<1x8192xf32> to vector<1x128xf32>
    %add3A_1034 = vector.broadcast %slice3A_727 : vector<64x1xf32> to vector<64x128xf32>
    %add3A_1035 = vector.broadcast %slice3A_1033 : vector<1x128xf32> to vector<64x128xf32>
    %add3A_1036 = arith.addf %add3A_1034, %add3A_1035 : vector<64x128xf32>
    %slice3A_1037 = vector.extract_strided_slice %dot_general3A_5 {offsets = [64, 3584], sizes = [64, 128], strides = [1, 1]} : vector<256x8192xf32> to vector<64x128xf32>
    %add3A_1038 = arith.addf %add3A_1036, %slice3A_1037 : vector<64x128xf32>
    %lt3A_1039 = arith.cmpf olt, %add3A_1038, %select_n3A_1029 : vector<64x128xf32>
    %select_n3A_1040 = arith.select %lt3A_1039, %add3A_1038, %select_n3A_1029 : vector<64x128xi1>, vector<64x128xf32>
    %jit3A_1041 = arith.constant 28 : i32
    %broadcast_in_dim3A_1042 = vector.broadcast %jit3A_1041 : i32 to vector<64x128xi32>
    %select_n3A_1043 = arith.select %lt3A_1039, %broadcast_in_dim3A_1042, %select_n3A_1032 : vector<64x128xi1>, vector<64x128xi32>
    %slice3A_1044 = vector.extract_strided_slice %get3A_11 {offsets = [0, 3712], sizes = [1, 128], strides = [1, 1]} : vector<1x8192xf32> to vector<1x128xf32>
    %add3A_1045 = vector.broadcast %slice3A_727 : vector<64x1xf32> to vector<64x128xf32>
    %add3A_1046 = vector.broadcast %slice3A_1044 : vector<1x128xf32> to vector<64x128xf32>
    %add3A_1047 = arith.addf %add3A_1045, %add3A_1046 : vector<64x128xf32>
    %slice3A_1048 = vector.extract_strided_slice %dot_general3A_5 {offsets = [64, 3712], sizes = [64, 128], strides = [1, 1]} : vector<256x8192xf32> to vector<64x128xf32>
    %add3A_1049 = arith.addf %add3A_1047, %slice3A_1048 : vector<64x128xf32>
    %lt3A_1050 = arith.cmpf olt, %add3A_1049, %select_n3A_1040 : vector<64x128xf32>
    %select_n3A_1051 = arith.select %lt3A_1050, %add3A_1049, %select_n3A_1040 : vector<64x128xi1>, vector<64x128xf32>
    %jit3A_1052 = arith.constant 29 : i32
    %broadcast_in_dim3A_1053 = vector.broadcast %jit3A_1052 : i32 to vector<64x128xi32>
    %select_n3A_1054 = arith.select %lt3A_1050, %broadcast_in_dim3A_1053, %select_n3A_1043 : vector<64x128xi1>, vector<64x128xi32>
    %slice3A_1055 = vector.extract_strided_slice %get3A_11 {offsets = [0, 3840], sizes = [1, 128], strides = [1, 1]} : vector<1x8192xf32> to vector<1x128xf32>
    %add3A_1056 = vector.broadcast %slice3A_727 : vector<64x1xf32> to vector<64x128xf32>
    %add3A_1057 = vector.broadcast %slice3A_1055 : vector<1x128xf32> to vector<64x128xf32>
    %add3A_1058 = arith.addf %add3A_1056, %add3A_1057 : vector<64x128xf32>
    %slice3A_1059 = vector.extract_strided_slice %dot_general3A_5 {offsets = [64, 3840], sizes = [64, 128], strides = [1, 1]} : vector<256x8192xf32> to vector<64x128xf32>
    %add3A_1060 = arith.addf %add3A_1058, %slice3A_1059 : vector<64x128xf32>
    %lt3A_1061 = arith.cmpf olt, %add3A_1060, %select_n3A_1051 : vector<64x128xf32>
    %select_n3A_1062 = arith.select %lt3A_1061, %add3A_1060, %select_n3A_1051 : vector<64x128xi1>, vector<64x128xf32>
    %jit3A_1063 = arith.constant 30 : i32
    %broadcast_in_dim3A_1064 = vector.broadcast %jit3A_1063 : i32 to vector<64x128xi32>
    %select_n3A_1065 = arith.select %lt3A_1061, %broadcast_in_dim3A_1064, %select_n3A_1054 : vector<64x128xi1>, vector<64x128xi32>
    %slice3A_1066 = vector.extract_strided_slice %get3A_11 {offsets = [0, 3968], sizes = [1, 128], strides = [1, 1]} : vector<1x8192xf32> to vector<1x128xf32>
    %add3A_1067 = vector.broadcast %slice3A_727 : vector<64x1xf32> to vector<64x128xf32>
    %add3A_1068 = vector.broadcast %slice3A_1066 : vector<1x128xf32> to vector<64x128xf32>
    %add3A_1069 = arith.addf %add3A_1067, %add3A_1068 : vector<64x128xf32>
    %slice3A_1070 = vector.extract_strided_slice %dot_general3A_5 {offsets = [64, 3968], sizes = [64, 128], strides = [1, 1]} : vector<256x8192xf32> to vector<64x128xf32>
    %add3A_1071 = arith.addf %add3A_1069, %slice3A_1070 : vector<64x128xf32>
    %lt3A_1072 = arith.cmpf olt, %add3A_1071, %select_n3A_1062 : vector<64x128xf32>
    %select_n3A_1073 = arith.select %lt3A_1072, %add3A_1071, %select_n3A_1062 : vector<64x128xi1>, vector<64x128xf32>
    %jit3A_1074 = arith.constant 31 : i32
    %broadcast_in_dim3A_1075 = vector.broadcast %jit3A_1074 : i32 to vector<64x128xi32>
    %select_n3A_1076 = arith.select %lt3A_1072, %broadcast_in_dim3A_1075, %select_n3A_1065 : vector<64x128xi1>, vector<64x128xi32>
    %slice3A_1077 = vector.extract_strided_slice %get3A_11 {offsets = [0, 4096], sizes = [1, 128], strides = [1, 1]} : vector<1x8192xf32> to vector<1x128xf32>
    %add3A_1078 = vector.broadcast %slice3A_727 : vector<64x1xf32> to vector<64x128xf32>
    %add3A_1079 = vector.broadcast %slice3A_1077 : vector<1x128xf32> to vector<64x128xf32>
    %add3A_1080 = arith.addf %add3A_1078, %add3A_1079 : vector<64x128xf32>
    %slice3A_1081 = vector.extract_strided_slice %dot_general3A_5 {offsets = [64, 4096], sizes = [64, 128], strides = [1, 1]} : vector<256x8192xf32> to vector<64x128xf32>
    %add3A_1082 = arith.addf %add3A_1080, %slice3A_1081 : vector<64x128xf32>
    %lt3A_1083 = arith.cmpf olt, %add3A_1082, %select_n3A_1073 : vector<64x128xf32>
    %select_n3A_1084 = arith.select %lt3A_1083, %add3A_1082, %select_n3A_1073 : vector<64x128xi1>, vector<64x128xf32>
    %jit3A_1085 = arith.constant 32 : i32
    %broadcast_in_dim3A_1086 = vector.broadcast %jit3A_1085 : i32 to vector<64x128xi32>
    %select_n3A_1087 = arith.select %lt3A_1083, %broadcast_in_dim3A_1086, %select_n3A_1076 : vector<64x128xi1>, vector<64x128xi32>
    %slice3A_1088 = vector.extract_strided_slice %get3A_11 {offsets = [0, 4224], sizes = [1, 128], strides = [1, 1]} : vector<1x8192xf32> to vector<1x128xf32>
    %add3A_1089 = vector.broadcast %slice3A_727 : vector<64x1xf32> to vector<64x128xf32>
    %add3A_1090 = vector.broadcast %slice3A_1088 : vector<1x128xf32> to vector<64x128xf32>
    %add3A_1091 = arith.addf %add3A_1089, %add3A_1090 : vector<64x128xf32>
    %slice3A_1092 = vector.extract_strided_slice %dot_general3A_5 {offsets = [64, 4224], sizes = [64, 128], strides = [1, 1]} : vector<256x8192xf32> to vector<64x128xf32>
    %add3A_1093 = arith.addf %add3A_1091, %slice3A_1092 : vector<64x128xf32>
    %lt3A_1094 = arith.cmpf olt, %add3A_1093, %select_n3A_1084 : vector<64x128xf32>
    %select_n3A_1095 = arith.select %lt3A_1094, %add3A_1093, %select_n3A_1084 : vector<64x128xi1>, vector<64x128xf32>
    %jit3A_1096 = arith.constant 33 : i32
    %broadcast_in_dim3A_1097 = vector.broadcast %jit3A_1096 : i32 to vector<64x128xi32>
    %select_n3A_1098 = arith.select %lt3A_1094, %broadcast_in_dim3A_1097, %select_n3A_1087 : vector<64x128xi1>, vector<64x128xi32>
    %slice3A_1099 = vector.extract_strided_slice %get3A_11 {offsets = [0, 4352], sizes = [1, 128], strides = [1, 1]} : vector<1x8192xf32> to vector<1x128xf32>
    %add3A_1100 = vector.broadcast %slice3A_727 : vector<64x1xf32> to vector<64x128xf32>
    %add3A_1101 = vector.broadcast %slice3A_1099 : vector<1x128xf32> to vector<64x128xf32>
    %add3A_1102 = arith.addf %add3A_1100, %add3A_1101 : vector<64x128xf32>
    %slice3A_1103 = vector.extract_strided_slice %dot_general3A_5 {offsets = [64, 4352], sizes = [64, 128], strides = [1, 1]} : vector<256x8192xf32> to vector<64x128xf32>
    %add3A_1104 = arith.addf %add3A_1102, %slice3A_1103 : vector<64x128xf32>
    %lt3A_1105 = arith.cmpf olt, %add3A_1104, %select_n3A_1095 : vector<64x128xf32>
    %select_n3A_1106 = arith.select %lt3A_1105, %add3A_1104, %select_n3A_1095 : vector<64x128xi1>, vector<64x128xf32>
    %jit3A_1107 = arith.constant 34 : i32
    %broadcast_in_dim3A_1108 = vector.broadcast %jit3A_1107 : i32 to vector<64x128xi32>
    %select_n3A_1109 = arith.select %lt3A_1105, %broadcast_in_dim3A_1108, %select_n3A_1098 : vector<64x128xi1>, vector<64x128xi32>
    %slice3A_1110 = vector.extract_strided_slice %get3A_11 {offsets = [0, 4480], sizes = [1, 128], strides = [1, 1]} : vector<1x8192xf32> to vector<1x128xf32>
    %add3A_1111 = vector.broadcast %slice3A_727 : vector<64x1xf32> to vector<64x128xf32>
    %add3A_1112 = vector.broadcast %slice3A_1110 : vector<1x128xf32> to vector<64x128xf32>
    %add3A_1113 = arith.addf %add3A_1111, %add3A_1112 : vector<64x128xf32>
    %slice3A_1114 = vector.extract_strided_slice %dot_general3A_5 {offsets = [64, 4480], sizes = [64, 128], strides = [1, 1]} : vector<256x8192xf32> to vector<64x128xf32>
    %add3A_1115 = arith.addf %add3A_1113, %slice3A_1114 : vector<64x128xf32>
    %lt3A_1116 = arith.cmpf olt, %add3A_1115, %select_n3A_1106 : vector<64x128xf32>
    %select_n3A_1117 = arith.select %lt3A_1116, %add3A_1115, %select_n3A_1106 : vector<64x128xi1>, vector<64x128xf32>
    %jit3A_1118 = arith.constant 35 : i32
    %broadcast_in_dim3A_1119 = vector.broadcast %jit3A_1118 : i32 to vector<64x128xi32>
    %select_n3A_1120 = arith.select %lt3A_1116, %broadcast_in_dim3A_1119, %select_n3A_1109 : vector<64x128xi1>, vector<64x128xi32>
    %slice3A_1121 = vector.extract_strided_slice %get3A_11 {offsets = [0, 4608], sizes = [1, 128], strides = [1, 1]} : vector<1x8192xf32> to vector<1x128xf32>
    %add3A_1122 = vector.broadcast %slice3A_727 : vector<64x1xf32> to vector<64x128xf32>
    %add3A_1123 = vector.broadcast %slice3A_1121 : vector<1x128xf32> to vector<64x128xf32>
    %add3A_1124 = arith.addf %add3A_1122, %add3A_1123 : vector<64x128xf32>
    %slice3A_1125 = vector.extract_strided_slice %dot_general3A_5 {offsets = [64, 4608], sizes = [64, 128], strides = [1, 1]} : vector<256x8192xf32> to vector<64x128xf32>
    %add3A_1126 = arith.addf %add3A_1124, %slice3A_1125 : vector<64x128xf32>
    %lt3A_1127 = arith.cmpf olt, %add3A_1126, %select_n3A_1117 : vector<64x128xf32>
    %select_n3A_1128 = arith.select %lt3A_1127, %add3A_1126, %select_n3A_1117 : vector<64x128xi1>, vector<64x128xf32>
    %jit3A_1129 = arith.constant 36 : i32
    %broadcast_in_dim3A_1130 = vector.broadcast %jit3A_1129 : i32 to vector<64x128xi32>
    %select_n3A_1131 = arith.select %lt3A_1127, %broadcast_in_dim3A_1130, %select_n3A_1120 : vector<64x128xi1>, vector<64x128xi32>
    %slice3A_1132 = vector.extract_strided_slice %get3A_11 {offsets = [0, 4736], sizes = [1, 128], strides = [1, 1]} : vector<1x8192xf32> to vector<1x128xf32>
    %add3A_1133 = vector.broadcast %slice3A_727 : vector<64x1xf32> to vector<64x128xf32>
    %add3A_1134 = vector.broadcast %slice3A_1132 : vector<1x128xf32> to vector<64x128xf32>
    %add3A_1135 = arith.addf %add3A_1133, %add3A_1134 : vector<64x128xf32>
    %slice3A_1136 = vector.extract_strided_slice %dot_general3A_5 {offsets = [64, 4736], sizes = [64, 128], strides = [1, 1]} : vector<256x8192xf32> to vector<64x128xf32>
    %add3A_1137 = arith.addf %add3A_1135, %slice3A_1136 : vector<64x128xf32>
    %lt3A_1138 = arith.cmpf olt, %add3A_1137, %select_n3A_1128 : vector<64x128xf32>
    %select_n3A_1139 = arith.select %lt3A_1138, %add3A_1137, %select_n3A_1128 : vector<64x128xi1>, vector<64x128xf32>
    %jit3A_1140 = arith.constant 37 : i32
    %broadcast_in_dim3A_1141 = vector.broadcast %jit3A_1140 : i32 to vector<64x128xi32>
    %select_n3A_1142 = arith.select %lt3A_1138, %broadcast_in_dim3A_1141, %select_n3A_1131 : vector<64x128xi1>, vector<64x128xi32>
    %slice3A_1143 = vector.extract_strided_slice %get3A_11 {offsets = [0, 4864], sizes = [1, 128], strides = [1, 1]} : vector<1x8192xf32> to vector<1x128xf32>
    %add3A_1144 = vector.broadcast %slice3A_727 : vector<64x1xf32> to vector<64x128xf32>
    %add3A_1145 = vector.broadcast %slice3A_1143 : vector<1x128xf32> to vector<64x128xf32>
    %add3A_1146 = arith.addf %add3A_1144, %add3A_1145 : vector<64x128xf32>
    %slice3A_1147 = vector.extract_strided_slice %dot_general3A_5 {offsets = [64, 4864], sizes = [64, 128], strides = [1, 1]} : vector<256x8192xf32> to vector<64x128xf32>
    %add3A_1148 = arith.addf %add3A_1146, %slice3A_1147 : vector<64x128xf32>
    %lt3A_1149 = arith.cmpf olt, %add3A_1148, %select_n3A_1139 : vector<64x128xf32>
    %select_n3A_1150 = arith.select %lt3A_1149, %add3A_1148, %select_n3A_1139 : vector<64x128xi1>, vector<64x128xf32>
    %jit3A_1151 = arith.constant 38 : i32
    %broadcast_in_dim3A_1152 = vector.broadcast %jit3A_1151 : i32 to vector<64x128xi32>
    %select_n3A_1153 = arith.select %lt3A_1149, %broadcast_in_dim3A_1152, %select_n3A_1142 : vector<64x128xi1>, vector<64x128xi32>
    %slice3A_1154 = vector.extract_strided_slice %get3A_11 {offsets = [0, 4992], sizes = [1, 128], strides = [1, 1]} : vector<1x8192xf32> to vector<1x128xf32>
    %add3A_1155 = vector.broadcast %slice3A_727 : vector<64x1xf32> to vector<64x128xf32>
    %add3A_1156 = vector.broadcast %slice3A_1154 : vector<1x128xf32> to vector<64x128xf32>
    %add3A_1157 = arith.addf %add3A_1155, %add3A_1156 : vector<64x128xf32>
    %slice3A_1158 = vector.extract_strided_slice %dot_general3A_5 {offsets = [64, 4992], sizes = [64, 128], strides = [1, 1]} : vector<256x8192xf32> to vector<64x128xf32>
    %add3A_1159 = arith.addf %add3A_1157, %slice3A_1158 : vector<64x128xf32>
    %lt3A_1160 = arith.cmpf olt, %add3A_1159, %select_n3A_1150 : vector<64x128xf32>
    %select_n3A_1161 = arith.select %lt3A_1160, %add3A_1159, %select_n3A_1150 : vector<64x128xi1>, vector<64x128xf32>
    %jit3A_1162 = arith.constant 39 : i32
    %broadcast_in_dim3A_1163 = vector.broadcast %jit3A_1162 : i32 to vector<64x128xi32>
    %select_n3A_1164 = arith.select %lt3A_1160, %broadcast_in_dim3A_1163, %select_n3A_1153 : vector<64x128xi1>, vector<64x128xi32>
    %slice3A_1165 = vector.extract_strided_slice %get3A_11 {offsets = [0, 5120], sizes = [1, 128], strides = [1, 1]} : vector<1x8192xf32> to vector<1x128xf32>
    %add3A_1166 = vector.broadcast %slice3A_727 : vector<64x1xf32> to vector<64x128xf32>
    %add3A_1167 = vector.broadcast %slice3A_1165 : vector<1x128xf32> to vector<64x128xf32>
    %add3A_1168 = arith.addf %add3A_1166, %add3A_1167 : vector<64x128xf32>
    %slice3A_1169 = vector.extract_strided_slice %dot_general3A_5 {offsets = [64, 5120], sizes = [64, 128], strides = [1, 1]} : vector<256x8192xf32> to vector<64x128xf32>
    %add3A_1170 = arith.addf %add3A_1168, %slice3A_1169 : vector<64x128xf32>
    %lt3A_1171 = arith.cmpf olt, %add3A_1170, %select_n3A_1161 : vector<64x128xf32>
    %select_n3A_1172 = arith.select %lt3A_1171, %add3A_1170, %select_n3A_1161 : vector<64x128xi1>, vector<64x128xf32>
    %jit3A_1173 = arith.constant 40 : i32
    %broadcast_in_dim3A_1174 = vector.broadcast %jit3A_1173 : i32 to vector<64x128xi32>
    %select_n3A_1175 = arith.select %lt3A_1171, %broadcast_in_dim3A_1174, %select_n3A_1164 : vector<64x128xi1>, vector<64x128xi32>
    %slice3A_1176 = vector.extract_strided_slice %get3A_11 {offsets = [0, 5248], sizes = [1, 128], strides = [1, 1]} : vector<1x8192xf32> to vector<1x128xf32>
    %add3A_1177 = vector.broadcast %slice3A_727 : vector<64x1xf32> to vector<64x128xf32>
    %add3A_1178 = vector.broadcast %slice3A_1176 : vector<1x128xf32> to vector<64x128xf32>
    %add3A_1179 = arith.addf %add3A_1177, %add3A_1178 : vector<64x128xf32>
    %slice3A_1180 = vector.extract_strided_slice %dot_general3A_5 {offsets = [64, 5248], sizes = [64, 128], strides = [1, 1]} : vector<256x8192xf32> to vector<64x128xf32>
    %add3A_1181 = arith.addf %add3A_1179, %slice3A_1180 : vector<64x128xf32>
    %lt3A_1182 = arith.cmpf olt, %add3A_1181, %select_n3A_1172 : vector<64x128xf32>
    %select_n3A_1183 = arith.select %lt3A_1182, %add3A_1181, %select_n3A_1172 : vector<64x128xi1>, vector<64x128xf32>
    %jit3A_1184 = arith.constant 41 : i32
    %broadcast_in_dim3A_1185 = vector.broadcast %jit3A_1184 : i32 to vector<64x128xi32>
    %select_n3A_1186 = arith.select %lt3A_1182, %broadcast_in_dim3A_1185, %select_n3A_1175 : vector<64x128xi1>, vector<64x128xi32>
    %slice3A_1187 = vector.extract_strided_slice %get3A_11 {offsets = [0, 5376], sizes = [1, 128], strides = [1, 1]} : vector<1x8192xf32> to vector<1x128xf32>
    %add3A_1188 = vector.broadcast %slice3A_727 : vector<64x1xf32> to vector<64x128xf32>
    %add3A_1189 = vector.broadcast %slice3A_1187 : vector<1x128xf32> to vector<64x128xf32>
    %add3A_1190 = arith.addf %add3A_1188, %add3A_1189 : vector<64x128xf32>
    %slice3A_1191 = vector.extract_strided_slice %dot_general3A_5 {offsets = [64, 5376], sizes = [64, 128], strides = [1, 1]} : vector<256x8192xf32> to vector<64x128xf32>
    %add3A_1192 = arith.addf %add3A_1190, %slice3A_1191 : vector<64x128xf32>
    %lt3A_1193 = arith.cmpf olt, %add3A_1192, %select_n3A_1183 : vector<64x128xf32>
    %select_n3A_1194 = arith.select %lt3A_1193, %add3A_1192, %select_n3A_1183 : vector<64x128xi1>, vector<64x128xf32>
    %jit3A_1195 = arith.constant 42 : i32
    %broadcast_in_dim3A_1196 = vector.broadcast %jit3A_1195 : i32 to vector<64x128xi32>
    %select_n3A_1197 = arith.select %lt3A_1193, %broadcast_in_dim3A_1196, %select_n3A_1186 : vector<64x128xi1>, vector<64x128xi32>
    %slice3A_1198 = vector.extract_strided_slice %get3A_11 {offsets = [0, 5504], sizes = [1, 128], strides = [1, 1]} : vector<1x8192xf32> to vector<1x128xf32>
    %add3A_1199 = vector.broadcast %slice3A_727 : vector<64x1xf32> to vector<64x128xf32>
    %add3A_1200 = vector.broadcast %slice3A_1198 : vector<1x128xf32> to vector<64x128xf32>
    %add3A_1201 = arith.addf %add3A_1199, %add3A_1200 : vector<64x128xf32>
    %slice3A_1202 = vector.extract_strided_slice %dot_general3A_5 {offsets = [64, 5504], sizes = [64, 128], strides = [1, 1]} : vector<256x8192xf32> to vector<64x128xf32>
    %add3A_1203 = arith.addf %add3A_1201, %slice3A_1202 : vector<64x128xf32>
    %lt3A_1204 = arith.cmpf olt, %add3A_1203, %select_n3A_1194 : vector<64x128xf32>
    %select_n3A_1205 = arith.select %lt3A_1204, %add3A_1203, %select_n3A_1194 : vector<64x128xi1>, vector<64x128xf32>
    %jit3A_1206 = arith.constant 43 : i32
    %broadcast_in_dim3A_1207 = vector.broadcast %jit3A_1206 : i32 to vector<64x128xi32>
    %select_n3A_1208 = arith.select %lt3A_1204, %broadcast_in_dim3A_1207, %select_n3A_1197 : vector<64x128xi1>, vector<64x128xi32>
    %slice3A_1209 = vector.extract_strided_slice %get3A_11 {offsets = [0, 5632], sizes = [1, 128], strides = [1, 1]} : vector<1x8192xf32> to vector<1x128xf32>
    %add3A_1210 = vector.broadcast %slice3A_727 : vector<64x1xf32> to vector<64x128xf32>
    %add3A_1211 = vector.broadcast %slice3A_1209 : vector<1x128xf32> to vector<64x128xf32>
    %add3A_1212 = arith.addf %add3A_1210, %add3A_1211 : vector<64x128xf32>
    %slice3A_1213 = vector.extract_strided_slice %dot_general3A_5 {offsets = [64, 5632], sizes = [64, 128], strides = [1, 1]} : vector<256x8192xf32> to vector<64x128xf32>
    %add3A_1214 = arith.addf %add3A_1212, %slice3A_1213 : vector<64x128xf32>
    %lt3A_1215 = arith.cmpf olt, %add3A_1214, %select_n3A_1205 : vector<64x128xf32>
    %select_n3A_1216 = arith.select %lt3A_1215, %add3A_1214, %select_n3A_1205 : vector<64x128xi1>, vector<64x128xf32>
    %jit3A_1217 = arith.constant 44 : i32
    %broadcast_in_dim3A_1218 = vector.broadcast %jit3A_1217 : i32 to vector<64x128xi32>
    %select_n3A_1219 = arith.select %lt3A_1215, %broadcast_in_dim3A_1218, %select_n3A_1208 : vector<64x128xi1>, vector<64x128xi32>
    %slice3A_1220 = vector.extract_strided_slice %get3A_11 {offsets = [0, 5760], sizes = [1, 128], strides = [1, 1]} : vector<1x8192xf32> to vector<1x128xf32>
    %add3A_1221 = vector.broadcast %slice3A_727 : vector<64x1xf32> to vector<64x128xf32>
    %add3A_1222 = vector.broadcast %slice3A_1220 : vector<1x128xf32> to vector<64x128xf32>
    %add3A_1223 = arith.addf %add3A_1221, %add3A_1222 : vector<64x128xf32>
    %slice3A_1224 = vector.extract_strided_slice %dot_general3A_5 {offsets = [64, 5760], sizes = [64, 128], strides = [1, 1]} : vector<256x8192xf32> to vector<64x128xf32>
    %add3A_1225 = arith.addf %add3A_1223, %slice3A_1224 : vector<64x128xf32>
    %lt3A_1226 = arith.cmpf olt, %add3A_1225, %select_n3A_1216 : vector<64x128xf32>
    %select_n3A_1227 = arith.select %lt3A_1226, %add3A_1225, %select_n3A_1216 : vector<64x128xi1>, vector<64x128xf32>
    %jit3A_1228 = arith.constant 45 : i32
    %broadcast_in_dim3A_1229 = vector.broadcast %jit3A_1228 : i32 to vector<64x128xi32>
    %select_n3A_1230 = arith.select %lt3A_1226, %broadcast_in_dim3A_1229, %select_n3A_1219 : vector<64x128xi1>, vector<64x128xi32>
    %slice3A_1231 = vector.extract_strided_slice %get3A_11 {offsets = [0, 5888], sizes = [1, 128], strides = [1, 1]} : vector<1x8192xf32> to vector<1x128xf32>
    %add3A_1232 = vector.broadcast %slice3A_727 : vector<64x1xf32> to vector<64x128xf32>
    %add3A_1233 = vector.broadcast %slice3A_1231 : vector<1x128xf32> to vector<64x128xf32>
    %add3A_1234 = arith.addf %add3A_1232, %add3A_1233 : vector<64x128xf32>
    %slice3A_1235 = vector.extract_strided_slice %dot_general3A_5 {offsets = [64, 5888], sizes = [64, 128], strides = [1, 1]} : vector<256x8192xf32> to vector<64x128xf32>
    %add3A_1236 = arith.addf %add3A_1234, %slice3A_1235 : vector<64x128xf32>
    %lt3A_1237 = arith.cmpf olt, %add3A_1236, %select_n3A_1227 : vector<64x128xf32>
    %select_n3A_1238 = arith.select %lt3A_1237, %add3A_1236, %select_n3A_1227 : vector<64x128xi1>, vector<64x128xf32>
    %jit3A_1239 = arith.constant 46 : i32
    %broadcast_in_dim3A_1240 = vector.broadcast %jit3A_1239 : i32 to vector<64x128xi32>
    %select_n3A_1241 = arith.select %lt3A_1237, %broadcast_in_dim3A_1240, %select_n3A_1230 : vector<64x128xi1>, vector<64x128xi32>
    %slice3A_1242 = vector.extract_strided_slice %get3A_11 {offsets = [0, 6016], sizes = [1, 128], strides = [1, 1]} : vector<1x8192xf32> to vector<1x128xf32>
    %add3A_1243 = vector.broadcast %slice3A_727 : vector<64x1xf32> to vector<64x128xf32>
    %add3A_1244 = vector.broadcast %slice3A_1242 : vector<1x128xf32> to vector<64x128xf32>
    %add3A_1245 = arith.addf %add3A_1243, %add3A_1244 : vector<64x128xf32>
    %slice3A_1246 = vector.extract_strided_slice %dot_general3A_5 {offsets = [64, 6016], sizes = [64, 128], strides = [1, 1]} : vector<256x8192xf32> to vector<64x128xf32>
    %add3A_1247 = arith.addf %add3A_1245, %slice3A_1246 : vector<64x128xf32>
    %lt3A_1248 = arith.cmpf olt, %add3A_1247, %select_n3A_1238 : vector<64x128xf32>
    %select_n3A_1249 = arith.select %lt3A_1248, %add3A_1247, %select_n3A_1238 : vector<64x128xi1>, vector<64x128xf32>
    %jit3A_1250 = arith.constant 47 : i32
    %broadcast_in_dim3A_1251 = vector.broadcast %jit3A_1250 : i32 to vector<64x128xi32>
    %select_n3A_1252 = arith.select %lt3A_1248, %broadcast_in_dim3A_1251, %select_n3A_1241 : vector<64x128xi1>, vector<64x128xi32>
    %slice3A_1253 = vector.extract_strided_slice %get3A_11 {offsets = [0, 6144], sizes = [1, 128], strides = [1, 1]} : vector<1x8192xf32> to vector<1x128xf32>
    %add3A_1254 = vector.broadcast %slice3A_727 : vector<64x1xf32> to vector<64x128xf32>
    %add3A_1255 = vector.broadcast %slice3A_1253 : vector<1x128xf32> to vector<64x128xf32>
    %add3A_1256 = arith.addf %add3A_1254, %add3A_1255 : vector<64x128xf32>
    %slice3A_1257 = vector.extract_strided_slice %dot_general3A_5 {offsets = [64, 6144], sizes = [64, 128], strides = [1, 1]} : vector<256x8192xf32> to vector<64x128xf32>
    %add3A_1258 = arith.addf %add3A_1256, %slice3A_1257 : vector<64x128xf32>
    %lt3A_1259 = arith.cmpf olt, %add3A_1258, %select_n3A_1249 : vector<64x128xf32>
    %select_n3A_1260 = arith.select %lt3A_1259, %add3A_1258, %select_n3A_1249 : vector<64x128xi1>, vector<64x128xf32>
    %jit3A_1261 = arith.constant 48 : i32
    %broadcast_in_dim3A_1262 = vector.broadcast %jit3A_1261 : i32 to vector<64x128xi32>
    %select_n3A_1263 = arith.select %lt3A_1259, %broadcast_in_dim3A_1262, %select_n3A_1252 : vector<64x128xi1>, vector<64x128xi32>
    %slice3A_1264 = vector.extract_strided_slice %get3A_11 {offsets = [0, 6272], sizes = [1, 128], strides = [1, 1]} : vector<1x8192xf32> to vector<1x128xf32>
    %add3A_1265 = vector.broadcast %slice3A_727 : vector<64x1xf32> to vector<64x128xf32>
    %add3A_1266 = vector.broadcast %slice3A_1264 : vector<1x128xf32> to vector<64x128xf32>
    %add3A_1267 = arith.addf %add3A_1265, %add3A_1266 : vector<64x128xf32>
    %slice3A_1268 = vector.extract_strided_slice %dot_general3A_5 {offsets = [64, 6272], sizes = [64, 128], strides = [1, 1]} : vector<256x8192xf32> to vector<64x128xf32>
    %add3A_1269 = arith.addf %add3A_1267, %slice3A_1268 : vector<64x128xf32>
    %lt3A_1270 = arith.cmpf olt, %add3A_1269, %select_n3A_1260 : vector<64x128xf32>
    %select_n3A_1271 = arith.select %lt3A_1270, %add3A_1269, %select_n3A_1260 : vector<64x128xi1>, vector<64x128xf32>
    %jit3A_1272 = arith.constant 49 : i32
    %broadcast_in_dim3A_1273 = vector.broadcast %jit3A_1272 : i32 to vector<64x128xi32>
    %select_n3A_1274 = arith.select %lt3A_1270, %broadcast_in_dim3A_1273, %select_n3A_1263 : vector<64x128xi1>, vector<64x128xi32>
    %slice3A_1275 = vector.extract_strided_slice %get3A_11 {offsets = [0, 6400], sizes = [1, 128], strides = [1, 1]} : vector<1x8192xf32> to vector<1x128xf32>
    %add3A_1276 = vector.broadcast %slice3A_727 : vector<64x1xf32> to vector<64x128xf32>
    %add3A_1277 = vector.broadcast %slice3A_1275 : vector<1x128xf32> to vector<64x128xf32>
    %add3A_1278 = arith.addf %add3A_1276, %add3A_1277 : vector<64x128xf32>
    %slice3A_1279 = vector.extract_strided_slice %dot_general3A_5 {offsets = [64, 6400], sizes = [64, 128], strides = [1, 1]} : vector<256x8192xf32> to vector<64x128xf32>
    %add3A_1280 = arith.addf %add3A_1278, %slice3A_1279 : vector<64x128xf32>
    %lt3A_1281 = arith.cmpf olt, %add3A_1280, %select_n3A_1271 : vector<64x128xf32>
    %select_n3A_1282 = arith.select %lt3A_1281, %add3A_1280, %select_n3A_1271 : vector<64x128xi1>, vector<64x128xf32>
    %jit3A_1283 = arith.constant 50 : i32
    %broadcast_in_dim3A_1284 = vector.broadcast %jit3A_1283 : i32 to vector<64x128xi32>
    %select_n3A_1285 = arith.select %lt3A_1281, %broadcast_in_dim3A_1284, %select_n3A_1274 : vector<64x128xi1>, vector<64x128xi32>
    %slice3A_1286 = vector.extract_strided_slice %get3A_11 {offsets = [0, 6528], sizes = [1, 128], strides = [1, 1]} : vector<1x8192xf32> to vector<1x128xf32>
    %add3A_1287 = vector.broadcast %slice3A_727 : vector<64x1xf32> to vector<64x128xf32>
    %add3A_1288 = vector.broadcast %slice3A_1286 : vector<1x128xf32> to vector<64x128xf32>
    %add3A_1289 = arith.addf %add3A_1287, %add3A_1288 : vector<64x128xf32>
    %slice3A_1290 = vector.extract_strided_slice %dot_general3A_5 {offsets = [64, 6528], sizes = [64, 128], strides = [1, 1]} : vector<256x8192xf32> to vector<64x128xf32>
    %add3A_1291 = arith.addf %add3A_1289, %slice3A_1290 : vector<64x128xf32>
    %lt3A_1292 = arith.cmpf olt, %add3A_1291, %select_n3A_1282 : vector<64x128xf32>
    %select_n3A_1293 = arith.select %lt3A_1292, %add3A_1291, %select_n3A_1282 : vector<64x128xi1>, vector<64x128xf32>
    %jit3A_1294 = arith.constant 51 : i32
    %broadcast_in_dim3A_1295 = vector.broadcast %jit3A_1294 : i32 to vector<64x128xi32>
    %select_n3A_1296 = arith.select %lt3A_1292, %broadcast_in_dim3A_1295, %select_n3A_1285 : vector<64x128xi1>, vector<64x128xi32>
    %slice3A_1297 = vector.extract_strided_slice %get3A_11 {offsets = [0, 6656], sizes = [1, 128], strides = [1, 1]} : vector<1x8192xf32> to vector<1x128xf32>
    %add3A_1298 = vector.broadcast %slice3A_727 : vector<64x1xf32> to vector<64x128xf32>
    %add3A_1299 = vector.broadcast %slice3A_1297 : vector<1x128xf32> to vector<64x128xf32>
    %add3A_1300 = arith.addf %add3A_1298, %add3A_1299 : vector<64x128xf32>
    %slice3A_1301 = vector.extract_strided_slice %dot_general3A_5 {offsets = [64, 6656], sizes = [64, 128], strides = [1, 1]} : vector<256x8192xf32> to vector<64x128xf32>
    %add3A_1302 = arith.addf %add3A_1300, %slice3A_1301 : vector<64x128xf32>
    %lt3A_1303 = arith.cmpf olt, %add3A_1302, %select_n3A_1293 : vector<64x128xf32>
    %select_n3A_1304 = arith.select %lt3A_1303, %add3A_1302, %select_n3A_1293 : vector<64x128xi1>, vector<64x128xf32>
    %jit3A_1305 = arith.constant 52 : i32
    %broadcast_in_dim3A_1306 = vector.broadcast %jit3A_1305 : i32 to vector<64x128xi32>
    %select_n3A_1307 = arith.select %lt3A_1303, %broadcast_in_dim3A_1306, %select_n3A_1296 : vector<64x128xi1>, vector<64x128xi32>
    %slice3A_1308 = vector.extract_strided_slice %get3A_11 {offsets = [0, 6784], sizes = [1, 128], strides = [1, 1]} : vector<1x8192xf32> to vector<1x128xf32>
    %add3A_1309 = vector.broadcast %slice3A_727 : vector<64x1xf32> to vector<64x128xf32>
    %add3A_1310 = vector.broadcast %slice3A_1308 : vector<1x128xf32> to vector<64x128xf32>
    %add3A_1311 = arith.addf %add3A_1309, %add3A_1310 : vector<64x128xf32>
    %slice3A_1312 = vector.extract_strided_slice %dot_general3A_5 {offsets = [64, 6784], sizes = [64, 128], strides = [1, 1]} : vector<256x8192xf32> to vector<64x128xf32>
    %add3A_1313 = arith.addf %add3A_1311, %slice3A_1312 : vector<64x128xf32>
    %lt3A_1314 = arith.cmpf olt, %add3A_1313, %select_n3A_1304 : vector<64x128xf32>
    %select_n3A_1315 = arith.select %lt3A_1314, %add3A_1313, %select_n3A_1304 : vector<64x128xi1>, vector<64x128xf32>
    %jit3A_1316 = arith.constant 53 : i32
    %broadcast_in_dim3A_1317 = vector.broadcast %jit3A_1316 : i32 to vector<64x128xi32>
    %select_n3A_1318 = arith.select %lt3A_1314, %broadcast_in_dim3A_1317, %select_n3A_1307 : vector<64x128xi1>, vector<64x128xi32>
    %slice3A_1319 = vector.extract_strided_slice %get3A_11 {offsets = [0, 6912], sizes = [1, 128], strides = [1, 1]} : vector<1x8192xf32> to vector<1x128xf32>
    %add3A_1320 = vector.broadcast %slice3A_727 : vector<64x1xf32> to vector<64x128xf32>
    %add3A_1321 = vector.broadcast %slice3A_1319 : vector<1x128xf32> to vector<64x128xf32>
    %add3A_1322 = arith.addf %add3A_1320, %add3A_1321 : vector<64x128xf32>
    %slice3A_1323 = vector.extract_strided_slice %dot_general3A_5 {offsets = [64, 6912], sizes = [64, 128], strides = [1, 1]} : vector<256x8192xf32> to vector<64x128xf32>
    %add3A_1324 = arith.addf %add3A_1322, %slice3A_1323 : vector<64x128xf32>
    %lt3A_1325 = arith.cmpf olt, %add3A_1324, %select_n3A_1315 : vector<64x128xf32>
    %select_n3A_1326 = arith.select %lt3A_1325, %add3A_1324, %select_n3A_1315 : vector<64x128xi1>, vector<64x128xf32>
    %jit3A_1327 = arith.constant 54 : i32
    %broadcast_in_dim3A_1328 = vector.broadcast %jit3A_1327 : i32 to vector<64x128xi32>
    %select_n3A_1329 = arith.select %lt3A_1325, %broadcast_in_dim3A_1328, %select_n3A_1318 : vector<64x128xi1>, vector<64x128xi32>
    %slice3A_1330 = vector.extract_strided_slice %get3A_11 {offsets = [0, 7040], sizes = [1, 128], strides = [1, 1]} : vector<1x8192xf32> to vector<1x128xf32>
    %add3A_1331 = vector.broadcast %slice3A_727 : vector<64x1xf32> to vector<64x128xf32>
    %add3A_1332 = vector.broadcast %slice3A_1330 : vector<1x128xf32> to vector<64x128xf32>
    %add3A_1333 = arith.addf %add3A_1331, %add3A_1332 : vector<64x128xf32>
    %slice3A_1334 = vector.extract_strided_slice %dot_general3A_5 {offsets = [64, 7040], sizes = [64, 128], strides = [1, 1]} : vector<256x8192xf32> to vector<64x128xf32>
    %add3A_1335 = arith.addf %add3A_1333, %slice3A_1334 : vector<64x128xf32>
    %lt3A_1336 = arith.cmpf olt, %add3A_1335, %select_n3A_1326 : vector<64x128xf32>
    %select_n3A_1337 = arith.select %lt3A_1336, %add3A_1335, %select_n3A_1326 : vector<64x128xi1>, vector<64x128xf32>
    %jit3A_1338 = arith.constant 55 : i32
    %broadcast_in_dim3A_1339 = vector.broadcast %jit3A_1338 : i32 to vector<64x128xi32>
    %select_n3A_1340 = arith.select %lt3A_1336, %broadcast_in_dim3A_1339, %select_n3A_1329 : vector<64x128xi1>, vector<64x128xi32>
    %slice3A_1341 = vector.extract_strided_slice %get3A_11 {offsets = [0, 7168], sizes = [1, 128], strides = [1, 1]} : vector<1x8192xf32> to vector<1x128xf32>
    %add3A_1342 = vector.broadcast %slice3A_727 : vector<64x1xf32> to vector<64x128xf32>
    %add3A_1343 = vector.broadcast %slice3A_1341 : vector<1x128xf32> to vector<64x128xf32>
    %add3A_1344 = arith.addf %add3A_1342, %add3A_1343 : vector<64x128xf32>
    %slice3A_1345 = vector.extract_strided_slice %dot_general3A_5 {offsets = [64, 7168], sizes = [64, 128], strides = [1, 1]} : vector<256x8192xf32> to vector<64x128xf32>
    %add3A_1346 = arith.addf %add3A_1344, %slice3A_1345 : vector<64x128xf32>
    %lt3A_1347 = arith.cmpf olt, %add3A_1346, %select_n3A_1337 : vector<64x128xf32>
    %select_n3A_1348 = arith.select %lt3A_1347, %add3A_1346, %select_n3A_1337 : vector<64x128xi1>, vector<64x128xf32>
    %jit3A_1349 = arith.constant 56 : i32
    %broadcast_in_dim3A_1350 = vector.broadcast %jit3A_1349 : i32 to vector<64x128xi32>
    %select_n3A_1351 = arith.select %lt3A_1347, %broadcast_in_dim3A_1350, %select_n3A_1340 : vector<64x128xi1>, vector<64x128xi32>
    %slice3A_1352 = vector.extract_strided_slice %get3A_11 {offsets = [0, 7296], sizes = [1, 128], strides = [1, 1]} : vector<1x8192xf32> to vector<1x128xf32>
    %add3A_1353 = vector.broadcast %slice3A_727 : vector<64x1xf32> to vector<64x128xf32>
    %add3A_1354 = vector.broadcast %slice3A_1352 : vector<1x128xf32> to vector<64x128xf32>
    %add3A_1355 = arith.addf %add3A_1353, %add3A_1354 : vector<64x128xf32>
    %slice3A_1356 = vector.extract_strided_slice %dot_general3A_5 {offsets = [64, 7296], sizes = [64, 128], strides = [1, 1]} : vector<256x8192xf32> to vector<64x128xf32>
    %add3A_1357 = arith.addf %add3A_1355, %slice3A_1356 : vector<64x128xf32>
    %lt3A_1358 = arith.cmpf olt, %add3A_1357, %select_n3A_1348 : vector<64x128xf32>
    %select_n3A_1359 = arith.select %lt3A_1358, %add3A_1357, %select_n3A_1348 : vector<64x128xi1>, vector<64x128xf32>
    %jit3A_1360 = arith.constant 57 : i32
    %broadcast_in_dim3A_1361 = vector.broadcast %jit3A_1360 : i32 to vector<64x128xi32>
    %select_n3A_1362 = arith.select %lt3A_1358, %broadcast_in_dim3A_1361, %select_n3A_1351 : vector<64x128xi1>, vector<64x128xi32>
    %slice3A_1363 = vector.extract_strided_slice %get3A_11 {offsets = [0, 7424], sizes = [1, 128], strides = [1, 1]} : vector<1x8192xf32> to vector<1x128xf32>
    %add3A_1364 = vector.broadcast %slice3A_727 : vector<64x1xf32> to vector<64x128xf32>
    %add3A_1365 = vector.broadcast %slice3A_1363 : vector<1x128xf32> to vector<64x128xf32>
    %add3A_1366 = arith.addf %add3A_1364, %add3A_1365 : vector<64x128xf32>
    %slice3A_1367 = vector.extract_strided_slice %dot_general3A_5 {offsets = [64, 7424], sizes = [64, 128], strides = [1, 1]} : vector<256x8192xf32> to vector<64x128xf32>
    %add3A_1368 = arith.addf %add3A_1366, %slice3A_1367 : vector<64x128xf32>
    %lt3A_1369 = arith.cmpf olt, %add3A_1368, %select_n3A_1359 : vector<64x128xf32>
    %select_n3A_1370 = arith.select %lt3A_1369, %add3A_1368, %select_n3A_1359 : vector<64x128xi1>, vector<64x128xf32>
    %jit3A_1371 = arith.constant 58 : i32
    %broadcast_in_dim3A_1372 = vector.broadcast %jit3A_1371 : i32 to vector<64x128xi32>
    %select_n3A_1373 = arith.select %lt3A_1369, %broadcast_in_dim3A_1372, %select_n3A_1362 : vector<64x128xi1>, vector<64x128xi32>
    %slice3A_1374 = vector.extract_strided_slice %get3A_11 {offsets = [0, 7552], sizes = [1, 128], strides = [1, 1]} : vector<1x8192xf32> to vector<1x128xf32>
    %add3A_1375 = vector.broadcast %slice3A_727 : vector<64x1xf32> to vector<64x128xf32>
    %add3A_1376 = vector.broadcast %slice3A_1374 : vector<1x128xf32> to vector<64x128xf32>
    %add3A_1377 = arith.addf %add3A_1375, %add3A_1376 : vector<64x128xf32>
    %slice3A_1378 = vector.extract_strided_slice %dot_general3A_5 {offsets = [64, 7552], sizes = [64, 128], strides = [1, 1]} : vector<256x8192xf32> to vector<64x128xf32>
    %add3A_1379 = arith.addf %add3A_1377, %slice3A_1378 : vector<64x128xf32>
    %lt3A_1380 = arith.cmpf olt, %add3A_1379, %select_n3A_1370 : vector<64x128xf32>
    %select_n3A_1381 = arith.select %lt3A_1380, %add3A_1379, %select_n3A_1370 : vector<64x128xi1>, vector<64x128xf32>
    %jit3A_1382 = arith.constant 59 : i32
    %broadcast_in_dim3A_1383 = vector.broadcast %jit3A_1382 : i32 to vector<64x128xi32>
    %select_n3A_1384 = arith.select %lt3A_1380, %broadcast_in_dim3A_1383, %select_n3A_1373 : vector<64x128xi1>, vector<64x128xi32>
    %slice3A_1385 = vector.extract_strided_slice %get3A_11 {offsets = [0, 7680], sizes = [1, 128], strides = [1, 1]} : vector<1x8192xf32> to vector<1x128xf32>
    %add3A_1386 = vector.broadcast %slice3A_727 : vector<64x1xf32> to vector<64x128xf32>
    %add3A_1387 = vector.broadcast %slice3A_1385 : vector<1x128xf32> to vector<64x128xf32>
    %add3A_1388 = arith.addf %add3A_1386, %add3A_1387 : vector<64x128xf32>
    %slice3A_1389 = vector.extract_strided_slice %dot_general3A_5 {offsets = [64, 7680], sizes = [64, 128], strides = [1, 1]} : vector<256x8192xf32> to vector<64x128xf32>
    %add3A_1390 = arith.addf %add3A_1388, %slice3A_1389 : vector<64x128xf32>
    %lt3A_1391 = arith.cmpf olt, %add3A_1390, %select_n3A_1381 : vector<64x128xf32>
    %select_n3A_1392 = arith.select %lt3A_1391, %add3A_1390, %select_n3A_1381 : vector<64x128xi1>, vector<64x128xf32>
    %jit3A_1393 = arith.constant 60 : i32
    %broadcast_in_dim3A_1394 = vector.broadcast %jit3A_1393 : i32 to vector<64x128xi32>
    %select_n3A_1395 = arith.select %lt3A_1391, %broadcast_in_dim3A_1394, %select_n3A_1384 : vector<64x128xi1>, vector<64x128xi32>
    %slice3A_1396 = vector.extract_strided_slice %get3A_11 {offsets = [0, 7808], sizes = [1, 128], strides = [1, 1]} : vector<1x8192xf32> to vector<1x128xf32>
    %add3A_1397 = vector.broadcast %slice3A_727 : vector<64x1xf32> to vector<64x128xf32>
    %add3A_1398 = vector.broadcast %slice3A_1396 : vector<1x128xf32> to vector<64x128xf32>
    %add3A_1399 = arith.addf %add3A_1397, %add3A_1398 : vector<64x128xf32>
    %slice3A_1400 = vector.extract_strided_slice %dot_general3A_5 {offsets = [64, 7808], sizes = [64, 128], strides = [1, 1]} : vector<256x8192xf32> to vector<64x128xf32>
    %add3A_1401 = arith.addf %add3A_1399, %slice3A_1400 : vector<64x128xf32>
    %lt3A_1402 = arith.cmpf olt, %add3A_1401, %select_n3A_1392 : vector<64x128xf32>
    %select_n3A_1403 = arith.select %lt3A_1402, %add3A_1401, %select_n3A_1392 : vector<64x128xi1>, vector<64x128xf32>
    %jit3A_1404 = arith.constant 61 : i32
    %broadcast_in_dim3A_1405 = vector.broadcast %jit3A_1404 : i32 to vector<64x128xi32>
    %select_n3A_1406 = arith.select %lt3A_1402, %broadcast_in_dim3A_1405, %select_n3A_1395 : vector<64x128xi1>, vector<64x128xi32>
    %slice3A_1407 = vector.extract_strided_slice %get3A_11 {offsets = [0, 7936], sizes = [1, 128], strides = [1, 1]} : vector<1x8192xf32> to vector<1x128xf32>
    %add3A_1408 = vector.broadcast %slice3A_727 : vector<64x1xf32> to vector<64x128xf32>
    %add3A_1409 = vector.broadcast %slice3A_1407 : vector<1x128xf32> to vector<64x128xf32>
    %add3A_1410 = arith.addf %add3A_1408, %add3A_1409 : vector<64x128xf32>
    %slice3A_1411 = vector.extract_strided_slice %dot_general3A_5 {offsets = [64, 7936], sizes = [64, 128], strides = [1, 1]} : vector<256x8192xf32> to vector<64x128xf32>
    %add3A_1412 = arith.addf %add3A_1410, %slice3A_1411 : vector<64x128xf32>
    %lt3A_1413 = arith.cmpf olt, %add3A_1412, %select_n3A_1403 : vector<64x128xf32>
    %select_n3A_1414 = arith.select %lt3A_1413, %add3A_1412, %select_n3A_1403 : vector<64x128xi1>, vector<64x128xf32>
    %jit3A_1415 = arith.constant 62 : i32
    %broadcast_in_dim3A_1416 = vector.broadcast %jit3A_1415 : i32 to vector<64x128xi32>
    %select_n3A_1417 = arith.select %lt3A_1413, %broadcast_in_dim3A_1416, %select_n3A_1406 : vector<64x128xi1>, vector<64x128xi32>
    %slice3A_1418 = vector.extract_strided_slice %get3A_11 {offsets = [0, 8064], sizes = [1, 128], strides = [1, 1]} : vector<1x8192xf32> to vector<1x128xf32>
    %add3A_1419 = vector.broadcast %slice3A_727 : vector<64x1xf32> to vector<64x128xf32>
    %add3A_1420 = vector.broadcast %slice3A_1418 : vector<1x128xf32> to vector<64x128xf32>
    %add3A_1421 = arith.addf %add3A_1419, %add3A_1420 : vector<64x128xf32>
    %slice3A_1422 = vector.extract_strided_slice %dot_general3A_5 {offsets = [64, 8064], sizes = [64, 128], strides = [1, 1]} : vector<256x8192xf32> to vector<64x128xf32>
    %add3A_1423 = arith.addf %add3A_1421, %slice3A_1422 : vector<64x128xf32>
    %lt3A_1424 = arith.cmpf olt, %add3A_1423, %select_n3A_1414 : vector<64x128xf32>
    %select_n3A_1425 = arith.select %lt3A_1424, %add3A_1423, %select_n3A_1414 : vector<64x128xi1>, vector<64x128xf32>
    %jit3A_1426 = arith.constant 63 : i32
    %broadcast_in_dim3A_1427 = vector.broadcast %jit3A_1426 : i32 to vector<64x128xi32>
    %select_n3A_1428 = arith.select %lt3A_1424, %broadcast_in_dim3A_1427, %select_n3A_1417 : vector<64x128xi1>, vector<64x128xi32>
    %reduce_min3A_1429 = arith.constant dense<0x7F800000> : vector<64xf32>
    %reduce_min3A_1430 = vector.multi_reduction <minimumf>, %select_n3A_1425, %reduce_min3A_1429 [1] : vector<64x128xf32> to vector<64xf32>
    %broadcast_in_dim3A_1431 = vector.shape_cast %reduce_min3A_1430 : vector<64xf32> to vector<64x1xf32>
    %convert_element_type3A_1432 = arith.sitofp %select_n3A_1428 : vector<64x128xi32> to vector<64x128xf32>
    %mul3A_1433 = arith.constant 1.280000e+02 : f32
    %mul3A_1434 = vector.broadcast %mul3A_1433 : f32 to vector<64x128xf32>
    %mul3A_1435 = arith.mulf %convert_element_type3A_1432, %mul3A_1434 : vector<64x128xf32>
    %add3A_1436 = arith.addf %mul3A_1435, %convert_element_type3A : vector<64x128xf32>
    %eq3A_1437 = vector.broadcast %broadcast_in_dim3A_1431 : vector<64x1xf32> to vector<64x128xf32>
    %eq3A_1438 = arith.cmpf oeq, %select_n3A_1425, %eq3A_1437 : vector<64x128xf32>
    %jit3A_1439 = arith.constant 8.192000e+03 : f32
    %broadcast_in_dim3A_1440 = vector.broadcast %jit3A_1439 : f32 to vector<64x128xf32>
    %select_n3A_1441 = arith.select %eq3A_1438, %add3A_1436, %broadcast_in_dim3A_1440 : vector<64x128xi1>, vector<64x128xf32>
    %reduce_min3A_1442 = arith.constant dense<0x7F800000> : vector<64xf32>
    %reduce_min3A_1443 = vector.multi_reduction <minimumf>, %select_n3A_1441, %reduce_min3A_1442 [1] : vector<64x128xf32> to vector<64xf32>
    %convert_element_type3A_1444 = arith.fptosi %reduce_min3A_1443 : vector<64xf32> to vector<64xi32>
    %reduce_sum3A_1445 = vector.shape_cast %broadcast_in_dim3A_1431 : vector<64x1xf32> to vector<1x64x1xf32>
    %reduce_sum3A_1446 = arith.constant dense<0.000000e+00> : vector<1xf32>
    %reduce_sum3A_1447 = vector.multi_reduction <add>, %reduce_sum3A_1445, %reduce_sum3A_1446 [1, 2] : vector<1x64x1xf32> to vector<1xf32>
    %reduce_sum3A_1448 = vector.shape_cast %reduce_sum3A_1447 : vector<1xf32> to vector<1x1x1xf32>
    %reduce_sum3A_1449 = vector.extract %reduce_sum3A_1448[0, 0, 0] : f32 from vector<1x1x1xf32>
    %add3A_1450 = arith.addf %add3A_726, %reduce_sum3A_1449 : f32
    %slice3A_1451 = vector.extract_strided_slice %get3A_8 {offsets = [128, 0], sizes = [64, 1], strides = [1, 1]} : vector<256x1xf32> to vector<64x1xf32>
    %slice3A_1452 = vector.extract_strided_slice %get3A_11 {offsets = [0, 0], sizes = [1, 128], strides = [1, 1]} : vector<1x8192xf32> to vector<1x128xf32>
    %add3A_1453 = vector.broadcast %slice3A_1451 : vector<64x1xf32> to vector<64x128xf32>
    %add3A_1454 = vector.broadcast %slice3A_1452 : vector<1x128xf32> to vector<64x128xf32>
    %add3A_1455 = arith.addf %add3A_1453, %add3A_1454 : vector<64x128xf32>
    %slice3A_1456 = vector.extract_strided_slice %dot_general3A_5 {offsets = [128, 0], sizes = [64, 128], strides = [1, 1]} : vector<256x8192xf32> to vector<64x128xf32>
    %add3A_1457 = arith.addf %add3A_1455, %slice3A_1456 : vector<64x128xf32>
    %broadcast_in_dim3A_1458 = arith.constant 0 : i32
    %broadcast_in_dim3A_1459 = vector.broadcast %broadcast_in_dim3A_1458 : i32 to vector<64x128xi32>
    %slice3A_1460 = vector.extract_strided_slice %get3A_11 {offsets = [0, 128], sizes = [1, 128], strides = [1, 1]} : vector<1x8192xf32> to vector<1x128xf32>
    %add3A_1461 = vector.broadcast %slice3A_1451 : vector<64x1xf32> to vector<64x128xf32>
    %add3A_1462 = vector.broadcast %slice3A_1460 : vector<1x128xf32> to vector<64x128xf32>
    %add3A_1463 = arith.addf %add3A_1461, %add3A_1462 : vector<64x128xf32>
    %slice3A_1464 = vector.extract_strided_slice %dot_general3A_5 {offsets = [128, 128], sizes = [64, 128], strides = [1, 1]} : vector<256x8192xf32> to vector<64x128xf32>
    %add3A_1465 = arith.addf %add3A_1463, %slice3A_1464 : vector<64x128xf32>
    %lt3A_1466 = arith.cmpf olt, %add3A_1465, %add3A_1457 : vector<64x128xf32>
    %select_n3A_1467 = arith.select %lt3A_1466, %add3A_1465, %add3A_1457 : vector<64x128xi1>, vector<64x128xf32>
    %jit3A_1468 = arith.constant 1 : i32
    %broadcast_in_dim3A_1469 = vector.broadcast %jit3A_1468 : i32 to vector<64x128xi32>
    %select_n3A_1470 = arith.select %lt3A_1466, %broadcast_in_dim3A_1469, %broadcast_in_dim3A_1459 : vector<64x128xi1>, vector<64x128xi32>
    %slice3A_1471 = vector.extract_strided_slice %get3A_11 {offsets = [0, 256], sizes = [1, 128], strides = [1, 1]} : vector<1x8192xf32> to vector<1x128xf32>
    %add3A_1472 = vector.broadcast %slice3A_1451 : vector<64x1xf32> to vector<64x128xf32>
    %add3A_1473 = vector.broadcast %slice3A_1471 : vector<1x128xf32> to vector<64x128xf32>
    %add3A_1474 = arith.addf %add3A_1472, %add3A_1473 : vector<64x128xf32>
    %slice3A_1475 = vector.extract_strided_slice %dot_general3A_5 {offsets = [128, 256], sizes = [64, 128], strides = [1, 1]} : vector<256x8192xf32> to vector<64x128xf32>
    %add3A_1476 = arith.addf %add3A_1474, %slice3A_1475 : vector<64x128xf32>
    %lt3A_1477 = arith.cmpf olt, %add3A_1476, %select_n3A_1467 : vector<64x128xf32>
    %select_n3A_1478 = arith.select %lt3A_1477, %add3A_1476, %select_n3A_1467 : vector<64x128xi1>, vector<64x128xf32>
    %jit3A_1479 = arith.constant 2 : i32
    %broadcast_in_dim3A_1480 = vector.broadcast %jit3A_1479 : i32 to vector<64x128xi32>
    %select_n3A_1481 = arith.select %lt3A_1477, %broadcast_in_dim3A_1480, %select_n3A_1470 : vector<64x128xi1>, vector<64x128xi32>
    %slice3A_1482 = vector.extract_strided_slice %get3A_11 {offsets = [0, 384], sizes = [1, 128], strides = [1, 1]} : vector<1x8192xf32> to vector<1x128xf32>
    %add3A_1483 = vector.broadcast %slice3A_1451 : vector<64x1xf32> to vector<64x128xf32>
    %add3A_1484 = vector.broadcast %slice3A_1482 : vector<1x128xf32> to vector<64x128xf32>
    %add3A_1485 = arith.addf %add3A_1483, %add3A_1484 : vector<64x128xf32>
    %slice3A_1486 = vector.extract_strided_slice %dot_general3A_5 {offsets = [128, 384], sizes = [64, 128], strides = [1, 1]} : vector<256x8192xf32> to vector<64x128xf32>
    %add3A_1487 = arith.addf %add3A_1485, %slice3A_1486 : vector<64x128xf32>
    %lt3A_1488 = arith.cmpf olt, %add3A_1487, %select_n3A_1478 : vector<64x128xf32>
    %select_n3A_1489 = arith.select %lt3A_1488, %add3A_1487, %select_n3A_1478 : vector<64x128xi1>, vector<64x128xf32>
    %jit3A_1490 = arith.constant 3 : i32
    %broadcast_in_dim3A_1491 = vector.broadcast %jit3A_1490 : i32 to vector<64x128xi32>
    %select_n3A_1492 = arith.select %lt3A_1488, %broadcast_in_dim3A_1491, %select_n3A_1481 : vector<64x128xi1>, vector<64x128xi32>
    %slice3A_1493 = vector.extract_strided_slice %get3A_11 {offsets = [0, 512], sizes = [1, 128], strides = [1, 1]} : vector<1x8192xf32> to vector<1x128xf32>
    %add3A_1494 = vector.broadcast %slice3A_1451 : vector<64x1xf32> to vector<64x128xf32>
    %add3A_1495 = vector.broadcast %slice3A_1493 : vector<1x128xf32> to vector<64x128xf32>
    %add3A_1496 = arith.addf %add3A_1494, %add3A_1495 : vector<64x128xf32>
    %slice3A_1497 = vector.extract_strided_slice %dot_general3A_5 {offsets = [128, 512], sizes = [64, 128], strides = [1, 1]} : vector<256x8192xf32> to vector<64x128xf32>
    %add3A_1498 = arith.addf %add3A_1496, %slice3A_1497 : vector<64x128xf32>
    %lt3A_1499 = arith.cmpf olt, %add3A_1498, %select_n3A_1489 : vector<64x128xf32>
    %select_n3A_1500 = arith.select %lt3A_1499, %add3A_1498, %select_n3A_1489 : vector<64x128xi1>, vector<64x128xf32>
    %jit3A_1501 = arith.constant 4 : i32
    %broadcast_in_dim3A_1502 = vector.broadcast %jit3A_1501 : i32 to vector<64x128xi32>
    %select_n3A_1503 = arith.select %lt3A_1499, %broadcast_in_dim3A_1502, %select_n3A_1492 : vector<64x128xi1>, vector<64x128xi32>
    %slice3A_1504 = vector.extract_strided_slice %get3A_11 {offsets = [0, 640], sizes = [1, 128], strides = [1, 1]} : vector<1x8192xf32> to vector<1x128xf32>
    %add3A_1505 = vector.broadcast %slice3A_1451 : vector<64x1xf32> to vector<64x128xf32>
    %add3A_1506 = vector.broadcast %slice3A_1504 : vector<1x128xf32> to vector<64x128xf32>
    %add3A_1507 = arith.addf %add3A_1505, %add3A_1506 : vector<64x128xf32>
    %slice3A_1508 = vector.extract_strided_slice %dot_general3A_5 {offsets = [128, 640], sizes = [64, 128], strides = [1, 1]} : vector<256x8192xf32> to vector<64x128xf32>
    %add3A_1509 = arith.addf %add3A_1507, %slice3A_1508 : vector<64x128xf32>
    %lt3A_1510 = arith.cmpf olt, %add3A_1509, %select_n3A_1500 : vector<64x128xf32>
    %select_n3A_1511 = arith.select %lt3A_1510, %add3A_1509, %select_n3A_1500 : vector<64x128xi1>, vector<64x128xf32>
    %jit3A_1512 = arith.constant 5 : i32
    %broadcast_in_dim3A_1513 = vector.broadcast %jit3A_1512 : i32 to vector<64x128xi32>
    %select_n3A_1514 = arith.select %lt3A_1510, %broadcast_in_dim3A_1513, %select_n3A_1503 : vector<64x128xi1>, vector<64x128xi32>
    %slice3A_1515 = vector.extract_strided_slice %get3A_11 {offsets = [0, 768], sizes = [1, 128], strides = [1, 1]} : vector<1x8192xf32> to vector<1x128xf32>
    %add3A_1516 = vector.broadcast %slice3A_1451 : vector<64x1xf32> to vector<64x128xf32>
    %add3A_1517 = vector.broadcast %slice3A_1515 : vector<1x128xf32> to vector<64x128xf32>
    %add3A_1518 = arith.addf %add3A_1516, %add3A_1517 : vector<64x128xf32>
    %slice3A_1519 = vector.extract_strided_slice %dot_general3A_5 {offsets = [128, 768], sizes = [64, 128], strides = [1, 1]} : vector<256x8192xf32> to vector<64x128xf32>
    %add3A_1520 = arith.addf %add3A_1518, %slice3A_1519 : vector<64x128xf32>
    %lt3A_1521 = arith.cmpf olt, %add3A_1520, %select_n3A_1511 : vector<64x128xf32>
    %select_n3A_1522 = arith.select %lt3A_1521, %add3A_1520, %select_n3A_1511 : vector<64x128xi1>, vector<64x128xf32>
    %jit3A_1523 = arith.constant 6 : i32
    %broadcast_in_dim3A_1524 = vector.broadcast %jit3A_1523 : i32 to vector<64x128xi32>
    %select_n3A_1525 = arith.select %lt3A_1521, %broadcast_in_dim3A_1524, %select_n3A_1514 : vector<64x128xi1>, vector<64x128xi32>
    %slice3A_1526 = vector.extract_strided_slice %get3A_11 {offsets = [0, 896], sizes = [1, 128], strides = [1, 1]} : vector<1x8192xf32> to vector<1x128xf32>
    %add3A_1527 = vector.broadcast %slice3A_1451 : vector<64x1xf32> to vector<64x128xf32>
    %add3A_1528 = vector.broadcast %slice3A_1526 : vector<1x128xf32> to vector<64x128xf32>
    %add3A_1529 = arith.addf %add3A_1527, %add3A_1528 : vector<64x128xf32>
    %slice3A_1530 = vector.extract_strided_slice %dot_general3A_5 {offsets = [128, 896], sizes = [64, 128], strides = [1, 1]} : vector<256x8192xf32> to vector<64x128xf32>
    %add3A_1531 = arith.addf %add3A_1529, %slice3A_1530 : vector<64x128xf32>
    %lt3A_1532 = arith.cmpf olt, %add3A_1531, %select_n3A_1522 : vector<64x128xf32>
    %select_n3A_1533 = arith.select %lt3A_1532, %add3A_1531, %select_n3A_1522 : vector<64x128xi1>, vector<64x128xf32>
    %jit3A_1534 = arith.constant 7 : i32
    %broadcast_in_dim3A_1535 = vector.broadcast %jit3A_1534 : i32 to vector<64x128xi32>
    %select_n3A_1536 = arith.select %lt3A_1532, %broadcast_in_dim3A_1535, %select_n3A_1525 : vector<64x128xi1>, vector<64x128xi32>
    %slice3A_1537 = vector.extract_strided_slice %get3A_11 {offsets = [0, 1024], sizes = [1, 128], strides = [1, 1]} : vector<1x8192xf32> to vector<1x128xf32>
    %add3A_1538 = vector.broadcast %slice3A_1451 : vector<64x1xf32> to vector<64x128xf32>
    %add3A_1539 = vector.broadcast %slice3A_1537 : vector<1x128xf32> to vector<64x128xf32>
    %add3A_1540 = arith.addf %add3A_1538, %add3A_1539 : vector<64x128xf32>
    %slice3A_1541 = vector.extract_strided_slice %dot_general3A_5 {offsets = [128, 1024], sizes = [64, 128], strides = [1, 1]} : vector<256x8192xf32> to vector<64x128xf32>
    %add3A_1542 = arith.addf %add3A_1540, %slice3A_1541 : vector<64x128xf32>
    %lt3A_1543 = arith.cmpf olt, %add3A_1542, %select_n3A_1533 : vector<64x128xf32>
    %select_n3A_1544 = arith.select %lt3A_1543, %add3A_1542, %select_n3A_1533 : vector<64x128xi1>, vector<64x128xf32>
    %jit3A_1545 = arith.constant 8 : i32
    %broadcast_in_dim3A_1546 = vector.broadcast %jit3A_1545 : i32 to vector<64x128xi32>
    %select_n3A_1547 = arith.select %lt3A_1543, %broadcast_in_dim3A_1546, %select_n3A_1536 : vector<64x128xi1>, vector<64x128xi32>
    %slice3A_1548 = vector.extract_strided_slice %get3A_11 {offsets = [0, 1152], sizes = [1, 128], strides = [1, 1]} : vector<1x8192xf32> to vector<1x128xf32>
    %add3A_1549 = vector.broadcast %slice3A_1451 : vector<64x1xf32> to vector<64x128xf32>
    %add3A_1550 = vector.broadcast %slice3A_1548 : vector<1x128xf32> to vector<64x128xf32>
    %add3A_1551 = arith.addf %add3A_1549, %add3A_1550 : vector<64x128xf32>
    %slice3A_1552 = vector.extract_strided_slice %dot_general3A_5 {offsets = [128, 1152], sizes = [64, 128], strides = [1, 1]} : vector<256x8192xf32> to vector<64x128xf32>
    %add3A_1553 = arith.addf %add3A_1551, %slice3A_1552 : vector<64x128xf32>
    %lt3A_1554 = arith.cmpf olt, %add3A_1553, %select_n3A_1544 : vector<64x128xf32>
    %select_n3A_1555 = arith.select %lt3A_1554, %add3A_1553, %select_n3A_1544 : vector<64x128xi1>, vector<64x128xf32>
    %jit3A_1556 = arith.constant 9 : i32
    %broadcast_in_dim3A_1557 = vector.broadcast %jit3A_1556 : i32 to vector<64x128xi32>
    %select_n3A_1558 = arith.select %lt3A_1554, %broadcast_in_dim3A_1557, %select_n3A_1547 : vector<64x128xi1>, vector<64x128xi32>
    %slice3A_1559 = vector.extract_strided_slice %get3A_11 {offsets = [0, 1280], sizes = [1, 128], strides = [1, 1]} : vector<1x8192xf32> to vector<1x128xf32>
    %add3A_1560 = vector.broadcast %slice3A_1451 : vector<64x1xf32> to vector<64x128xf32>
    %add3A_1561 = vector.broadcast %slice3A_1559 : vector<1x128xf32> to vector<64x128xf32>
    %add3A_1562 = arith.addf %add3A_1560, %add3A_1561 : vector<64x128xf32>
    %slice3A_1563 = vector.extract_strided_slice %dot_general3A_5 {offsets = [128, 1280], sizes = [64, 128], strides = [1, 1]} : vector<256x8192xf32> to vector<64x128xf32>
    %add3A_1564 = arith.addf %add3A_1562, %slice3A_1563 : vector<64x128xf32>
    %lt3A_1565 = arith.cmpf olt, %add3A_1564, %select_n3A_1555 : vector<64x128xf32>
    %select_n3A_1566 = arith.select %lt3A_1565, %add3A_1564, %select_n3A_1555 : vector<64x128xi1>, vector<64x128xf32>
    %jit3A_1567 = arith.constant 10 : i32
    %broadcast_in_dim3A_1568 = vector.broadcast %jit3A_1567 : i32 to vector<64x128xi32>
    %select_n3A_1569 = arith.select %lt3A_1565, %broadcast_in_dim3A_1568, %select_n3A_1558 : vector<64x128xi1>, vector<64x128xi32>
    %slice3A_1570 = vector.extract_strided_slice %get3A_11 {offsets = [0, 1408], sizes = [1, 128], strides = [1, 1]} : vector<1x8192xf32> to vector<1x128xf32>
    %add3A_1571 = vector.broadcast %slice3A_1451 : vector<64x1xf32> to vector<64x128xf32>
    %add3A_1572 = vector.broadcast %slice3A_1570 : vector<1x128xf32> to vector<64x128xf32>
    %add3A_1573 = arith.addf %add3A_1571, %add3A_1572 : vector<64x128xf32>
    %slice3A_1574 = vector.extract_strided_slice %dot_general3A_5 {offsets = [128, 1408], sizes = [64, 128], strides = [1, 1]} : vector<256x8192xf32> to vector<64x128xf32>
    %add3A_1575 = arith.addf %add3A_1573, %slice3A_1574 : vector<64x128xf32>
    %lt3A_1576 = arith.cmpf olt, %add3A_1575, %select_n3A_1566 : vector<64x128xf32>
    %select_n3A_1577 = arith.select %lt3A_1576, %add3A_1575, %select_n3A_1566 : vector<64x128xi1>, vector<64x128xf32>
    %jit3A_1578 = arith.constant 11 : i32
    %broadcast_in_dim3A_1579 = vector.broadcast %jit3A_1578 : i32 to vector<64x128xi32>
    %select_n3A_1580 = arith.select %lt3A_1576, %broadcast_in_dim3A_1579, %select_n3A_1569 : vector<64x128xi1>, vector<64x128xi32>
    %slice3A_1581 = vector.extract_strided_slice %get3A_11 {offsets = [0, 1536], sizes = [1, 128], strides = [1, 1]} : vector<1x8192xf32> to vector<1x128xf32>
    %add3A_1582 = vector.broadcast %slice3A_1451 : vector<64x1xf32> to vector<64x128xf32>
    %add3A_1583 = vector.broadcast %slice3A_1581 : vector<1x128xf32> to vector<64x128xf32>
    %add3A_1584 = arith.addf %add3A_1582, %add3A_1583 : vector<64x128xf32>
    %slice3A_1585 = vector.extract_strided_slice %dot_general3A_5 {offsets = [128, 1536], sizes = [64, 128], strides = [1, 1]} : vector<256x8192xf32> to vector<64x128xf32>
    %add3A_1586 = arith.addf %add3A_1584, %slice3A_1585 : vector<64x128xf32>
    %lt3A_1587 = arith.cmpf olt, %add3A_1586, %select_n3A_1577 : vector<64x128xf32>
    %select_n3A_1588 = arith.select %lt3A_1587, %add3A_1586, %select_n3A_1577 : vector<64x128xi1>, vector<64x128xf32>
    %jit3A_1589 = arith.constant 12 : i32
    %broadcast_in_dim3A_1590 = vector.broadcast %jit3A_1589 : i32 to vector<64x128xi32>
    %select_n3A_1591 = arith.select %lt3A_1587, %broadcast_in_dim3A_1590, %select_n3A_1580 : vector<64x128xi1>, vector<64x128xi32>
    %slice3A_1592 = vector.extract_strided_slice %get3A_11 {offsets = [0, 1664], sizes = [1, 128], strides = [1, 1]} : vector<1x8192xf32> to vector<1x128xf32>
    %add3A_1593 = vector.broadcast %slice3A_1451 : vector<64x1xf32> to vector<64x128xf32>
    %add3A_1594 = vector.broadcast %slice3A_1592 : vector<1x128xf32> to vector<64x128xf32>
    %add3A_1595 = arith.addf %add3A_1593, %add3A_1594 : vector<64x128xf32>
    %slice3A_1596 = vector.extract_strided_slice %dot_general3A_5 {offsets = [128, 1664], sizes = [64, 128], strides = [1, 1]} : vector<256x8192xf32> to vector<64x128xf32>
    %add3A_1597 = arith.addf %add3A_1595, %slice3A_1596 : vector<64x128xf32>
    %lt3A_1598 = arith.cmpf olt, %add3A_1597, %select_n3A_1588 : vector<64x128xf32>
    %select_n3A_1599 = arith.select %lt3A_1598, %add3A_1597, %select_n3A_1588 : vector<64x128xi1>, vector<64x128xf32>
    %jit3A_1600 = arith.constant 13 : i32
    %broadcast_in_dim3A_1601 = vector.broadcast %jit3A_1600 : i32 to vector<64x128xi32>
    %select_n3A_1602 = arith.select %lt3A_1598, %broadcast_in_dim3A_1601, %select_n3A_1591 : vector<64x128xi1>, vector<64x128xi32>
    %slice3A_1603 = vector.extract_strided_slice %get3A_11 {offsets = [0, 1792], sizes = [1, 128], strides = [1, 1]} : vector<1x8192xf32> to vector<1x128xf32>
    %add3A_1604 = vector.broadcast %slice3A_1451 : vector<64x1xf32> to vector<64x128xf32>
    %add3A_1605 = vector.broadcast %slice3A_1603 : vector<1x128xf32> to vector<64x128xf32>
    %add3A_1606 = arith.addf %add3A_1604, %add3A_1605 : vector<64x128xf32>
    %slice3A_1607 = vector.extract_strided_slice %dot_general3A_5 {offsets = [128, 1792], sizes = [64, 128], strides = [1, 1]} : vector<256x8192xf32> to vector<64x128xf32>
    %add3A_1608 = arith.addf %add3A_1606, %slice3A_1607 : vector<64x128xf32>
    %lt3A_1609 = arith.cmpf olt, %add3A_1608, %select_n3A_1599 : vector<64x128xf32>
    %select_n3A_1610 = arith.select %lt3A_1609, %add3A_1608, %select_n3A_1599 : vector<64x128xi1>, vector<64x128xf32>
    %jit3A_1611 = arith.constant 14 : i32
    %broadcast_in_dim3A_1612 = vector.broadcast %jit3A_1611 : i32 to vector<64x128xi32>
    %select_n3A_1613 = arith.select %lt3A_1609, %broadcast_in_dim3A_1612, %select_n3A_1602 : vector<64x128xi1>, vector<64x128xi32>
    %slice3A_1614 = vector.extract_strided_slice %get3A_11 {offsets = [0, 1920], sizes = [1, 128], strides = [1, 1]} : vector<1x8192xf32> to vector<1x128xf32>
    %add3A_1615 = vector.broadcast %slice3A_1451 : vector<64x1xf32> to vector<64x128xf32>
    %add3A_1616 = vector.broadcast %slice3A_1614 : vector<1x128xf32> to vector<64x128xf32>
    %add3A_1617 = arith.addf %add3A_1615, %add3A_1616 : vector<64x128xf32>
    %slice3A_1618 = vector.extract_strided_slice %dot_general3A_5 {offsets = [128, 1920], sizes = [64, 128], strides = [1, 1]} : vector<256x8192xf32> to vector<64x128xf32>
    %add3A_1619 = arith.addf %add3A_1617, %slice3A_1618 : vector<64x128xf32>
    %lt3A_1620 = arith.cmpf olt, %add3A_1619, %select_n3A_1610 : vector<64x128xf32>
    %select_n3A_1621 = arith.select %lt3A_1620, %add3A_1619, %select_n3A_1610 : vector<64x128xi1>, vector<64x128xf32>
    %jit3A_1622 = arith.constant 15 : i32
    %broadcast_in_dim3A_1623 = vector.broadcast %jit3A_1622 : i32 to vector<64x128xi32>
    %select_n3A_1624 = arith.select %lt3A_1620, %broadcast_in_dim3A_1623, %select_n3A_1613 : vector<64x128xi1>, vector<64x128xi32>
    %slice3A_1625 = vector.extract_strided_slice %get3A_11 {offsets = [0, 2048], sizes = [1, 128], strides = [1, 1]} : vector<1x8192xf32> to vector<1x128xf32>
    %add3A_1626 = vector.broadcast %slice3A_1451 : vector<64x1xf32> to vector<64x128xf32>
    %add3A_1627 = vector.broadcast %slice3A_1625 : vector<1x128xf32> to vector<64x128xf32>
    %add3A_1628 = arith.addf %add3A_1626, %add3A_1627 : vector<64x128xf32>
    %slice3A_1629 = vector.extract_strided_slice %dot_general3A_5 {offsets = [128, 2048], sizes = [64, 128], strides = [1, 1]} : vector<256x8192xf32> to vector<64x128xf32>
    %add3A_1630 = arith.addf %add3A_1628, %slice3A_1629 : vector<64x128xf32>
    %lt3A_1631 = arith.cmpf olt, %add3A_1630, %select_n3A_1621 : vector<64x128xf32>
    %select_n3A_1632 = arith.select %lt3A_1631, %add3A_1630, %select_n3A_1621 : vector<64x128xi1>, vector<64x128xf32>
    %jit3A_1633 = arith.constant 16 : i32
    %broadcast_in_dim3A_1634 = vector.broadcast %jit3A_1633 : i32 to vector<64x128xi32>
    %select_n3A_1635 = arith.select %lt3A_1631, %broadcast_in_dim3A_1634, %select_n3A_1624 : vector<64x128xi1>, vector<64x128xi32>
    %slice3A_1636 = vector.extract_strided_slice %get3A_11 {offsets = [0, 2176], sizes = [1, 128], strides = [1, 1]} : vector<1x8192xf32> to vector<1x128xf32>
    %add3A_1637 = vector.broadcast %slice3A_1451 : vector<64x1xf32> to vector<64x128xf32>
    %add3A_1638 = vector.broadcast %slice3A_1636 : vector<1x128xf32> to vector<64x128xf32>
    %add3A_1639 = arith.addf %add3A_1637, %add3A_1638 : vector<64x128xf32>
    %slice3A_1640 = vector.extract_strided_slice %dot_general3A_5 {offsets = [128, 2176], sizes = [64, 128], strides = [1, 1]} : vector<256x8192xf32> to vector<64x128xf32>
    %add3A_1641 = arith.addf %add3A_1639, %slice3A_1640 : vector<64x128xf32>
    %lt3A_1642 = arith.cmpf olt, %add3A_1641, %select_n3A_1632 : vector<64x128xf32>
    %select_n3A_1643 = arith.select %lt3A_1642, %add3A_1641, %select_n3A_1632 : vector<64x128xi1>, vector<64x128xf32>
    %jit3A_1644 = arith.constant 17 : i32
    %broadcast_in_dim3A_1645 = vector.broadcast %jit3A_1644 : i32 to vector<64x128xi32>
    %select_n3A_1646 = arith.select %lt3A_1642, %broadcast_in_dim3A_1645, %select_n3A_1635 : vector<64x128xi1>, vector<64x128xi32>
    %slice3A_1647 = vector.extract_strided_slice %get3A_11 {offsets = [0, 2304], sizes = [1, 128], strides = [1, 1]} : vector<1x8192xf32> to vector<1x128xf32>
    %add3A_1648 = vector.broadcast %slice3A_1451 : vector<64x1xf32> to vector<64x128xf32>
    %add3A_1649 = vector.broadcast %slice3A_1647 : vector<1x128xf32> to vector<64x128xf32>
    %add3A_1650 = arith.addf %add3A_1648, %add3A_1649 : vector<64x128xf32>
    %slice3A_1651 = vector.extract_strided_slice %dot_general3A_5 {offsets = [128, 2304], sizes = [64, 128], strides = [1, 1]} : vector<256x8192xf32> to vector<64x128xf32>
    %add3A_1652 = arith.addf %add3A_1650, %slice3A_1651 : vector<64x128xf32>
    %lt3A_1653 = arith.cmpf olt, %add3A_1652, %select_n3A_1643 : vector<64x128xf32>
    %select_n3A_1654 = arith.select %lt3A_1653, %add3A_1652, %select_n3A_1643 : vector<64x128xi1>, vector<64x128xf32>
    %jit3A_1655 = arith.constant 18 : i32
    %broadcast_in_dim3A_1656 = vector.broadcast %jit3A_1655 : i32 to vector<64x128xi32>
    %select_n3A_1657 = arith.select %lt3A_1653, %broadcast_in_dim3A_1656, %select_n3A_1646 : vector<64x128xi1>, vector<64x128xi32>
    %slice3A_1658 = vector.extract_strided_slice %get3A_11 {offsets = [0, 2432], sizes = [1, 128], strides = [1, 1]} : vector<1x8192xf32> to vector<1x128xf32>
    %add3A_1659 = vector.broadcast %slice3A_1451 : vector<64x1xf32> to vector<64x128xf32>
    %add3A_1660 = vector.broadcast %slice3A_1658 : vector<1x128xf32> to vector<64x128xf32>
    %add3A_1661 = arith.addf %add3A_1659, %add3A_1660 : vector<64x128xf32>
    %slice3A_1662 = vector.extract_strided_slice %dot_general3A_5 {offsets = [128, 2432], sizes = [64, 128], strides = [1, 1]} : vector<256x8192xf32> to vector<64x128xf32>
    %add3A_1663 = arith.addf %add3A_1661, %slice3A_1662 : vector<64x128xf32>
    %lt3A_1664 = arith.cmpf olt, %add3A_1663, %select_n3A_1654 : vector<64x128xf32>
    %select_n3A_1665 = arith.select %lt3A_1664, %add3A_1663, %select_n3A_1654 : vector<64x128xi1>, vector<64x128xf32>
    %jit3A_1666 = arith.constant 19 : i32
    %broadcast_in_dim3A_1667 = vector.broadcast %jit3A_1666 : i32 to vector<64x128xi32>
    %select_n3A_1668 = arith.select %lt3A_1664, %broadcast_in_dim3A_1667, %select_n3A_1657 : vector<64x128xi1>, vector<64x128xi32>
    %slice3A_1669 = vector.extract_strided_slice %get3A_11 {offsets = [0, 2560], sizes = [1, 128], strides = [1, 1]} : vector<1x8192xf32> to vector<1x128xf32>
    %add3A_1670 = vector.broadcast %slice3A_1451 : vector<64x1xf32> to vector<64x128xf32>
    %add3A_1671 = vector.broadcast %slice3A_1669 : vector<1x128xf32> to vector<64x128xf32>
    %add3A_1672 = arith.addf %add3A_1670, %add3A_1671 : vector<64x128xf32>
    %slice3A_1673 = vector.extract_strided_slice %dot_general3A_5 {offsets = [128, 2560], sizes = [64, 128], strides = [1, 1]} : vector<256x8192xf32> to vector<64x128xf32>
    %add3A_1674 = arith.addf %add3A_1672, %slice3A_1673 : vector<64x128xf32>
    %lt3A_1675 = arith.cmpf olt, %add3A_1674, %select_n3A_1665 : vector<64x128xf32>
    %select_n3A_1676 = arith.select %lt3A_1675, %add3A_1674, %select_n3A_1665 : vector<64x128xi1>, vector<64x128xf32>
    %jit3A_1677 = arith.constant 20 : i32
    %broadcast_in_dim3A_1678 = vector.broadcast %jit3A_1677 : i32 to vector<64x128xi32>
    %select_n3A_1679 = arith.select %lt3A_1675, %broadcast_in_dim3A_1678, %select_n3A_1668 : vector<64x128xi1>, vector<64x128xi32>
    %slice3A_1680 = vector.extract_strided_slice %get3A_11 {offsets = [0, 2688], sizes = [1, 128], strides = [1, 1]} : vector<1x8192xf32> to vector<1x128xf32>
    %add3A_1681 = vector.broadcast %slice3A_1451 : vector<64x1xf32> to vector<64x128xf32>
    %add3A_1682 = vector.broadcast %slice3A_1680 : vector<1x128xf32> to vector<64x128xf32>
    %add3A_1683 = arith.addf %add3A_1681, %add3A_1682 : vector<64x128xf32>
    %slice3A_1684 = vector.extract_strided_slice %dot_general3A_5 {offsets = [128, 2688], sizes = [64, 128], strides = [1, 1]} : vector<256x8192xf32> to vector<64x128xf32>
    %add3A_1685 = arith.addf %add3A_1683, %slice3A_1684 : vector<64x128xf32>
    %lt3A_1686 = arith.cmpf olt, %add3A_1685, %select_n3A_1676 : vector<64x128xf32>
    %select_n3A_1687 = arith.select %lt3A_1686, %add3A_1685, %select_n3A_1676 : vector<64x128xi1>, vector<64x128xf32>
    %jit3A_1688 = arith.constant 21 : i32
    %broadcast_in_dim3A_1689 = vector.broadcast %jit3A_1688 : i32 to vector<64x128xi32>
    %select_n3A_1690 = arith.select %lt3A_1686, %broadcast_in_dim3A_1689, %select_n3A_1679 : vector<64x128xi1>, vector<64x128xi32>
    %slice3A_1691 = vector.extract_strided_slice %get3A_11 {offsets = [0, 2816], sizes = [1, 128], strides = [1, 1]} : vector<1x8192xf32> to vector<1x128xf32>
    %add3A_1692 = vector.broadcast %slice3A_1451 : vector<64x1xf32> to vector<64x128xf32>
    %add3A_1693 = vector.broadcast %slice3A_1691 : vector<1x128xf32> to vector<64x128xf32>
    %add3A_1694 = arith.addf %add3A_1692, %add3A_1693 : vector<64x128xf32>
    %slice3A_1695 = vector.extract_strided_slice %dot_general3A_5 {offsets = [128, 2816], sizes = [64, 128], strides = [1, 1]} : vector<256x8192xf32> to vector<64x128xf32>
    %add3A_1696 = arith.addf %add3A_1694, %slice3A_1695 : vector<64x128xf32>
    %lt3A_1697 = arith.cmpf olt, %add3A_1696, %select_n3A_1687 : vector<64x128xf32>
    %select_n3A_1698 = arith.select %lt3A_1697, %add3A_1696, %select_n3A_1687 : vector<64x128xi1>, vector<64x128xf32>
    %jit3A_1699 = arith.constant 22 : i32
    %broadcast_in_dim3A_1700 = vector.broadcast %jit3A_1699 : i32 to vector<64x128xi32>
    %select_n3A_1701 = arith.select %lt3A_1697, %broadcast_in_dim3A_1700, %select_n3A_1690 : vector<64x128xi1>, vector<64x128xi32>
    %slice3A_1702 = vector.extract_strided_slice %get3A_11 {offsets = [0, 2944], sizes = [1, 128], strides = [1, 1]} : vector<1x8192xf32> to vector<1x128xf32>
    %add3A_1703 = vector.broadcast %slice3A_1451 : vector<64x1xf32> to vector<64x128xf32>
    %add3A_1704 = vector.broadcast %slice3A_1702 : vector<1x128xf32> to vector<64x128xf32>
    %add3A_1705 = arith.addf %add3A_1703, %add3A_1704 : vector<64x128xf32>
    %slice3A_1706 = vector.extract_strided_slice %dot_general3A_5 {offsets = [128, 2944], sizes = [64, 128], strides = [1, 1]} : vector<256x8192xf32> to vector<64x128xf32>
    %add3A_1707 = arith.addf %add3A_1705, %slice3A_1706 : vector<64x128xf32>
    %lt3A_1708 = arith.cmpf olt, %add3A_1707, %select_n3A_1698 : vector<64x128xf32>
    %select_n3A_1709 = arith.select %lt3A_1708, %add3A_1707, %select_n3A_1698 : vector<64x128xi1>, vector<64x128xf32>
    %jit3A_1710 = arith.constant 23 : i32
    %broadcast_in_dim3A_1711 = vector.broadcast %jit3A_1710 : i32 to vector<64x128xi32>
    %select_n3A_1712 = arith.select %lt3A_1708, %broadcast_in_dim3A_1711, %select_n3A_1701 : vector<64x128xi1>, vector<64x128xi32>
    %slice3A_1713 = vector.extract_strided_slice %get3A_11 {offsets = [0, 3072], sizes = [1, 128], strides = [1, 1]} : vector<1x8192xf32> to vector<1x128xf32>
    %add3A_1714 = vector.broadcast %slice3A_1451 : vector<64x1xf32> to vector<64x128xf32>
    %add3A_1715 = vector.broadcast %slice3A_1713 : vector<1x128xf32> to vector<64x128xf32>
    %add3A_1716 = arith.addf %add3A_1714, %add3A_1715 : vector<64x128xf32>
    %slice3A_1717 = vector.extract_strided_slice %dot_general3A_5 {offsets = [128, 3072], sizes = [64, 128], strides = [1, 1]} : vector<256x8192xf32> to vector<64x128xf32>
    %add3A_1718 = arith.addf %add3A_1716, %slice3A_1717 : vector<64x128xf32>
    %lt3A_1719 = arith.cmpf olt, %add3A_1718, %select_n3A_1709 : vector<64x128xf32>
    %select_n3A_1720 = arith.select %lt3A_1719, %add3A_1718, %select_n3A_1709 : vector<64x128xi1>, vector<64x128xf32>
    %jit3A_1721 = arith.constant 24 : i32
    %broadcast_in_dim3A_1722 = vector.broadcast %jit3A_1721 : i32 to vector<64x128xi32>
    %select_n3A_1723 = arith.select %lt3A_1719, %broadcast_in_dim3A_1722, %select_n3A_1712 : vector<64x128xi1>, vector<64x128xi32>
    %slice3A_1724 = vector.extract_strided_slice %get3A_11 {offsets = [0, 3200], sizes = [1, 128], strides = [1, 1]} : vector<1x8192xf32> to vector<1x128xf32>
    %add3A_1725 = vector.broadcast %slice3A_1451 : vector<64x1xf32> to vector<64x128xf32>
    %add3A_1726 = vector.broadcast %slice3A_1724 : vector<1x128xf32> to vector<64x128xf32>
    %add3A_1727 = arith.addf %add3A_1725, %add3A_1726 : vector<64x128xf32>
    %slice3A_1728 = vector.extract_strided_slice %dot_general3A_5 {offsets = [128, 3200], sizes = [64, 128], strides = [1, 1]} : vector<256x8192xf32> to vector<64x128xf32>
    %add3A_1729 = arith.addf %add3A_1727, %slice3A_1728 : vector<64x128xf32>
    %lt3A_1730 = arith.cmpf olt, %add3A_1729, %select_n3A_1720 : vector<64x128xf32>
    %select_n3A_1731 = arith.select %lt3A_1730, %add3A_1729, %select_n3A_1720 : vector<64x128xi1>, vector<64x128xf32>
    %jit3A_1732 = arith.constant 25 : i32
    %broadcast_in_dim3A_1733 = vector.broadcast %jit3A_1732 : i32 to vector<64x128xi32>
    %select_n3A_1734 = arith.select %lt3A_1730, %broadcast_in_dim3A_1733, %select_n3A_1723 : vector<64x128xi1>, vector<64x128xi32>
    %slice3A_1735 = vector.extract_strided_slice %get3A_11 {offsets = [0, 3328], sizes = [1, 128], strides = [1, 1]} : vector<1x8192xf32> to vector<1x128xf32>
    %add3A_1736 = vector.broadcast %slice3A_1451 : vector<64x1xf32> to vector<64x128xf32>
    %add3A_1737 = vector.broadcast %slice3A_1735 : vector<1x128xf32> to vector<64x128xf32>
    %add3A_1738 = arith.addf %add3A_1736, %add3A_1737 : vector<64x128xf32>
    %slice3A_1739 = vector.extract_strided_slice %dot_general3A_5 {offsets = [128, 3328], sizes = [64, 128], strides = [1, 1]} : vector<256x8192xf32> to vector<64x128xf32>
    %add3A_1740 = arith.addf %add3A_1738, %slice3A_1739 : vector<64x128xf32>
    %lt3A_1741 = arith.cmpf olt, %add3A_1740, %select_n3A_1731 : vector<64x128xf32>
    %select_n3A_1742 = arith.select %lt3A_1741, %add3A_1740, %select_n3A_1731 : vector<64x128xi1>, vector<64x128xf32>
    %jit3A_1743 = arith.constant 26 : i32
    %broadcast_in_dim3A_1744 = vector.broadcast %jit3A_1743 : i32 to vector<64x128xi32>
    %select_n3A_1745 = arith.select %lt3A_1741, %broadcast_in_dim3A_1744, %select_n3A_1734 : vector<64x128xi1>, vector<64x128xi32>
    %slice3A_1746 = vector.extract_strided_slice %get3A_11 {offsets = [0, 3456], sizes = [1, 128], strides = [1, 1]} : vector<1x8192xf32> to vector<1x128xf32>
    %add3A_1747 = vector.broadcast %slice3A_1451 : vector<64x1xf32> to vector<64x128xf32>
    %add3A_1748 = vector.broadcast %slice3A_1746 : vector<1x128xf32> to vector<64x128xf32>
    %add3A_1749 = arith.addf %add3A_1747, %add3A_1748 : vector<64x128xf32>
    %slice3A_1750 = vector.extract_strided_slice %dot_general3A_5 {offsets = [128, 3456], sizes = [64, 128], strides = [1, 1]} : vector<256x8192xf32> to vector<64x128xf32>
    %add3A_1751 = arith.addf %add3A_1749, %slice3A_1750 : vector<64x128xf32>
    %lt3A_1752 = arith.cmpf olt, %add3A_1751, %select_n3A_1742 : vector<64x128xf32>
    %select_n3A_1753 = arith.select %lt3A_1752, %add3A_1751, %select_n3A_1742 : vector<64x128xi1>, vector<64x128xf32>
    %jit3A_1754 = arith.constant 27 : i32
    %broadcast_in_dim3A_1755 = vector.broadcast %jit3A_1754 : i32 to vector<64x128xi32>
    %select_n3A_1756 = arith.select %lt3A_1752, %broadcast_in_dim3A_1755, %select_n3A_1745 : vector<64x128xi1>, vector<64x128xi32>
    %slice3A_1757 = vector.extract_strided_slice %get3A_11 {offsets = [0, 3584], sizes = [1, 128], strides = [1, 1]} : vector<1x8192xf32> to vector<1x128xf32>
    %add3A_1758 = vector.broadcast %slice3A_1451 : vector<64x1xf32> to vector<64x128xf32>
    %add3A_1759 = vector.broadcast %slice3A_1757 : vector<1x128xf32> to vector<64x128xf32>
    %add3A_1760 = arith.addf %add3A_1758, %add3A_1759 : vector<64x128xf32>
    %slice3A_1761 = vector.extract_strided_slice %dot_general3A_5 {offsets = [128, 3584], sizes = [64, 128], strides = [1, 1]} : vector<256x8192xf32> to vector<64x128xf32>
    %add3A_1762 = arith.addf %add3A_1760, %slice3A_1761 : vector<64x128xf32>
    %lt3A_1763 = arith.cmpf olt, %add3A_1762, %select_n3A_1753 : vector<64x128xf32>
    %select_n3A_1764 = arith.select %lt3A_1763, %add3A_1762, %select_n3A_1753 : vector<64x128xi1>, vector<64x128xf32>
    %jit3A_1765 = arith.constant 28 : i32
    %broadcast_in_dim3A_1766 = vector.broadcast %jit3A_1765 : i32 to vector<64x128xi32>
    %select_n3A_1767 = arith.select %lt3A_1763, %broadcast_in_dim3A_1766, %select_n3A_1756 : vector<64x128xi1>, vector<64x128xi32>
    %slice3A_1768 = vector.extract_strided_slice %get3A_11 {offsets = [0, 3712], sizes = [1, 128], strides = [1, 1]} : vector<1x8192xf32> to vector<1x128xf32>
    %add3A_1769 = vector.broadcast %slice3A_1451 : vector<64x1xf32> to vector<64x128xf32>
    %add3A_1770 = vector.broadcast %slice3A_1768 : vector<1x128xf32> to vector<64x128xf32>
    %add3A_1771 = arith.addf %add3A_1769, %add3A_1770 : vector<64x128xf32>
    %slice3A_1772 = vector.extract_strided_slice %dot_general3A_5 {offsets = [128, 3712], sizes = [64, 128], strides = [1, 1]} : vector<256x8192xf32> to vector<64x128xf32>
    %add3A_1773 = arith.addf %add3A_1771, %slice3A_1772 : vector<64x128xf32>
    %lt3A_1774 = arith.cmpf olt, %add3A_1773, %select_n3A_1764 : vector<64x128xf32>
    %select_n3A_1775 = arith.select %lt3A_1774, %add3A_1773, %select_n3A_1764 : vector<64x128xi1>, vector<64x128xf32>
    %jit3A_1776 = arith.constant 29 : i32
    %broadcast_in_dim3A_1777 = vector.broadcast %jit3A_1776 : i32 to vector<64x128xi32>
    %select_n3A_1778 = arith.select %lt3A_1774, %broadcast_in_dim3A_1777, %select_n3A_1767 : vector<64x128xi1>, vector<64x128xi32>
    %slice3A_1779 = vector.extract_strided_slice %get3A_11 {offsets = [0, 3840], sizes = [1, 128], strides = [1, 1]} : vector<1x8192xf32> to vector<1x128xf32>
    %add3A_1780 = vector.broadcast %slice3A_1451 : vector<64x1xf32> to vector<64x128xf32>
    %add3A_1781 = vector.broadcast %slice3A_1779 : vector<1x128xf32> to vector<64x128xf32>
    %add3A_1782 = arith.addf %add3A_1780, %add3A_1781 : vector<64x128xf32>
    %slice3A_1783 = vector.extract_strided_slice %dot_general3A_5 {offsets = [128, 3840], sizes = [64, 128], strides = [1, 1]} : vector<256x8192xf32> to vector<64x128xf32>
    %add3A_1784 = arith.addf %add3A_1782, %slice3A_1783 : vector<64x128xf32>
    %lt3A_1785 = arith.cmpf olt, %add3A_1784, %select_n3A_1775 : vector<64x128xf32>
    %select_n3A_1786 = arith.select %lt3A_1785, %add3A_1784, %select_n3A_1775 : vector<64x128xi1>, vector<64x128xf32>
    %jit3A_1787 = arith.constant 30 : i32
    %broadcast_in_dim3A_1788 = vector.broadcast %jit3A_1787 : i32 to vector<64x128xi32>
    %select_n3A_1789 = arith.select %lt3A_1785, %broadcast_in_dim3A_1788, %select_n3A_1778 : vector<64x128xi1>, vector<64x128xi32>
    %slice3A_1790 = vector.extract_strided_slice %get3A_11 {offsets = [0, 3968], sizes = [1, 128], strides = [1, 1]} : vector<1x8192xf32> to vector<1x128xf32>
    %add3A_1791 = vector.broadcast %slice3A_1451 : vector<64x1xf32> to vector<64x128xf32>
    %add3A_1792 = vector.broadcast %slice3A_1790 : vector<1x128xf32> to vector<64x128xf32>
    %add3A_1793 = arith.addf %add3A_1791, %add3A_1792 : vector<64x128xf32>
    %slice3A_1794 = vector.extract_strided_slice %dot_general3A_5 {offsets = [128, 3968], sizes = [64, 128], strides = [1, 1]} : vector<256x8192xf32> to vector<64x128xf32>
    %add3A_1795 = arith.addf %add3A_1793, %slice3A_1794 : vector<64x128xf32>
    %lt3A_1796 = arith.cmpf olt, %add3A_1795, %select_n3A_1786 : vector<64x128xf32>
    %select_n3A_1797 = arith.select %lt3A_1796, %add3A_1795, %select_n3A_1786 : vector<64x128xi1>, vector<64x128xf32>
    %jit3A_1798 = arith.constant 31 : i32
    %broadcast_in_dim3A_1799 = vector.broadcast %jit3A_1798 : i32 to vector<64x128xi32>
    %select_n3A_1800 = arith.select %lt3A_1796, %broadcast_in_dim3A_1799, %select_n3A_1789 : vector<64x128xi1>, vector<64x128xi32>
    %slice3A_1801 = vector.extract_strided_slice %get3A_11 {offsets = [0, 4096], sizes = [1, 128], strides = [1, 1]} : vector<1x8192xf32> to vector<1x128xf32>
    %add3A_1802 = vector.broadcast %slice3A_1451 : vector<64x1xf32> to vector<64x128xf32>
    %add3A_1803 = vector.broadcast %slice3A_1801 : vector<1x128xf32> to vector<64x128xf32>
    %add3A_1804 = arith.addf %add3A_1802, %add3A_1803 : vector<64x128xf32>
    %slice3A_1805 = vector.extract_strided_slice %dot_general3A_5 {offsets = [128, 4096], sizes = [64, 128], strides = [1, 1]} : vector<256x8192xf32> to vector<64x128xf32>
    %add3A_1806 = arith.addf %add3A_1804, %slice3A_1805 : vector<64x128xf32>
    %lt3A_1807 = arith.cmpf olt, %add3A_1806, %select_n3A_1797 : vector<64x128xf32>
    %select_n3A_1808 = arith.select %lt3A_1807, %add3A_1806, %select_n3A_1797 : vector<64x128xi1>, vector<64x128xf32>
    %jit3A_1809 = arith.constant 32 : i32
    %broadcast_in_dim3A_1810 = vector.broadcast %jit3A_1809 : i32 to vector<64x128xi32>
    %select_n3A_1811 = arith.select %lt3A_1807, %broadcast_in_dim3A_1810, %select_n3A_1800 : vector<64x128xi1>, vector<64x128xi32>
    %slice3A_1812 = vector.extract_strided_slice %get3A_11 {offsets = [0, 4224], sizes = [1, 128], strides = [1, 1]} : vector<1x8192xf32> to vector<1x128xf32>
    %add3A_1813 = vector.broadcast %slice3A_1451 : vector<64x1xf32> to vector<64x128xf32>
    %add3A_1814 = vector.broadcast %slice3A_1812 : vector<1x128xf32> to vector<64x128xf32>
    %add3A_1815 = arith.addf %add3A_1813, %add3A_1814 : vector<64x128xf32>
    %slice3A_1816 = vector.extract_strided_slice %dot_general3A_5 {offsets = [128, 4224], sizes = [64, 128], strides = [1, 1]} : vector<256x8192xf32> to vector<64x128xf32>
    %add3A_1817 = arith.addf %add3A_1815, %slice3A_1816 : vector<64x128xf32>
    %lt3A_1818 = arith.cmpf olt, %add3A_1817, %select_n3A_1808 : vector<64x128xf32>
    %select_n3A_1819 = arith.select %lt3A_1818, %add3A_1817, %select_n3A_1808 : vector<64x128xi1>, vector<64x128xf32>
    %jit3A_1820 = arith.constant 33 : i32
    %broadcast_in_dim3A_1821 = vector.broadcast %jit3A_1820 : i32 to vector<64x128xi32>
    %select_n3A_1822 = arith.select %lt3A_1818, %broadcast_in_dim3A_1821, %select_n3A_1811 : vector<64x128xi1>, vector<64x128xi32>
    %slice3A_1823 = vector.extract_strided_slice %get3A_11 {offsets = [0, 4352], sizes = [1, 128], strides = [1, 1]} : vector<1x8192xf32> to vector<1x128xf32>
    %add3A_1824 = vector.broadcast %slice3A_1451 : vector<64x1xf32> to vector<64x128xf32>
    %add3A_1825 = vector.broadcast %slice3A_1823 : vector<1x128xf32> to vector<64x128xf32>
    %add3A_1826 = arith.addf %add3A_1824, %add3A_1825 : vector<64x128xf32>
    %slice3A_1827 = vector.extract_strided_slice %dot_general3A_5 {offsets = [128, 4352], sizes = [64, 128], strides = [1, 1]} : vector<256x8192xf32> to vector<64x128xf32>
    %add3A_1828 = arith.addf %add3A_1826, %slice3A_1827 : vector<64x128xf32>
    %lt3A_1829 = arith.cmpf olt, %add3A_1828, %select_n3A_1819 : vector<64x128xf32>
    %select_n3A_1830 = arith.select %lt3A_1829, %add3A_1828, %select_n3A_1819 : vector<64x128xi1>, vector<64x128xf32>
    %jit3A_1831 = arith.constant 34 : i32
    %broadcast_in_dim3A_1832 = vector.broadcast %jit3A_1831 : i32 to vector<64x128xi32>
    %select_n3A_1833 = arith.select %lt3A_1829, %broadcast_in_dim3A_1832, %select_n3A_1822 : vector<64x128xi1>, vector<64x128xi32>
    %slice3A_1834 = vector.extract_strided_slice %get3A_11 {offsets = [0, 4480], sizes = [1, 128], strides = [1, 1]} : vector<1x8192xf32> to vector<1x128xf32>
    %add3A_1835 = vector.broadcast %slice3A_1451 : vector<64x1xf32> to vector<64x128xf32>
    %add3A_1836 = vector.broadcast %slice3A_1834 : vector<1x128xf32> to vector<64x128xf32>
    %add3A_1837 = arith.addf %add3A_1835, %add3A_1836 : vector<64x128xf32>
    %slice3A_1838 = vector.extract_strided_slice %dot_general3A_5 {offsets = [128, 4480], sizes = [64, 128], strides = [1, 1]} : vector<256x8192xf32> to vector<64x128xf32>
    %add3A_1839 = arith.addf %add3A_1837, %slice3A_1838 : vector<64x128xf32>
    %lt3A_1840 = arith.cmpf olt, %add3A_1839, %select_n3A_1830 : vector<64x128xf32>
    %select_n3A_1841 = arith.select %lt3A_1840, %add3A_1839, %select_n3A_1830 : vector<64x128xi1>, vector<64x128xf32>
    %jit3A_1842 = arith.constant 35 : i32
    %broadcast_in_dim3A_1843 = vector.broadcast %jit3A_1842 : i32 to vector<64x128xi32>
    %select_n3A_1844 = arith.select %lt3A_1840, %broadcast_in_dim3A_1843, %select_n3A_1833 : vector<64x128xi1>, vector<64x128xi32>
    %slice3A_1845 = vector.extract_strided_slice %get3A_11 {offsets = [0, 4608], sizes = [1, 128], strides = [1, 1]} : vector<1x8192xf32> to vector<1x128xf32>
    %add3A_1846 = vector.broadcast %slice3A_1451 : vector<64x1xf32> to vector<64x128xf32>
    %add3A_1847 = vector.broadcast %slice3A_1845 : vector<1x128xf32> to vector<64x128xf32>
    %add3A_1848 = arith.addf %add3A_1846, %add3A_1847 : vector<64x128xf32>
    %slice3A_1849 = vector.extract_strided_slice %dot_general3A_5 {offsets = [128, 4608], sizes = [64, 128], strides = [1, 1]} : vector<256x8192xf32> to vector<64x128xf32>
    %add3A_1850 = arith.addf %add3A_1848, %slice3A_1849 : vector<64x128xf32>
    %lt3A_1851 = arith.cmpf olt, %add3A_1850, %select_n3A_1841 : vector<64x128xf32>
    %select_n3A_1852 = arith.select %lt3A_1851, %add3A_1850, %select_n3A_1841 : vector<64x128xi1>, vector<64x128xf32>
    %jit3A_1853 = arith.constant 36 : i32
    %broadcast_in_dim3A_1854 = vector.broadcast %jit3A_1853 : i32 to vector<64x128xi32>
    %select_n3A_1855 = arith.select %lt3A_1851, %broadcast_in_dim3A_1854, %select_n3A_1844 : vector<64x128xi1>, vector<64x128xi32>
    %slice3A_1856 = vector.extract_strided_slice %get3A_11 {offsets = [0, 4736], sizes = [1, 128], strides = [1, 1]} : vector<1x8192xf32> to vector<1x128xf32>
    %add3A_1857 = vector.broadcast %slice3A_1451 : vector<64x1xf32> to vector<64x128xf32>
    %add3A_1858 = vector.broadcast %slice3A_1856 : vector<1x128xf32> to vector<64x128xf32>
    %add3A_1859 = arith.addf %add3A_1857, %add3A_1858 : vector<64x128xf32>
    %slice3A_1860 = vector.extract_strided_slice %dot_general3A_5 {offsets = [128, 4736], sizes = [64, 128], strides = [1, 1]} : vector<256x8192xf32> to vector<64x128xf32>
    %add3A_1861 = arith.addf %add3A_1859, %slice3A_1860 : vector<64x128xf32>
    %lt3A_1862 = arith.cmpf olt, %add3A_1861, %select_n3A_1852 : vector<64x128xf32>
    %select_n3A_1863 = arith.select %lt3A_1862, %add3A_1861, %select_n3A_1852 : vector<64x128xi1>, vector<64x128xf32>
    %jit3A_1864 = arith.constant 37 : i32
    %broadcast_in_dim3A_1865 = vector.broadcast %jit3A_1864 : i32 to vector<64x128xi32>
    %select_n3A_1866 = arith.select %lt3A_1862, %broadcast_in_dim3A_1865, %select_n3A_1855 : vector<64x128xi1>, vector<64x128xi32>
    %slice3A_1867 = vector.extract_strided_slice %get3A_11 {offsets = [0, 4864], sizes = [1, 128], strides = [1, 1]} : vector<1x8192xf32> to vector<1x128xf32>
    %add3A_1868 = vector.broadcast %slice3A_1451 : vector<64x1xf32> to vector<64x128xf32>
    %add3A_1869 = vector.broadcast %slice3A_1867 : vector<1x128xf32> to vector<64x128xf32>
    %add3A_1870 = arith.addf %add3A_1868, %add3A_1869 : vector<64x128xf32>
    %slice3A_1871 = vector.extract_strided_slice %dot_general3A_5 {offsets = [128, 4864], sizes = [64, 128], strides = [1, 1]} : vector<256x8192xf32> to vector<64x128xf32>
    %add3A_1872 = arith.addf %add3A_1870, %slice3A_1871 : vector<64x128xf32>
    %lt3A_1873 = arith.cmpf olt, %add3A_1872, %select_n3A_1863 : vector<64x128xf32>
    %select_n3A_1874 = arith.select %lt3A_1873, %add3A_1872, %select_n3A_1863 : vector<64x128xi1>, vector<64x128xf32>
    %jit3A_1875 = arith.constant 38 : i32
    %broadcast_in_dim3A_1876 = vector.broadcast %jit3A_1875 : i32 to vector<64x128xi32>
    %select_n3A_1877 = arith.select %lt3A_1873, %broadcast_in_dim3A_1876, %select_n3A_1866 : vector<64x128xi1>, vector<64x128xi32>
    %slice3A_1878 = vector.extract_strided_slice %get3A_11 {offsets = [0, 4992], sizes = [1, 128], strides = [1, 1]} : vector<1x8192xf32> to vector<1x128xf32>
    %add3A_1879 = vector.broadcast %slice3A_1451 : vector<64x1xf32> to vector<64x128xf32>
    %add3A_1880 = vector.broadcast %slice3A_1878 : vector<1x128xf32> to vector<64x128xf32>
    %add3A_1881 = arith.addf %add3A_1879, %add3A_1880 : vector<64x128xf32>
    %slice3A_1882 = vector.extract_strided_slice %dot_general3A_5 {offsets = [128, 4992], sizes = [64, 128], strides = [1, 1]} : vector<256x8192xf32> to vector<64x128xf32>
    %add3A_1883 = arith.addf %add3A_1881, %slice3A_1882 : vector<64x128xf32>
    %lt3A_1884 = arith.cmpf olt, %add3A_1883, %select_n3A_1874 : vector<64x128xf32>
    %select_n3A_1885 = arith.select %lt3A_1884, %add3A_1883, %select_n3A_1874 : vector<64x128xi1>, vector<64x128xf32>
    %jit3A_1886 = arith.constant 39 : i32
    %broadcast_in_dim3A_1887 = vector.broadcast %jit3A_1886 : i32 to vector<64x128xi32>
    %select_n3A_1888 = arith.select %lt3A_1884, %broadcast_in_dim3A_1887, %select_n3A_1877 : vector<64x128xi1>, vector<64x128xi32>
    %slice3A_1889 = vector.extract_strided_slice %get3A_11 {offsets = [0, 5120], sizes = [1, 128], strides = [1, 1]} : vector<1x8192xf32> to vector<1x128xf32>
    %add3A_1890 = vector.broadcast %slice3A_1451 : vector<64x1xf32> to vector<64x128xf32>
    %add3A_1891 = vector.broadcast %slice3A_1889 : vector<1x128xf32> to vector<64x128xf32>
    %add3A_1892 = arith.addf %add3A_1890, %add3A_1891 : vector<64x128xf32>
    %slice3A_1893 = vector.extract_strided_slice %dot_general3A_5 {offsets = [128, 5120], sizes = [64, 128], strides = [1, 1]} : vector<256x8192xf32> to vector<64x128xf32>
    %add3A_1894 = arith.addf %add3A_1892, %slice3A_1893 : vector<64x128xf32>
    %lt3A_1895 = arith.cmpf olt, %add3A_1894, %select_n3A_1885 : vector<64x128xf32>
    %select_n3A_1896 = arith.select %lt3A_1895, %add3A_1894, %select_n3A_1885 : vector<64x128xi1>, vector<64x128xf32>
    %jit3A_1897 = arith.constant 40 : i32
    %broadcast_in_dim3A_1898 = vector.broadcast %jit3A_1897 : i32 to vector<64x128xi32>
    %select_n3A_1899 = arith.select %lt3A_1895, %broadcast_in_dim3A_1898, %select_n3A_1888 : vector<64x128xi1>, vector<64x128xi32>
    %slice3A_1900 = vector.extract_strided_slice %get3A_11 {offsets = [0, 5248], sizes = [1, 128], strides = [1, 1]} : vector<1x8192xf32> to vector<1x128xf32>
    %add3A_1901 = vector.broadcast %slice3A_1451 : vector<64x1xf32> to vector<64x128xf32>
    %add3A_1902 = vector.broadcast %slice3A_1900 : vector<1x128xf32> to vector<64x128xf32>
    %add3A_1903 = arith.addf %add3A_1901, %add3A_1902 : vector<64x128xf32>
    %slice3A_1904 = vector.extract_strided_slice %dot_general3A_5 {offsets = [128, 5248], sizes = [64, 128], strides = [1, 1]} : vector<256x8192xf32> to vector<64x128xf32>
    %add3A_1905 = arith.addf %add3A_1903, %slice3A_1904 : vector<64x128xf32>
    %lt3A_1906 = arith.cmpf olt, %add3A_1905, %select_n3A_1896 : vector<64x128xf32>
    %select_n3A_1907 = arith.select %lt3A_1906, %add3A_1905, %select_n3A_1896 : vector<64x128xi1>, vector<64x128xf32>
    %jit3A_1908 = arith.constant 41 : i32
    %broadcast_in_dim3A_1909 = vector.broadcast %jit3A_1908 : i32 to vector<64x128xi32>
    %select_n3A_1910 = arith.select %lt3A_1906, %broadcast_in_dim3A_1909, %select_n3A_1899 : vector<64x128xi1>, vector<64x128xi32>
    %slice3A_1911 = vector.extract_strided_slice %get3A_11 {offsets = [0, 5376], sizes = [1, 128], strides = [1, 1]} : vector<1x8192xf32> to vector<1x128xf32>
    %add3A_1912 = vector.broadcast %slice3A_1451 : vector<64x1xf32> to vector<64x128xf32>
    %add3A_1913 = vector.broadcast %slice3A_1911 : vector<1x128xf32> to vector<64x128xf32>
    %add3A_1914 = arith.addf %add3A_1912, %add3A_1913 : vector<64x128xf32>
    %slice3A_1915 = vector.extract_strided_slice %dot_general3A_5 {offsets = [128, 5376], sizes = [64, 128], strides = [1, 1]} : vector<256x8192xf32> to vector<64x128xf32>
    %add3A_1916 = arith.addf %add3A_1914, %slice3A_1915 : vector<64x128xf32>
    %lt3A_1917 = arith.cmpf olt, %add3A_1916, %select_n3A_1907 : vector<64x128xf32>
    %select_n3A_1918 = arith.select %lt3A_1917, %add3A_1916, %select_n3A_1907 : vector<64x128xi1>, vector<64x128xf32>
    %jit3A_1919 = arith.constant 42 : i32
    %broadcast_in_dim3A_1920 = vector.broadcast %jit3A_1919 : i32 to vector<64x128xi32>
    %select_n3A_1921 = arith.select %lt3A_1917, %broadcast_in_dim3A_1920, %select_n3A_1910 : vector<64x128xi1>, vector<64x128xi32>
    %slice3A_1922 = vector.extract_strided_slice %get3A_11 {offsets = [0, 5504], sizes = [1, 128], strides = [1, 1]} : vector<1x8192xf32> to vector<1x128xf32>
    %add3A_1923 = vector.broadcast %slice3A_1451 : vector<64x1xf32> to vector<64x128xf32>
    %add3A_1924 = vector.broadcast %slice3A_1922 : vector<1x128xf32> to vector<64x128xf32>
    %add3A_1925 = arith.addf %add3A_1923, %add3A_1924 : vector<64x128xf32>
    %slice3A_1926 = vector.extract_strided_slice %dot_general3A_5 {offsets = [128, 5504], sizes = [64, 128], strides = [1, 1]} : vector<256x8192xf32> to vector<64x128xf32>
    %add3A_1927 = arith.addf %add3A_1925, %slice3A_1926 : vector<64x128xf32>
    %lt3A_1928 = arith.cmpf olt, %add3A_1927, %select_n3A_1918 : vector<64x128xf32>
    %select_n3A_1929 = arith.select %lt3A_1928, %add3A_1927, %select_n3A_1918 : vector<64x128xi1>, vector<64x128xf32>
    %jit3A_1930 = arith.constant 43 : i32
    %broadcast_in_dim3A_1931 = vector.broadcast %jit3A_1930 : i32 to vector<64x128xi32>
    %select_n3A_1932 = arith.select %lt3A_1928, %broadcast_in_dim3A_1931, %select_n3A_1921 : vector<64x128xi1>, vector<64x128xi32>
    %slice3A_1933 = vector.extract_strided_slice %get3A_11 {offsets = [0, 5632], sizes = [1, 128], strides = [1, 1]} : vector<1x8192xf32> to vector<1x128xf32>
    %add3A_1934 = vector.broadcast %slice3A_1451 : vector<64x1xf32> to vector<64x128xf32>
    %add3A_1935 = vector.broadcast %slice3A_1933 : vector<1x128xf32> to vector<64x128xf32>
    %add3A_1936 = arith.addf %add3A_1934, %add3A_1935 : vector<64x128xf32>
    %slice3A_1937 = vector.extract_strided_slice %dot_general3A_5 {offsets = [128, 5632], sizes = [64, 128], strides = [1, 1]} : vector<256x8192xf32> to vector<64x128xf32>
    %add3A_1938 = arith.addf %add3A_1936, %slice3A_1937 : vector<64x128xf32>
    %lt3A_1939 = arith.cmpf olt, %add3A_1938, %select_n3A_1929 : vector<64x128xf32>
    %select_n3A_1940 = arith.select %lt3A_1939, %add3A_1938, %select_n3A_1929 : vector<64x128xi1>, vector<64x128xf32>
    %jit3A_1941 = arith.constant 44 : i32
    %broadcast_in_dim3A_1942 = vector.broadcast %jit3A_1941 : i32 to vector<64x128xi32>
    %select_n3A_1943 = arith.select %lt3A_1939, %broadcast_in_dim3A_1942, %select_n3A_1932 : vector<64x128xi1>, vector<64x128xi32>
    %slice3A_1944 = vector.extract_strided_slice %get3A_11 {offsets = [0, 5760], sizes = [1, 128], strides = [1, 1]} : vector<1x8192xf32> to vector<1x128xf32>
    %add3A_1945 = vector.broadcast %slice3A_1451 : vector<64x1xf32> to vector<64x128xf32>
    %add3A_1946 = vector.broadcast %slice3A_1944 : vector<1x128xf32> to vector<64x128xf32>
    %add3A_1947 = arith.addf %add3A_1945, %add3A_1946 : vector<64x128xf32>
    %slice3A_1948 = vector.extract_strided_slice %dot_general3A_5 {offsets = [128, 5760], sizes = [64, 128], strides = [1, 1]} : vector<256x8192xf32> to vector<64x128xf32>
    %add3A_1949 = arith.addf %add3A_1947, %slice3A_1948 : vector<64x128xf32>
    %lt3A_1950 = arith.cmpf olt, %add3A_1949, %select_n3A_1940 : vector<64x128xf32>
    %select_n3A_1951 = arith.select %lt3A_1950, %add3A_1949, %select_n3A_1940 : vector<64x128xi1>, vector<64x128xf32>
    %jit3A_1952 = arith.constant 45 : i32
    %broadcast_in_dim3A_1953 = vector.broadcast %jit3A_1952 : i32 to vector<64x128xi32>
    %select_n3A_1954 = arith.select %lt3A_1950, %broadcast_in_dim3A_1953, %select_n3A_1943 : vector<64x128xi1>, vector<64x128xi32>
    %slice3A_1955 = vector.extract_strided_slice %get3A_11 {offsets = [0, 5888], sizes = [1, 128], strides = [1, 1]} : vector<1x8192xf32> to vector<1x128xf32>
    %add3A_1956 = vector.broadcast %slice3A_1451 : vector<64x1xf32> to vector<64x128xf32>
    %add3A_1957 = vector.broadcast %slice3A_1955 : vector<1x128xf32> to vector<64x128xf32>
    %add3A_1958 = arith.addf %add3A_1956, %add3A_1957 : vector<64x128xf32>
    %slice3A_1959 = vector.extract_strided_slice %dot_general3A_5 {offsets = [128, 5888], sizes = [64, 128], strides = [1, 1]} : vector<256x8192xf32> to vector<64x128xf32>
    %add3A_1960 = arith.addf %add3A_1958, %slice3A_1959 : vector<64x128xf32>
    %lt3A_1961 = arith.cmpf olt, %add3A_1960, %select_n3A_1951 : vector<64x128xf32>
    %select_n3A_1962 = arith.select %lt3A_1961, %add3A_1960, %select_n3A_1951 : vector<64x128xi1>, vector<64x128xf32>
    %jit3A_1963 = arith.constant 46 : i32
    %broadcast_in_dim3A_1964 = vector.broadcast %jit3A_1963 : i32 to vector<64x128xi32>
    %select_n3A_1965 = arith.select %lt3A_1961, %broadcast_in_dim3A_1964, %select_n3A_1954 : vector<64x128xi1>, vector<64x128xi32>
    %slice3A_1966 = vector.extract_strided_slice %get3A_11 {offsets = [0, 6016], sizes = [1, 128], strides = [1, 1]} : vector<1x8192xf32> to vector<1x128xf32>
    %add3A_1967 = vector.broadcast %slice3A_1451 : vector<64x1xf32> to vector<64x128xf32>
    %add3A_1968 = vector.broadcast %slice3A_1966 : vector<1x128xf32> to vector<64x128xf32>
    %add3A_1969 = arith.addf %add3A_1967, %add3A_1968 : vector<64x128xf32>
    %slice3A_1970 = vector.extract_strided_slice %dot_general3A_5 {offsets = [128, 6016], sizes = [64, 128], strides = [1, 1]} : vector<256x8192xf32> to vector<64x128xf32>
    %add3A_1971 = arith.addf %add3A_1969, %slice3A_1970 : vector<64x128xf32>
    %lt3A_1972 = arith.cmpf olt, %add3A_1971, %select_n3A_1962 : vector<64x128xf32>
    %select_n3A_1973 = arith.select %lt3A_1972, %add3A_1971, %select_n3A_1962 : vector<64x128xi1>, vector<64x128xf32>
    %jit3A_1974 = arith.constant 47 : i32
    %broadcast_in_dim3A_1975 = vector.broadcast %jit3A_1974 : i32 to vector<64x128xi32>
    %select_n3A_1976 = arith.select %lt3A_1972, %broadcast_in_dim3A_1975, %select_n3A_1965 : vector<64x128xi1>, vector<64x128xi32>
    %slice3A_1977 = vector.extract_strided_slice %get3A_11 {offsets = [0, 6144], sizes = [1, 128], strides = [1, 1]} : vector<1x8192xf32> to vector<1x128xf32>
    %add3A_1978 = vector.broadcast %slice3A_1451 : vector<64x1xf32> to vector<64x128xf32>
    %add3A_1979 = vector.broadcast %slice3A_1977 : vector<1x128xf32> to vector<64x128xf32>
    %add3A_1980 = arith.addf %add3A_1978, %add3A_1979 : vector<64x128xf32>
    %slice3A_1981 = vector.extract_strided_slice %dot_general3A_5 {offsets = [128, 6144], sizes = [64, 128], strides = [1, 1]} : vector<256x8192xf32> to vector<64x128xf32>
    %add3A_1982 = arith.addf %add3A_1980, %slice3A_1981 : vector<64x128xf32>
    %lt3A_1983 = arith.cmpf olt, %add3A_1982, %select_n3A_1973 : vector<64x128xf32>
    %select_n3A_1984 = arith.select %lt3A_1983, %add3A_1982, %select_n3A_1973 : vector<64x128xi1>, vector<64x128xf32>
    %jit3A_1985 = arith.constant 48 : i32
    %broadcast_in_dim3A_1986 = vector.broadcast %jit3A_1985 : i32 to vector<64x128xi32>
    %select_n3A_1987 = arith.select %lt3A_1983, %broadcast_in_dim3A_1986, %select_n3A_1976 : vector<64x128xi1>, vector<64x128xi32>
    %slice3A_1988 = vector.extract_strided_slice %get3A_11 {offsets = [0, 6272], sizes = [1, 128], strides = [1, 1]} : vector<1x8192xf32> to vector<1x128xf32>
    %add3A_1989 = vector.broadcast %slice3A_1451 : vector<64x1xf32> to vector<64x128xf32>
    %add3A_1990 = vector.broadcast %slice3A_1988 : vector<1x128xf32> to vector<64x128xf32>
    %add3A_1991 = arith.addf %add3A_1989, %add3A_1990 : vector<64x128xf32>
    %slice3A_1992 = vector.extract_strided_slice %dot_general3A_5 {offsets = [128, 6272], sizes = [64, 128], strides = [1, 1]} : vector<256x8192xf32> to vector<64x128xf32>
    %add3A_1993 = arith.addf %add3A_1991, %slice3A_1992 : vector<64x128xf32>
    %lt3A_1994 = arith.cmpf olt, %add3A_1993, %select_n3A_1984 : vector<64x128xf32>
    %select_n3A_1995 = arith.select %lt3A_1994, %add3A_1993, %select_n3A_1984 : vector<64x128xi1>, vector<64x128xf32>
    %jit3A_1996 = arith.constant 49 : i32
    %broadcast_in_dim3A_1997 = vector.broadcast %jit3A_1996 : i32 to vector<64x128xi32>
    %select_n3A_1998 = arith.select %lt3A_1994, %broadcast_in_dim3A_1997, %select_n3A_1987 : vector<64x128xi1>, vector<64x128xi32>
    %slice3A_1999 = vector.extract_strided_slice %get3A_11 {offsets = [0, 6400], sizes = [1, 128], strides = [1, 1]} : vector<1x8192xf32> to vector<1x128xf32>
    %add3A_2000 = vector.broadcast %slice3A_1451 : vector<64x1xf32> to vector<64x128xf32>
    %add3A_2001 = vector.broadcast %slice3A_1999 : vector<1x128xf32> to vector<64x128xf32>
    %add3A_2002 = arith.addf %add3A_2000, %add3A_2001 : vector<64x128xf32>
    %slice3A_2003 = vector.extract_strided_slice %dot_general3A_5 {offsets = [128, 6400], sizes = [64, 128], strides = [1, 1]} : vector<256x8192xf32> to vector<64x128xf32>
    %add3A_2004 = arith.addf %add3A_2002, %slice3A_2003 : vector<64x128xf32>
    %lt3A_2005 = arith.cmpf olt, %add3A_2004, %select_n3A_1995 : vector<64x128xf32>
    %select_n3A_2006 = arith.select %lt3A_2005, %add3A_2004, %select_n3A_1995 : vector<64x128xi1>, vector<64x128xf32>
    %jit3A_2007 = arith.constant 50 : i32
    %broadcast_in_dim3A_2008 = vector.broadcast %jit3A_2007 : i32 to vector<64x128xi32>
    %select_n3A_2009 = arith.select %lt3A_2005, %broadcast_in_dim3A_2008, %select_n3A_1998 : vector<64x128xi1>, vector<64x128xi32>
    %slice3A_2010 = vector.extract_strided_slice %get3A_11 {offsets = [0, 6528], sizes = [1, 128], strides = [1, 1]} : vector<1x8192xf32> to vector<1x128xf32>
    %add3A_2011 = vector.broadcast %slice3A_1451 : vector<64x1xf32> to vector<64x128xf32>
    %add3A_2012 = vector.broadcast %slice3A_2010 : vector<1x128xf32> to vector<64x128xf32>
    %add3A_2013 = arith.addf %add3A_2011, %add3A_2012 : vector<64x128xf32>
    %slice3A_2014 = vector.extract_strided_slice %dot_general3A_5 {offsets = [128, 6528], sizes = [64, 128], strides = [1, 1]} : vector<256x8192xf32> to vector<64x128xf32>
    %add3A_2015 = arith.addf %add3A_2013, %slice3A_2014 : vector<64x128xf32>
    %lt3A_2016 = arith.cmpf olt, %add3A_2015, %select_n3A_2006 : vector<64x128xf32>
    %select_n3A_2017 = arith.select %lt3A_2016, %add3A_2015, %select_n3A_2006 : vector<64x128xi1>, vector<64x128xf32>
    %jit3A_2018 = arith.constant 51 : i32
    %broadcast_in_dim3A_2019 = vector.broadcast %jit3A_2018 : i32 to vector<64x128xi32>
    %select_n3A_2020 = arith.select %lt3A_2016, %broadcast_in_dim3A_2019, %select_n3A_2009 : vector<64x128xi1>, vector<64x128xi32>
    %slice3A_2021 = vector.extract_strided_slice %get3A_11 {offsets = [0, 6656], sizes = [1, 128], strides = [1, 1]} : vector<1x8192xf32> to vector<1x128xf32>
    %add3A_2022 = vector.broadcast %slice3A_1451 : vector<64x1xf32> to vector<64x128xf32>
    %add3A_2023 = vector.broadcast %slice3A_2021 : vector<1x128xf32> to vector<64x128xf32>
    %add3A_2024 = arith.addf %add3A_2022, %add3A_2023 : vector<64x128xf32>
    %slice3A_2025 = vector.extract_strided_slice %dot_general3A_5 {offsets = [128, 6656], sizes = [64, 128], strides = [1, 1]} : vector<256x8192xf32> to vector<64x128xf32>
    %add3A_2026 = arith.addf %add3A_2024, %slice3A_2025 : vector<64x128xf32>
    %lt3A_2027 = arith.cmpf olt, %add3A_2026, %select_n3A_2017 : vector<64x128xf32>
    %select_n3A_2028 = arith.select %lt3A_2027, %add3A_2026, %select_n3A_2017 : vector<64x128xi1>, vector<64x128xf32>
    %jit3A_2029 = arith.constant 52 : i32
    %broadcast_in_dim3A_2030 = vector.broadcast %jit3A_2029 : i32 to vector<64x128xi32>
    %select_n3A_2031 = arith.select %lt3A_2027, %broadcast_in_dim3A_2030, %select_n3A_2020 : vector<64x128xi1>, vector<64x128xi32>
    %slice3A_2032 = vector.extract_strided_slice %get3A_11 {offsets = [0, 6784], sizes = [1, 128], strides = [1, 1]} : vector<1x8192xf32> to vector<1x128xf32>
    %add3A_2033 = vector.broadcast %slice3A_1451 : vector<64x1xf32> to vector<64x128xf32>
    %add3A_2034 = vector.broadcast %slice3A_2032 : vector<1x128xf32> to vector<64x128xf32>
    %add3A_2035 = arith.addf %add3A_2033, %add3A_2034 : vector<64x128xf32>
    %slice3A_2036 = vector.extract_strided_slice %dot_general3A_5 {offsets = [128, 6784], sizes = [64, 128], strides = [1, 1]} : vector<256x8192xf32> to vector<64x128xf32>
    %add3A_2037 = arith.addf %add3A_2035, %slice3A_2036 : vector<64x128xf32>
    %lt3A_2038 = arith.cmpf olt, %add3A_2037, %select_n3A_2028 : vector<64x128xf32>
    %select_n3A_2039 = arith.select %lt3A_2038, %add3A_2037, %select_n3A_2028 : vector<64x128xi1>, vector<64x128xf32>
    %jit3A_2040 = arith.constant 53 : i32
    %broadcast_in_dim3A_2041 = vector.broadcast %jit3A_2040 : i32 to vector<64x128xi32>
    %select_n3A_2042 = arith.select %lt3A_2038, %broadcast_in_dim3A_2041, %select_n3A_2031 : vector<64x128xi1>, vector<64x128xi32>
    %slice3A_2043 = vector.extract_strided_slice %get3A_11 {offsets = [0, 6912], sizes = [1, 128], strides = [1, 1]} : vector<1x8192xf32> to vector<1x128xf32>
    %add3A_2044 = vector.broadcast %slice3A_1451 : vector<64x1xf32> to vector<64x128xf32>
    %add3A_2045 = vector.broadcast %slice3A_2043 : vector<1x128xf32> to vector<64x128xf32>
    %add3A_2046 = arith.addf %add3A_2044, %add3A_2045 : vector<64x128xf32>
    %slice3A_2047 = vector.extract_strided_slice %dot_general3A_5 {offsets = [128, 6912], sizes = [64, 128], strides = [1, 1]} : vector<256x8192xf32> to vector<64x128xf32>
    %add3A_2048 = arith.addf %add3A_2046, %slice3A_2047 : vector<64x128xf32>
    %lt3A_2049 = arith.cmpf olt, %add3A_2048, %select_n3A_2039 : vector<64x128xf32>
    %select_n3A_2050 = arith.select %lt3A_2049, %add3A_2048, %select_n3A_2039 : vector<64x128xi1>, vector<64x128xf32>
    %jit3A_2051 = arith.constant 54 : i32
    %broadcast_in_dim3A_2052 = vector.broadcast %jit3A_2051 : i32 to vector<64x128xi32>
    %select_n3A_2053 = arith.select %lt3A_2049, %broadcast_in_dim3A_2052, %select_n3A_2042 : vector<64x128xi1>, vector<64x128xi32>
    %slice3A_2054 = vector.extract_strided_slice %get3A_11 {offsets = [0, 7040], sizes = [1, 128], strides = [1, 1]} : vector<1x8192xf32> to vector<1x128xf32>
    %add3A_2055 = vector.broadcast %slice3A_1451 : vector<64x1xf32> to vector<64x128xf32>
    %add3A_2056 = vector.broadcast %slice3A_2054 : vector<1x128xf32> to vector<64x128xf32>
    %add3A_2057 = arith.addf %add3A_2055, %add3A_2056 : vector<64x128xf32>
    %slice3A_2058 = vector.extract_strided_slice %dot_general3A_5 {offsets = [128, 7040], sizes = [64, 128], strides = [1, 1]} : vector<256x8192xf32> to vector<64x128xf32>
    %add3A_2059 = arith.addf %add3A_2057, %slice3A_2058 : vector<64x128xf32>
    %lt3A_2060 = arith.cmpf olt, %add3A_2059, %select_n3A_2050 : vector<64x128xf32>
    %select_n3A_2061 = arith.select %lt3A_2060, %add3A_2059, %select_n3A_2050 : vector<64x128xi1>, vector<64x128xf32>
    %jit3A_2062 = arith.constant 55 : i32
    %broadcast_in_dim3A_2063 = vector.broadcast %jit3A_2062 : i32 to vector<64x128xi32>
    %select_n3A_2064 = arith.select %lt3A_2060, %broadcast_in_dim3A_2063, %select_n3A_2053 : vector<64x128xi1>, vector<64x128xi32>
    %slice3A_2065 = vector.extract_strided_slice %get3A_11 {offsets = [0, 7168], sizes = [1, 128], strides = [1, 1]} : vector<1x8192xf32> to vector<1x128xf32>
    %add3A_2066 = vector.broadcast %slice3A_1451 : vector<64x1xf32> to vector<64x128xf32>
    %add3A_2067 = vector.broadcast %slice3A_2065 : vector<1x128xf32> to vector<64x128xf32>
    %add3A_2068 = arith.addf %add3A_2066, %add3A_2067 : vector<64x128xf32>
    %slice3A_2069 = vector.extract_strided_slice %dot_general3A_5 {offsets = [128, 7168], sizes = [64, 128], strides = [1, 1]} : vector<256x8192xf32> to vector<64x128xf32>
    %add3A_2070 = arith.addf %add3A_2068, %slice3A_2069 : vector<64x128xf32>
    %lt3A_2071 = arith.cmpf olt, %add3A_2070, %select_n3A_2061 : vector<64x128xf32>
    %select_n3A_2072 = arith.select %lt3A_2071, %add3A_2070, %select_n3A_2061 : vector<64x128xi1>, vector<64x128xf32>
    %jit3A_2073 = arith.constant 56 : i32
    %broadcast_in_dim3A_2074 = vector.broadcast %jit3A_2073 : i32 to vector<64x128xi32>
    %select_n3A_2075 = arith.select %lt3A_2071, %broadcast_in_dim3A_2074, %select_n3A_2064 : vector<64x128xi1>, vector<64x128xi32>
    %slice3A_2076 = vector.extract_strided_slice %get3A_11 {offsets = [0, 7296], sizes = [1, 128], strides = [1, 1]} : vector<1x8192xf32> to vector<1x128xf32>
    %add3A_2077 = vector.broadcast %slice3A_1451 : vector<64x1xf32> to vector<64x128xf32>
    %add3A_2078 = vector.broadcast %slice3A_2076 : vector<1x128xf32> to vector<64x128xf32>
    %add3A_2079 = arith.addf %add3A_2077, %add3A_2078 : vector<64x128xf32>
    %slice3A_2080 = vector.extract_strided_slice %dot_general3A_5 {offsets = [128, 7296], sizes = [64, 128], strides = [1, 1]} : vector<256x8192xf32> to vector<64x128xf32>
    %add3A_2081 = arith.addf %add3A_2079, %slice3A_2080 : vector<64x128xf32>
    %lt3A_2082 = arith.cmpf olt, %add3A_2081, %select_n3A_2072 : vector<64x128xf32>
    %select_n3A_2083 = arith.select %lt3A_2082, %add3A_2081, %select_n3A_2072 : vector<64x128xi1>, vector<64x128xf32>
    %jit3A_2084 = arith.constant 57 : i32
    %broadcast_in_dim3A_2085 = vector.broadcast %jit3A_2084 : i32 to vector<64x128xi32>
    %select_n3A_2086 = arith.select %lt3A_2082, %broadcast_in_dim3A_2085, %select_n3A_2075 : vector<64x128xi1>, vector<64x128xi32>
    %slice3A_2087 = vector.extract_strided_slice %get3A_11 {offsets = [0, 7424], sizes = [1, 128], strides = [1, 1]} : vector<1x8192xf32> to vector<1x128xf32>
    %add3A_2088 = vector.broadcast %slice3A_1451 : vector<64x1xf32> to vector<64x128xf32>
    %add3A_2089 = vector.broadcast %slice3A_2087 : vector<1x128xf32> to vector<64x128xf32>
    %add3A_2090 = arith.addf %add3A_2088, %add3A_2089 : vector<64x128xf32>
    %slice3A_2091 = vector.extract_strided_slice %dot_general3A_5 {offsets = [128, 7424], sizes = [64, 128], strides = [1, 1]} : vector<256x8192xf32> to vector<64x128xf32>
    %add3A_2092 = arith.addf %add3A_2090, %slice3A_2091 : vector<64x128xf32>
    %lt3A_2093 = arith.cmpf olt, %add3A_2092, %select_n3A_2083 : vector<64x128xf32>
    %select_n3A_2094 = arith.select %lt3A_2093, %add3A_2092, %select_n3A_2083 : vector<64x128xi1>, vector<64x128xf32>
    %jit3A_2095 = arith.constant 58 : i32
    %broadcast_in_dim3A_2096 = vector.broadcast %jit3A_2095 : i32 to vector<64x128xi32>
    %select_n3A_2097 = arith.select %lt3A_2093, %broadcast_in_dim3A_2096, %select_n3A_2086 : vector<64x128xi1>, vector<64x128xi32>
    %slice3A_2098 = vector.extract_strided_slice %get3A_11 {offsets = [0, 7552], sizes = [1, 128], strides = [1, 1]} : vector<1x8192xf32> to vector<1x128xf32>
    %add3A_2099 = vector.broadcast %slice3A_1451 : vector<64x1xf32> to vector<64x128xf32>
    %add3A_2100 = vector.broadcast %slice3A_2098 : vector<1x128xf32> to vector<64x128xf32>
    %add3A_2101 = arith.addf %add3A_2099, %add3A_2100 : vector<64x128xf32>
    %slice3A_2102 = vector.extract_strided_slice %dot_general3A_5 {offsets = [128, 7552], sizes = [64, 128], strides = [1, 1]} : vector<256x8192xf32> to vector<64x128xf32>
    %add3A_2103 = arith.addf %add3A_2101, %slice3A_2102 : vector<64x128xf32>
    %lt3A_2104 = arith.cmpf olt, %add3A_2103, %select_n3A_2094 : vector<64x128xf32>
    %select_n3A_2105 = arith.select %lt3A_2104, %add3A_2103, %select_n3A_2094 : vector<64x128xi1>, vector<64x128xf32>
    %jit3A_2106 = arith.constant 59 : i32
    %broadcast_in_dim3A_2107 = vector.broadcast %jit3A_2106 : i32 to vector<64x128xi32>
    %select_n3A_2108 = arith.select %lt3A_2104, %broadcast_in_dim3A_2107, %select_n3A_2097 : vector<64x128xi1>, vector<64x128xi32>
    %slice3A_2109 = vector.extract_strided_slice %get3A_11 {offsets = [0, 7680], sizes = [1, 128], strides = [1, 1]} : vector<1x8192xf32> to vector<1x128xf32>
    %add3A_2110 = vector.broadcast %slice3A_1451 : vector<64x1xf32> to vector<64x128xf32>
    %add3A_2111 = vector.broadcast %slice3A_2109 : vector<1x128xf32> to vector<64x128xf32>
    %add3A_2112 = arith.addf %add3A_2110, %add3A_2111 : vector<64x128xf32>
    %slice3A_2113 = vector.extract_strided_slice %dot_general3A_5 {offsets = [128, 7680], sizes = [64, 128], strides = [1, 1]} : vector<256x8192xf32> to vector<64x128xf32>
    %add3A_2114 = arith.addf %add3A_2112, %slice3A_2113 : vector<64x128xf32>
    %lt3A_2115 = arith.cmpf olt, %add3A_2114, %select_n3A_2105 : vector<64x128xf32>
    %select_n3A_2116 = arith.select %lt3A_2115, %add3A_2114, %select_n3A_2105 : vector<64x128xi1>, vector<64x128xf32>
    %jit3A_2117 = arith.constant 60 : i32
    %broadcast_in_dim3A_2118 = vector.broadcast %jit3A_2117 : i32 to vector<64x128xi32>
    %select_n3A_2119 = arith.select %lt3A_2115, %broadcast_in_dim3A_2118, %select_n3A_2108 : vector<64x128xi1>, vector<64x128xi32>
    %slice3A_2120 = vector.extract_strided_slice %get3A_11 {offsets = [0, 7808], sizes = [1, 128], strides = [1, 1]} : vector<1x8192xf32> to vector<1x128xf32>
    %add3A_2121 = vector.broadcast %slice3A_1451 : vector<64x1xf32> to vector<64x128xf32>
    %add3A_2122 = vector.broadcast %slice3A_2120 : vector<1x128xf32> to vector<64x128xf32>
    %add3A_2123 = arith.addf %add3A_2121, %add3A_2122 : vector<64x128xf32>
    %slice3A_2124 = vector.extract_strided_slice %dot_general3A_5 {offsets = [128, 7808], sizes = [64, 128], strides = [1, 1]} : vector<256x8192xf32> to vector<64x128xf32>
    %add3A_2125 = arith.addf %add3A_2123, %slice3A_2124 : vector<64x128xf32>
    %lt3A_2126 = arith.cmpf olt, %add3A_2125, %select_n3A_2116 : vector<64x128xf32>
    %select_n3A_2127 = arith.select %lt3A_2126, %add3A_2125, %select_n3A_2116 : vector<64x128xi1>, vector<64x128xf32>
    %jit3A_2128 = arith.constant 61 : i32
    %broadcast_in_dim3A_2129 = vector.broadcast %jit3A_2128 : i32 to vector<64x128xi32>
    %select_n3A_2130 = arith.select %lt3A_2126, %broadcast_in_dim3A_2129, %select_n3A_2119 : vector<64x128xi1>, vector<64x128xi32>
    %slice3A_2131 = vector.extract_strided_slice %get3A_11 {offsets = [0, 7936], sizes = [1, 128], strides = [1, 1]} : vector<1x8192xf32> to vector<1x128xf32>
    %add3A_2132 = vector.broadcast %slice3A_1451 : vector<64x1xf32> to vector<64x128xf32>
    %add3A_2133 = vector.broadcast %slice3A_2131 : vector<1x128xf32> to vector<64x128xf32>
    %add3A_2134 = arith.addf %add3A_2132, %add3A_2133 : vector<64x128xf32>
    %slice3A_2135 = vector.extract_strided_slice %dot_general3A_5 {offsets = [128, 7936], sizes = [64, 128], strides = [1, 1]} : vector<256x8192xf32> to vector<64x128xf32>
    %add3A_2136 = arith.addf %add3A_2134, %slice3A_2135 : vector<64x128xf32>
    %lt3A_2137 = arith.cmpf olt, %add3A_2136, %select_n3A_2127 : vector<64x128xf32>
    %select_n3A_2138 = arith.select %lt3A_2137, %add3A_2136, %select_n3A_2127 : vector<64x128xi1>, vector<64x128xf32>
    %jit3A_2139 = arith.constant 62 : i32
    %broadcast_in_dim3A_2140 = vector.broadcast %jit3A_2139 : i32 to vector<64x128xi32>
    %select_n3A_2141 = arith.select %lt3A_2137, %broadcast_in_dim3A_2140, %select_n3A_2130 : vector<64x128xi1>, vector<64x128xi32>
    %slice3A_2142 = vector.extract_strided_slice %get3A_11 {offsets = [0, 8064], sizes = [1, 128], strides = [1, 1]} : vector<1x8192xf32> to vector<1x128xf32>
    %add3A_2143 = vector.broadcast %slice3A_1451 : vector<64x1xf32> to vector<64x128xf32>
    %add3A_2144 = vector.broadcast %slice3A_2142 : vector<1x128xf32> to vector<64x128xf32>
    %add3A_2145 = arith.addf %add3A_2143, %add3A_2144 : vector<64x128xf32>
    %slice3A_2146 = vector.extract_strided_slice %dot_general3A_5 {offsets = [128, 8064], sizes = [64, 128], strides = [1, 1]} : vector<256x8192xf32> to vector<64x128xf32>
    %add3A_2147 = arith.addf %add3A_2145, %slice3A_2146 : vector<64x128xf32>
    %lt3A_2148 = arith.cmpf olt, %add3A_2147, %select_n3A_2138 : vector<64x128xf32>
    %select_n3A_2149 = arith.select %lt3A_2148, %add3A_2147, %select_n3A_2138 : vector<64x128xi1>, vector<64x128xf32>
    %jit3A_2150 = arith.constant 63 : i32
    %broadcast_in_dim3A_2151 = vector.broadcast %jit3A_2150 : i32 to vector<64x128xi32>
    %select_n3A_2152 = arith.select %lt3A_2148, %broadcast_in_dim3A_2151, %select_n3A_2141 : vector<64x128xi1>, vector<64x128xi32>
    %reduce_min3A_2153 = arith.constant dense<0x7F800000> : vector<64xf32>
    %reduce_min3A_2154 = vector.multi_reduction <minimumf>, %select_n3A_2149, %reduce_min3A_2153 [1] : vector<64x128xf32> to vector<64xf32>
    %broadcast_in_dim3A_2155 = vector.shape_cast %reduce_min3A_2154 : vector<64xf32> to vector<64x1xf32>
    %convert_element_type3A_2156 = arith.sitofp %select_n3A_2152 : vector<64x128xi32> to vector<64x128xf32>
    %mul3A_2157 = arith.constant 1.280000e+02 : f32
    %mul3A_2158 = vector.broadcast %mul3A_2157 : f32 to vector<64x128xf32>
    %mul3A_2159 = arith.mulf %convert_element_type3A_2156, %mul3A_2158 : vector<64x128xf32>
    %add3A_2160 = arith.addf %mul3A_2159, %convert_element_type3A : vector<64x128xf32>
    %eq3A_2161 = vector.broadcast %broadcast_in_dim3A_2155 : vector<64x1xf32> to vector<64x128xf32>
    %eq3A_2162 = arith.cmpf oeq, %select_n3A_2149, %eq3A_2161 : vector<64x128xf32>
    %jit3A_2163 = arith.constant 8.192000e+03 : f32
    %broadcast_in_dim3A_2164 = vector.broadcast %jit3A_2163 : f32 to vector<64x128xf32>
    %select_n3A_2165 = arith.select %eq3A_2162, %add3A_2160, %broadcast_in_dim3A_2164 : vector<64x128xi1>, vector<64x128xf32>
    %reduce_min3A_2166 = arith.constant dense<0x7F800000> : vector<64xf32>
    %reduce_min3A_2167 = vector.multi_reduction <minimumf>, %select_n3A_2165, %reduce_min3A_2166 [1] : vector<64x128xf32> to vector<64xf32>
    %convert_element_type3A_2168 = arith.fptosi %reduce_min3A_2167 : vector<64xf32> to vector<64xi32>
    %reduce_sum3A_2169 = vector.shape_cast %broadcast_in_dim3A_2155 : vector<64x1xf32> to vector<1x64x1xf32>
    %reduce_sum3A_2170 = arith.constant dense<0.000000e+00> : vector<1xf32>
    %reduce_sum3A_2171 = vector.multi_reduction <add>, %reduce_sum3A_2169, %reduce_sum3A_2170 [1, 2] : vector<1x64x1xf32> to vector<1xf32>
    %reduce_sum3A_2172 = vector.shape_cast %reduce_sum3A_2171 : vector<1xf32> to vector<1x1x1xf32>
    %reduce_sum3A_2173 = vector.extract %reduce_sum3A_2172[0, 0, 0] : f32 from vector<1x1x1xf32>
    %add3A_2174 = arith.addf %add3A_1450, %reduce_sum3A_2173 : f32
    %slice3A_2175 = vector.extract_strided_slice %get3A_8 {offsets = [192, 0], sizes = [64, 1], strides = [1, 1]} : vector<256x1xf32> to vector<64x1xf32>
    %slice3A_2176 = vector.extract_strided_slice %get3A_11 {offsets = [0, 0], sizes = [1, 128], strides = [1, 1]} : vector<1x8192xf32> to vector<1x128xf32>
    %add3A_2177 = vector.broadcast %slice3A_2175 : vector<64x1xf32> to vector<64x128xf32>
    %add3A_2178 = vector.broadcast %slice3A_2176 : vector<1x128xf32> to vector<64x128xf32>
    %add3A_2179 = arith.addf %add3A_2177, %add3A_2178 : vector<64x128xf32>
    %slice3A_2180 = vector.extract_strided_slice %dot_general3A_5 {offsets = [192, 0], sizes = [64, 128], strides = [1, 1]} : vector<256x8192xf32> to vector<64x128xf32>
    %add3A_2181 = arith.addf %add3A_2179, %slice3A_2180 : vector<64x128xf32>
    %broadcast_in_dim3A_2182 = arith.constant 0 : i32
    %broadcast_in_dim3A_2183 = vector.broadcast %broadcast_in_dim3A_2182 : i32 to vector<64x128xi32>
    %slice3A_2184 = vector.extract_strided_slice %get3A_11 {offsets = [0, 128], sizes = [1, 128], strides = [1, 1]} : vector<1x8192xf32> to vector<1x128xf32>
    %add3A_2185 = vector.broadcast %slice3A_2175 : vector<64x1xf32> to vector<64x128xf32>
    %add3A_2186 = vector.broadcast %slice3A_2184 : vector<1x128xf32> to vector<64x128xf32>
    %add3A_2187 = arith.addf %add3A_2185, %add3A_2186 : vector<64x128xf32>
    %slice3A_2188 = vector.extract_strided_slice %dot_general3A_5 {offsets = [192, 128], sizes = [64, 128], strides = [1, 1]} : vector<256x8192xf32> to vector<64x128xf32>
    %add3A_2189 = arith.addf %add3A_2187, %slice3A_2188 : vector<64x128xf32>
    %lt3A_2190 = arith.cmpf olt, %add3A_2189, %add3A_2181 : vector<64x128xf32>
    %select_n3A_2191 = arith.select %lt3A_2190, %add3A_2189, %add3A_2181 : vector<64x128xi1>, vector<64x128xf32>
    %jit3A_2192 = arith.constant 1 : i32
    %broadcast_in_dim3A_2193 = vector.broadcast %jit3A_2192 : i32 to vector<64x128xi32>
    %select_n3A_2194 = arith.select %lt3A_2190, %broadcast_in_dim3A_2193, %broadcast_in_dim3A_2183 : vector<64x128xi1>, vector<64x128xi32>
    %slice3A_2195 = vector.extract_strided_slice %get3A_11 {offsets = [0, 256], sizes = [1, 128], strides = [1, 1]} : vector<1x8192xf32> to vector<1x128xf32>
    %add3A_2196 = vector.broadcast %slice3A_2175 : vector<64x1xf32> to vector<64x128xf32>
    %add3A_2197 = vector.broadcast %slice3A_2195 : vector<1x128xf32> to vector<64x128xf32>
    %add3A_2198 = arith.addf %add3A_2196, %add3A_2197 : vector<64x128xf32>
    %slice3A_2199 = vector.extract_strided_slice %dot_general3A_5 {offsets = [192, 256], sizes = [64, 128], strides = [1, 1]} : vector<256x8192xf32> to vector<64x128xf32>
    %add3A_2200 = arith.addf %add3A_2198, %slice3A_2199 : vector<64x128xf32>
    %lt3A_2201 = arith.cmpf olt, %add3A_2200, %select_n3A_2191 : vector<64x128xf32>
    %select_n3A_2202 = arith.select %lt3A_2201, %add3A_2200, %select_n3A_2191 : vector<64x128xi1>, vector<64x128xf32>
    %jit3A_2203 = arith.constant 2 : i32
    %broadcast_in_dim3A_2204 = vector.broadcast %jit3A_2203 : i32 to vector<64x128xi32>
    %select_n3A_2205 = arith.select %lt3A_2201, %broadcast_in_dim3A_2204, %select_n3A_2194 : vector<64x128xi1>, vector<64x128xi32>
    %slice3A_2206 = vector.extract_strided_slice %get3A_11 {offsets = [0, 384], sizes = [1, 128], strides = [1, 1]} : vector<1x8192xf32> to vector<1x128xf32>
    %add3A_2207 = vector.broadcast %slice3A_2175 : vector<64x1xf32> to vector<64x128xf32>
    %add3A_2208 = vector.broadcast %slice3A_2206 : vector<1x128xf32> to vector<64x128xf32>
    %add3A_2209 = arith.addf %add3A_2207, %add3A_2208 : vector<64x128xf32>
    %slice3A_2210 = vector.extract_strided_slice %dot_general3A_5 {offsets = [192, 384], sizes = [64, 128], strides = [1, 1]} : vector<256x8192xf32> to vector<64x128xf32>
    %add3A_2211 = arith.addf %add3A_2209, %slice3A_2210 : vector<64x128xf32>
    %lt3A_2212 = arith.cmpf olt, %add3A_2211, %select_n3A_2202 : vector<64x128xf32>
    %select_n3A_2213 = arith.select %lt3A_2212, %add3A_2211, %select_n3A_2202 : vector<64x128xi1>, vector<64x128xf32>
    %jit3A_2214 = arith.constant 3 : i32
    %broadcast_in_dim3A_2215 = vector.broadcast %jit3A_2214 : i32 to vector<64x128xi32>
    %select_n3A_2216 = arith.select %lt3A_2212, %broadcast_in_dim3A_2215, %select_n3A_2205 : vector<64x128xi1>, vector<64x128xi32>
    %slice3A_2217 = vector.extract_strided_slice %get3A_11 {offsets = [0, 512], sizes = [1, 128], strides = [1, 1]} : vector<1x8192xf32> to vector<1x128xf32>
    %add3A_2218 = vector.broadcast %slice3A_2175 : vector<64x1xf32> to vector<64x128xf32>
    %add3A_2219 = vector.broadcast %slice3A_2217 : vector<1x128xf32> to vector<64x128xf32>
    %add3A_2220 = arith.addf %add3A_2218, %add3A_2219 : vector<64x128xf32>
    %slice3A_2221 = vector.extract_strided_slice %dot_general3A_5 {offsets = [192, 512], sizes = [64, 128], strides = [1, 1]} : vector<256x8192xf32> to vector<64x128xf32>
    %add3A_2222 = arith.addf %add3A_2220, %slice3A_2221 : vector<64x128xf32>
    %lt3A_2223 = arith.cmpf olt, %add3A_2222, %select_n3A_2213 : vector<64x128xf32>
    %select_n3A_2224 = arith.select %lt3A_2223, %add3A_2222, %select_n3A_2213 : vector<64x128xi1>, vector<64x128xf32>
    %jit3A_2225 = arith.constant 4 : i32
    %broadcast_in_dim3A_2226 = vector.broadcast %jit3A_2225 : i32 to vector<64x128xi32>
    %select_n3A_2227 = arith.select %lt3A_2223, %broadcast_in_dim3A_2226, %select_n3A_2216 : vector<64x128xi1>, vector<64x128xi32>
    %slice3A_2228 = vector.extract_strided_slice %get3A_11 {offsets = [0, 640], sizes = [1, 128], strides = [1, 1]} : vector<1x8192xf32> to vector<1x128xf32>
    %add3A_2229 = vector.broadcast %slice3A_2175 : vector<64x1xf32> to vector<64x128xf32>
    %add3A_2230 = vector.broadcast %slice3A_2228 : vector<1x128xf32> to vector<64x128xf32>
    %add3A_2231 = arith.addf %add3A_2229, %add3A_2230 : vector<64x128xf32>
    %slice3A_2232 = vector.extract_strided_slice %dot_general3A_5 {offsets = [192, 640], sizes = [64, 128], strides = [1, 1]} : vector<256x8192xf32> to vector<64x128xf32>
    %add3A_2233 = arith.addf %add3A_2231, %slice3A_2232 : vector<64x128xf32>
    %lt3A_2234 = arith.cmpf olt, %add3A_2233, %select_n3A_2224 : vector<64x128xf32>
    %select_n3A_2235 = arith.select %lt3A_2234, %add3A_2233, %select_n3A_2224 : vector<64x128xi1>, vector<64x128xf32>
    %jit3A_2236 = arith.constant 5 : i32
    %broadcast_in_dim3A_2237 = vector.broadcast %jit3A_2236 : i32 to vector<64x128xi32>
    %select_n3A_2238 = arith.select %lt3A_2234, %broadcast_in_dim3A_2237, %select_n3A_2227 : vector<64x128xi1>, vector<64x128xi32>
    %slice3A_2239 = vector.extract_strided_slice %get3A_11 {offsets = [0, 768], sizes = [1, 128], strides = [1, 1]} : vector<1x8192xf32> to vector<1x128xf32>
    %add3A_2240 = vector.broadcast %slice3A_2175 : vector<64x1xf32> to vector<64x128xf32>
    %add3A_2241 = vector.broadcast %slice3A_2239 : vector<1x128xf32> to vector<64x128xf32>
    %add3A_2242 = arith.addf %add3A_2240, %add3A_2241 : vector<64x128xf32>
    %slice3A_2243 = vector.extract_strided_slice %dot_general3A_5 {offsets = [192, 768], sizes = [64, 128], strides = [1, 1]} : vector<256x8192xf32> to vector<64x128xf32>
    %add3A_2244 = arith.addf %add3A_2242, %slice3A_2243 : vector<64x128xf32>
    %lt3A_2245 = arith.cmpf olt, %add3A_2244, %select_n3A_2235 : vector<64x128xf32>
    %select_n3A_2246 = arith.select %lt3A_2245, %add3A_2244, %select_n3A_2235 : vector<64x128xi1>, vector<64x128xf32>
    %jit3A_2247 = arith.constant 6 : i32
    %broadcast_in_dim3A_2248 = vector.broadcast %jit3A_2247 : i32 to vector<64x128xi32>
    %select_n3A_2249 = arith.select %lt3A_2245, %broadcast_in_dim3A_2248, %select_n3A_2238 : vector<64x128xi1>, vector<64x128xi32>
    %slice3A_2250 = vector.extract_strided_slice %get3A_11 {offsets = [0, 896], sizes = [1, 128], strides = [1, 1]} : vector<1x8192xf32> to vector<1x128xf32>
    %add3A_2251 = vector.broadcast %slice3A_2175 : vector<64x1xf32> to vector<64x128xf32>
    %add3A_2252 = vector.broadcast %slice3A_2250 : vector<1x128xf32> to vector<64x128xf32>
    %add3A_2253 = arith.addf %add3A_2251, %add3A_2252 : vector<64x128xf32>
    %slice3A_2254 = vector.extract_strided_slice %dot_general3A_5 {offsets = [192, 896], sizes = [64, 128], strides = [1, 1]} : vector<256x8192xf32> to vector<64x128xf32>
    %add3A_2255 = arith.addf %add3A_2253, %slice3A_2254 : vector<64x128xf32>
    %lt3A_2256 = arith.cmpf olt, %add3A_2255, %select_n3A_2246 : vector<64x128xf32>
    %select_n3A_2257 = arith.select %lt3A_2256, %add3A_2255, %select_n3A_2246 : vector<64x128xi1>, vector<64x128xf32>
    %jit3A_2258 = arith.constant 7 : i32
    %broadcast_in_dim3A_2259 = vector.broadcast %jit3A_2258 : i32 to vector<64x128xi32>
    %select_n3A_2260 = arith.select %lt3A_2256, %broadcast_in_dim3A_2259, %select_n3A_2249 : vector<64x128xi1>, vector<64x128xi32>
    %slice3A_2261 = vector.extract_strided_slice %get3A_11 {offsets = [0, 1024], sizes = [1, 128], strides = [1, 1]} : vector<1x8192xf32> to vector<1x128xf32>
    %add3A_2262 = vector.broadcast %slice3A_2175 : vector<64x1xf32> to vector<64x128xf32>
    %add3A_2263 = vector.broadcast %slice3A_2261 : vector<1x128xf32> to vector<64x128xf32>
    %add3A_2264 = arith.addf %add3A_2262, %add3A_2263 : vector<64x128xf32>
    %slice3A_2265 = vector.extract_strided_slice %dot_general3A_5 {offsets = [192, 1024], sizes = [64, 128], strides = [1, 1]} : vector<256x8192xf32> to vector<64x128xf32>
    %add3A_2266 = arith.addf %add3A_2264, %slice3A_2265 : vector<64x128xf32>
    %lt3A_2267 = arith.cmpf olt, %add3A_2266, %select_n3A_2257 : vector<64x128xf32>
    %select_n3A_2268 = arith.select %lt3A_2267, %add3A_2266, %select_n3A_2257 : vector<64x128xi1>, vector<64x128xf32>
    %jit3A_2269 = arith.constant 8 : i32
    %broadcast_in_dim3A_2270 = vector.broadcast %jit3A_2269 : i32 to vector<64x128xi32>
    %select_n3A_2271 = arith.select %lt3A_2267, %broadcast_in_dim3A_2270, %select_n3A_2260 : vector<64x128xi1>, vector<64x128xi32>
    %slice3A_2272 = vector.extract_strided_slice %get3A_11 {offsets = [0, 1152], sizes = [1, 128], strides = [1, 1]} : vector<1x8192xf32> to vector<1x128xf32>
    %add3A_2273 = vector.broadcast %slice3A_2175 : vector<64x1xf32> to vector<64x128xf32>
    %add3A_2274 = vector.broadcast %slice3A_2272 : vector<1x128xf32> to vector<64x128xf32>
    %add3A_2275 = arith.addf %add3A_2273, %add3A_2274 : vector<64x128xf32>
    %slice3A_2276 = vector.extract_strided_slice %dot_general3A_5 {offsets = [192, 1152], sizes = [64, 128], strides = [1, 1]} : vector<256x8192xf32> to vector<64x128xf32>
    %add3A_2277 = arith.addf %add3A_2275, %slice3A_2276 : vector<64x128xf32>
    %lt3A_2278 = arith.cmpf olt, %add3A_2277, %select_n3A_2268 : vector<64x128xf32>
    %select_n3A_2279 = arith.select %lt3A_2278, %add3A_2277, %select_n3A_2268 : vector<64x128xi1>, vector<64x128xf32>
    %jit3A_2280 = arith.constant 9 : i32
    %broadcast_in_dim3A_2281 = vector.broadcast %jit3A_2280 : i32 to vector<64x128xi32>
    %select_n3A_2282 = arith.select %lt3A_2278, %broadcast_in_dim3A_2281, %select_n3A_2271 : vector<64x128xi1>, vector<64x128xi32>
    %slice3A_2283 = vector.extract_strided_slice %get3A_11 {offsets = [0, 1280], sizes = [1, 128], strides = [1, 1]} : vector<1x8192xf32> to vector<1x128xf32>
    %add3A_2284 = vector.broadcast %slice3A_2175 : vector<64x1xf32> to vector<64x128xf32>
    %add3A_2285 = vector.broadcast %slice3A_2283 : vector<1x128xf32> to vector<64x128xf32>
    %add3A_2286 = arith.addf %add3A_2284, %add3A_2285 : vector<64x128xf32>
    %slice3A_2287 = vector.extract_strided_slice %dot_general3A_5 {offsets = [192, 1280], sizes = [64, 128], strides = [1, 1]} : vector<256x8192xf32> to vector<64x128xf32>
    %add3A_2288 = arith.addf %add3A_2286, %slice3A_2287 : vector<64x128xf32>
    %lt3A_2289 = arith.cmpf olt, %add3A_2288, %select_n3A_2279 : vector<64x128xf32>
    %select_n3A_2290 = arith.select %lt3A_2289, %add3A_2288, %select_n3A_2279 : vector<64x128xi1>, vector<64x128xf32>
    %jit3A_2291 = arith.constant 10 : i32
    %broadcast_in_dim3A_2292 = vector.broadcast %jit3A_2291 : i32 to vector<64x128xi32>
    %select_n3A_2293 = arith.select %lt3A_2289, %broadcast_in_dim3A_2292, %select_n3A_2282 : vector<64x128xi1>, vector<64x128xi32>
    %slice3A_2294 = vector.extract_strided_slice %get3A_11 {offsets = [0, 1408], sizes = [1, 128], strides = [1, 1]} : vector<1x8192xf32> to vector<1x128xf32>
    %add3A_2295 = vector.broadcast %slice3A_2175 : vector<64x1xf32> to vector<64x128xf32>
    %add3A_2296 = vector.broadcast %slice3A_2294 : vector<1x128xf32> to vector<64x128xf32>
    %add3A_2297 = arith.addf %add3A_2295, %add3A_2296 : vector<64x128xf32>
    %slice3A_2298 = vector.extract_strided_slice %dot_general3A_5 {offsets = [192, 1408], sizes = [64, 128], strides = [1, 1]} : vector<256x8192xf32> to vector<64x128xf32>
    %add3A_2299 = arith.addf %add3A_2297, %slice3A_2298 : vector<64x128xf32>
    %lt3A_2300 = arith.cmpf olt, %add3A_2299, %select_n3A_2290 : vector<64x128xf32>
    %select_n3A_2301 = arith.select %lt3A_2300, %add3A_2299, %select_n3A_2290 : vector<64x128xi1>, vector<64x128xf32>
    %jit3A_2302 = arith.constant 11 : i32
    %broadcast_in_dim3A_2303 = vector.broadcast %jit3A_2302 : i32 to vector<64x128xi32>
    %select_n3A_2304 = arith.select %lt3A_2300, %broadcast_in_dim3A_2303, %select_n3A_2293 : vector<64x128xi1>, vector<64x128xi32>
    %slice3A_2305 = vector.extract_strided_slice %get3A_11 {offsets = [0, 1536], sizes = [1, 128], strides = [1, 1]} : vector<1x8192xf32> to vector<1x128xf32>
    %add3A_2306 = vector.broadcast %slice3A_2175 : vector<64x1xf32> to vector<64x128xf32>
    %add3A_2307 = vector.broadcast %slice3A_2305 : vector<1x128xf32> to vector<64x128xf32>
    %add3A_2308 = arith.addf %add3A_2306, %add3A_2307 : vector<64x128xf32>
    %slice3A_2309 = vector.extract_strided_slice %dot_general3A_5 {offsets = [192, 1536], sizes = [64, 128], strides = [1, 1]} : vector<256x8192xf32> to vector<64x128xf32>
    %add3A_2310 = arith.addf %add3A_2308, %slice3A_2309 : vector<64x128xf32>
    %lt3A_2311 = arith.cmpf olt, %add3A_2310, %select_n3A_2301 : vector<64x128xf32>
    %select_n3A_2312 = arith.select %lt3A_2311, %add3A_2310, %select_n3A_2301 : vector<64x128xi1>, vector<64x128xf32>
    %jit3A_2313 = arith.constant 12 : i32
    %broadcast_in_dim3A_2314 = vector.broadcast %jit3A_2313 : i32 to vector<64x128xi32>
    %select_n3A_2315 = arith.select %lt3A_2311, %broadcast_in_dim3A_2314, %select_n3A_2304 : vector<64x128xi1>, vector<64x128xi32>
    %slice3A_2316 = vector.extract_strided_slice %get3A_11 {offsets = [0, 1664], sizes = [1, 128], strides = [1, 1]} : vector<1x8192xf32> to vector<1x128xf32>
    %add3A_2317 = vector.broadcast %slice3A_2175 : vector<64x1xf32> to vector<64x128xf32>
    %add3A_2318 = vector.broadcast %slice3A_2316 : vector<1x128xf32> to vector<64x128xf32>
    %add3A_2319 = arith.addf %add3A_2317, %add3A_2318 : vector<64x128xf32>
    %slice3A_2320 = vector.extract_strided_slice %dot_general3A_5 {offsets = [192, 1664], sizes = [64, 128], strides = [1, 1]} : vector<256x8192xf32> to vector<64x128xf32>
    %add3A_2321 = arith.addf %add3A_2319, %slice3A_2320 : vector<64x128xf32>
    %lt3A_2322 = arith.cmpf olt, %add3A_2321, %select_n3A_2312 : vector<64x128xf32>
    %select_n3A_2323 = arith.select %lt3A_2322, %add3A_2321, %select_n3A_2312 : vector<64x128xi1>, vector<64x128xf32>
    %jit3A_2324 = arith.constant 13 : i32
    %broadcast_in_dim3A_2325 = vector.broadcast %jit3A_2324 : i32 to vector<64x128xi32>
    %select_n3A_2326 = arith.select %lt3A_2322, %broadcast_in_dim3A_2325, %select_n3A_2315 : vector<64x128xi1>, vector<64x128xi32>
    %slice3A_2327 = vector.extract_strided_slice %get3A_11 {offsets = [0, 1792], sizes = [1, 128], strides = [1, 1]} : vector<1x8192xf32> to vector<1x128xf32>
    %add3A_2328 = vector.broadcast %slice3A_2175 : vector<64x1xf32> to vector<64x128xf32>
    %add3A_2329 = vector.broadcast %slice3A_2327 : vector<1x128xf32> to vector<64x128xf32>
    %add3A_2330 = arith.addf %add3A_2328, %add3A_2329 : vector<64x128xf32>
    %slice3A_2331 = vector.extract_strided_slice %dot_general3A_5 {offsets = [192, 1792], sizes = [64, 128], strides = [1, 1]} : vector<256x8192xf32> to vector<64x128xf32>
    %add3A_2332 = arith.addf %add3A_2330, %slice3A_2331 : vector<64x128xf32>
    %lt3A_2333 = arith.cmpf olt, %add3A_2332, %select_n3A_2323 : vector<64x128xf32>
    %select_n3A_2334 = arith.select %lt3A_2333, %add3A_2332, %select_n3A_2323 : vector<64x128xi1>, vector<64x128xf32>
    %jit3A_2335 = arith.constant 14 : i32
    %broadcast_in_dim3A_2336 = vector.broadcast %jit3A_2335 : i32 to vector<64x128xi32>
    %select_n3A_2337 = arith.select %lt3A_2333, %broadcast_in_dim3A_2336, %select_n3A_2326 : vector<64x128xi1>, vector<64x128xi32>
    %slice3A_2338 = vector.extract_strided_slice %get3A_11 {offsets = [0, 1920], sizes = [1, 128], strides = [1, 1]} : vector<1x8192xf32> to vector<1x128xf32>
    %add3A_2339 = vector.broadcast %slice3A_2175 : vector<64x1xf32> to vector<64x128xf32>
    %add3A_2340 = vector.broadcast %slice3A_2338 : vector<1x128xf32> to vector<64x128xf32>
    %add3A_2341 = arith.addf %add3A_2339, %add3A_2340 : vector<64x128xf32>
    %slice3A_2342 = vector.extract_strided_slice %dot_general3A_5 {offsets = [192, 1920], sizes = [64, 128], strides = [1, 1]} : vector<256x8192xf32> to vector<64x128xf32>
    %add3A_2343 = arith.addf %add3A_2341, %slice3A_2342 : vector<64x128xf32>
    %lt3A_2344 = arith.cmpf olt, %add3A_2343, %select_n3A_2334 : vector<64x128xf32>
    %select_n3A_2345 = arith.select %lt3A_2344, %add3A_2343, %select_n3A_2334 : vector<64x128xi1>, vector<64x128xf32>
    %jit3A_2346 = arith.constant 15 : i32
    %broadcast_in_dim3A_2347 = vector.broadcast %jit3A_2346 : i32 to vector<64x128xi32>
    %select_n3A_2348 = arith.select %lt3A_2344, %broadcast_in_dim3A_2347, %select_n3A_2337 : vector<64x128xi1>, vector<64x128xi32>
    %slice3A_2349 = vector.extract_strided_slice %get3A_11 {offsets = [0, 2048], sizes = [1, 128], strides = [1, 1]} : vector<1x8192xf32> to vector<1x128xf32>
    %add3A_2350 = vector.broadcast %slice3A_2175 : vector<64x1xf32> to vector<64x128xf32>
    %add3A_2351 = vector.broadcast %slice3A_2349 : vector<1x128xf32> to vector<64x128xf32>
    %add3A_2352 = arith.addf %add3A_2350, %add3A_2351 : vector<64x128xf32>
    %slice3A_2353 = vector.extract_strided_slice %dot_general3A_5 {offsets = [192, 2048], sizes = [64, 128], strides = [1, 1]} : vector<256x8192xf32> to vector<64x128xf32>
    %add3A_2354 = arith.addf %add3A_2352, %slice3A_2353 : vector<64x128xf32>
    %lt3A_2355 = arith.cmpf olt, %add3A_2354, %select_n3A_2345 : vector<64x128xf32>
    %select_n3A_2356 = arith.select %lt3A_2355, %add3A_2354, %select_n3A_2345 : vector<64x128xi1>, vector<64x128xf32>
    %jit3A_2357 = arith.constant 16 : i32
    %broadcast_in_dim3A_2358 = vector.broadcast %jit3A_2357 : i32 to vector<64x128xi32>
    %select_n3A_2359 = arith.select %lt3A_2355, %broadcast_in_dim3A_2358, %select_n3A_2348 : vector<64x128xi1>, vector<64x128xi32>
    %slice3A_2360 = vector.extract_strided_slice %get3A_11 {offsets = [0, 2176], sizes = [1, 128], strides = [1, 1]} : vector<1x8192xf32> to vector<1x128xf32>
    %add3A_2361 = vector.broadcast %slice3A_2175 : vector<64x1xf32> to vector<64x128xf32>
    %add3A_2362 = vector.broadcast %slice3A_2360 : vector<1x128xf32> to vector<64x128xf32>
    %add3A_2363 = arith.addf %add3A_2361, %add3A_2362 : vector<64x128xf32>
    %slice3A_2364 = vector.extract_strided_slice %dot_general3A_5 {offsets = [192, 2176], sizes = [64, 128], strides = [1, 1]} : vector<256x8192xf32> to vector<64x128xf32>
    %add3A_2365 = arith.addf %add3A_2363, %slice3A_2364 : vector<64x128xf32>
    %lt3A_2366 = arith.cmpf olt, %add3A_2365, %select_n3A_2356 : vector<64x128xf32>
    %select_n3A_2367 = arith.select %lt3A_2366, %add3A_2365, %select_n3A_2356 : vector<64x128xi1>, vector<64x128xf32>
    %jit3A_2368 = arith.constant 17 : i32
    %broadcast_in_dim3A_2369 = vector.broadcast %jit3A_2368 : i32 to vector<64x128xi32>
    %select_n3A_2370 = arith.select %lt3A_2366, %broadcast_in_dim3A_2369, %select_n3A_2359 : vector<64x128xi1>, vector<64x128xi32>
    %slice3A_2371 = vector.extract_strided_slice %get3A_11 {offsets = [0, 2304], sizes = [1, 128], strides = [1, 1]} : vector<1x8192xf32> to vector<1x128xf32>
    %add3A_2372 = vector.broadcast %slice3A_2175 : vector<64x1xf32> to vector<64x128xf32>
    %add3A_2373 = vector.broadcast %slice3A_2371 : vector<1x128xf32> to vector<64x128xf32>
    %add3A_2374 = arith.addf %add3A_2372, %add3A_2373 : vector<64x128xf32>
    %slice3A_2375 = vector.extract_strided_slice %dot_general3A_5 {offsets = [192, 2304], sizes = [64, 128], strides = [1, 1]} : vector<256x8192xf32> to vector<64x128xf32>
    %add3A_2376 = arith.addf %add3A_2374, %slice3A_2375 : vector<64x128xf32>
    %lt3A_2377 = arith.cmpf olt, %add3A_2376, %select_n3A_2367 : vector<64x128xf32>
    %select_n3A_2378 = arith.select %lt3A_2377, %add3A_2376, %select_n3A_2367 : vector<64x128xi1>, vector<64x128xf32>
    %jit3A_2379 = arith.constant 18 : i32
    %broadcast_in_dim3A_2380 = vector.broadcast %jit3A_2379 : i32 to vector<64x128xi32>
    %select_n3A_2381 = arith.select %lt3A_2377, %broadcast_in_dim3A_2380, %select_n3A_2370 : vector<64x128xi1>, vector<64x128xi32>
    %slice3A_2382 = vector.extract_strided_slice %get3A_11 {offsets = [0, 2432], sizes = [1, 128], strides = [1, 1]} : vector<1x8192xf32> to vector<1x128xf32>
    %add3A_2383 = vector.broadcast %slice3A_2175 : vector<64x1xf32> to vector<64x128xf32>
    %add3A_2384 = vector.broadcast %slice3A_2382 : vector<1x128xf32> to vector<64x128xf32>
    %add3A_2385 = arith.addf %add3A_2383, %add3A_2384 : vector<64x128xf32>
    %slice3A_2386 = vector.extract_strided_slice %dot_general3A_5 {offsets = [192, 2432], sizes = [64, 128], strides = [1, 1]} : vector<256x8192xf32> to vector<64x128xf32>
    %add3A_2387 = arith.addf %add3A_2385, %slice3A_2386 : vector<64x128xf32>
    %lt3A_2388 = arith.cmpf olt, %add3A_2387, %select_n3A_2378 : vector<64x128xf32>
    %select_n3A_2389 = arith.select %lt3A_2388, %add3A_2387, %select_n3A_2378 : vector<64x128xi1>, vector<64x128xf32>
    %jit3A_2390 = arith.constant 19 : i32
    %broadcast_in_dim3A_2391 = vector.broadcast %jit3A_2390 : i32 to vector<64x128xi32>
    %select_n3A_2392 = arith.select %lt3A_2388, %broadcast_in_dim3A_2391, %select_n3A_2381 : vector<64x128xi1>, vector<64x128xi32>
    %slice3A_2393 = vector.extract_strided_slice %get3A_11 {offsets = [0, 2560], sizes = [1, 128], strides = [1, 1]} : vector<1x8192xf32> to vector<1x128xf32>
    %add3A_2394 = vector.broadcast %slice3A_2175 : vector<64x1xf32> to vector<64x128xf32>
    %add3A_2395 = vector.broadcast %slice3A_2393 : vector<1x128xf32> to vector<64x128xf32>
    %add3A_2396 = arith.addf %add3A_2394, %add3A_2395 : vector<64x128xf32>
    %slice3A_2397 = vector.extract_strided_slice %dot_general3A_5 {offsets = [192, 2560], sizes = [64, 128], strides = [1, 1]} : vector<256x8192xf32> to vector<64x128xf32>
    %add3A_2398 = arith.addf %add3A_2396, %slice3A_2397 : vector<64x128xf32>
    %lt3A_2399 = arith.cmpf olt, %add3A_2398, %select_n3A_2389 : vector<64x128xf32>
    %select_n3A_2400 = arith.select %lt3A_2399, %add3A_2398, %select_n3A_2389 : vector<64x128xi1>, vector<64x128xf32>
    %jit3A_2401 = arith.constant 20 : i32
    %broadcast_in_dim3A_2402 = vector.broadcast %jit3A_2401 : i32 to vector<64x128xi32>
    %select_n3A_2403 = arith.select %lt3A_2399, %broadcast_in_dim3A_2402, %select_n3A_2392 : vector<64x128xi1>, vector<64x128xi32>
    %slice3A_2404 = vector.extract_strided_slice %get3A_11 {offsets = [0, 2688], sizes = [1, 128], strides = [1, 1]} : vector<1x8192xf32> to vector<1x128xf32>
    %add3A_2405 = vector.broadcast %slice3A_2175 : vector<64x1xf32> to vector<64x128xf32>
    %add3A_2406 = vector.broadcast %slice3A_2404 : vector<1x128xf32> to vector<64x128xf32>
    %add3A_2407 = arith.addf %add3A_2405, %add3A_2406 : vector<64x128xf32>
    %slice3A_2408 = vector.extract_strided_slice %dot_general3A_5 {offsets = [192, 2688], sizes = [64, 128], strides = [1, 1]} : vector<256x8192xf32> to vector<64x128xf32>
    %add3A_2409 = arith.addf %add3A_2407, %slice3A_2408 : vector<64x128xf32>
    %lt3A_2410 = arith.cmpf olt, %add3A_2409, %select_n3A_2400 : vector<64x128xf32>
    %select_n3A_2411 = arith.select %lt3A_2410, %add3A_2409, %select_n3A_2400 : vector<64x128xi1>, vector<64x128xf32>
    %jit3A_2412 = arith.constant 21 : i32
    %broadcast_in_dim3A_2413 = vector.broadcast %jit3A_2412 : i32 to vector<64x128xi32>
    %select_n3A_2414 = arith.select %lt3A_2410, %broadcast_in_dim3A_2413, %select_n3A_2403 : vector<64x128xi1>, vector<64x128xi32>
    %slice3A_2415 = vector.extract_strided_slice %get3A_11 {offsets = [0, 2816], sizes = [1, 128], strides = [1, 1]} : vector<1x8192xf32> to vector<1x128xf32>
    %add3A_2416 = vector.broadcast %slice3A_2175 : vector<64x1xf32> to vector<64x128xf32>
    %add3A_2417 = vector.broadcast %slice3A_2415 : vector<1x128xf32> to vector<64x128xf32>
    %add3A_2418 = arith.addf %add3A_2416, %add3A_2417 : vector<64x128xf32>
    %slice3A_2419 = vector.extract_strided_slice %dot_general3A_5 {offsets = [192, 2816], sizes = [64, 128], strides = [1, 1]} : vector<256x8192xf32> to vector<64x128xf32>
    %add3A_2420 = arith.addf %add3A_2418, %slice3A_2419 : vector<64x128xf32>
    %lt3A_2421 = arith.cmpf olt, %add3A_2420, %select_n3A_2411 : vector<64x128xf32>
    %select_n3A_2422 = arith.select %lt3A_2421, %add3A_2420, %select_n3A_2411 : vector<64x128xi1>, vector<64x128xf32>
    %jit3A_2423 = arith.constant 22 : i32
    %broadcast_in_dim3A_2424 = vector.broadcast %jit3A_2423 : i32 to vector<64x128xi32>
    %select_n3A_2425 = arith.select %lt3A_2421, %broadcast_in_dim3A_2424, %select_n3A_2414 : vector<64x128xi1>, vector<64x128xi32>
    %slice3A_2426 = vector.extract_strided_slice %get3A_11 {offsets = [0, 2944], sizes = [1, 128], strides = [1, 1]} : vector<1x8192xf32> to vector<1x128xf32>
    %add3A_2427 = vector.broadcast %slice3A_2175 : vector<64x1xf32> to vector<64x128xf32>
    %add3A_2428 = vector.broadcast %slice3A_2426 : vector<1x128xf32> to vector<64x128xf32>
    %add3A_2429 = arith.addf %add3A_2427, %add3A_2428 : vector<64x128xf32>
    %slice3A_2430 = vector.extract_strided_slice %dot_general3A_5 {offsets = [192, 2944], sizes = [64, 128], strides = [1, 1]} : vector<256x8192xf32> to vector<64x128xf32>
    %add3A_2431 = arith.addf %add3A_2429, %slice3A_2430 : vector<64x128xf32>
    %lt3A_2432 = arith.cmpf olt, %add3A_2431, %select_n3A_2422 : vector<64x128xf32>
    %select_n3A_2433 = arith.select %lt3A_2432, %add3A_2431, %select_n3A_2422 : vector<64x128xi1>, vector<64x128xf32>
    %jit3A_2434 = arith.constant 23 : i32
    %broadcast_in_dim3A_2435 = vector.broadcast %jit3A_2434 : i32 to vector<64x128xi32>
    %select_n3A_2436 = arith.select %lt3A_2432, %broadcast_in_dim3A_2435, %select_n3A_2425 : vector<64x128xi1>, vector<64x128xi32>
    %slice3A_2437 = vector.extract_strided_slice %get3A_11 {offsets = [0, 3072], sizes = [1, 128], strides = [1, 1]} : vector<1x8192xf32> to vector<1x128xf32>
    %add3A_2438 = vector.broadcast %slice3A_2175 : vector<64x1xf32> to vector<64x128xf32>
    %add3A_2439 = vector.broadcast %slice3A_2437 : vector<1x128xf32> to vector<64x128xf32>
    %add3A_2440 = arith.addf %add3A_2438, %add3A_2439 : vector<64x128xf32>
    %slice3A_2441 = vector.extract_strided_slice %dot_general3A_5 {offsets = [192, 3072], sizes = [64, 128], strides = [1, 1]} : vector<256x8192xf32> to vector<64x128xf32>
    %add3A_2442 = arith.addf %add3A_2440, %slice3A_2441 : vector<64x128xf32>
    %lt3A_2443 = arith.cmpf olt, %add3A_2442, %select_n3A_2433 : vector<64x128xf32>
    %select_n3A_2444 = arith.select %lt3A_2443, %add3A_2442, %select_n3A_2433 : vector<64x128xi1>, vector<64x128xf32>
    %jit3A_2445 = arith.constant 24 : i32
    %broadcast_in_dim3A_2446 = vector.broadcast %jit3A_2445 : i32 to vector<64x128xi32>
    %select_n3A_2447 = arith.select %lt3A_2443, %broadcast_in_dim3A_2446, %select_n3A_2436 : vector<64x128xi1>, vector<64x128xi32>
    %slice3A_2448 = vector.extract_strided_slice %get3A_11 {offsets = [0, 3200], sizes = [1, 128], strides = [1, 1]} : vector<1x8192xf32> to vector<1x128xf32>
    %add3A_2449 = vector.broadcast %slice3A_2175 : vector<64x1xf32> to vector<64x128xf32>
    %add3A_2450 = vector.broadcast %slice3A_2448 : vector<1x128xf32> to vector<64x128xf32>
    %add3A_2451 = arith.addf %add3A_2449, %add3A_2450 : vector<64x128xf32>
    %slice3A_2452 = vector.extract_strided_slice %dot_general3A_5 {offsets = [192, 3200], sizes = [64, 128], strides = [1, 1]} : vector<256x8192xf32> to vector<64x128xf32>
    %add3A_2453 = arith.addf %add3A_2451, %slice3A_2452 : vector<64x128xf32>
    %lt3A_2454 = arith.cmpf olt, %add3A_2453, %select_n3A_2444 : vector<64x128xf32>
    %select_n3A_2455 = arith.select %lt3A_2454, %add3A_2453, %select_n3A_2444 : vector<64x128xi1>, vector<64x128xf32>
    %jit3A_2456 = arith.constant 25 : i32
    %broadcast_in_dim3A_2457 = vector.broadcast %jit3A_2456 : i32 to vector<64x128xi32>
    %select_n3A_2458 = arith.select %lt3A_2454, %broadcast_in_dim3A_2457, %select_n3A_2447 : vector<64x128xi1>, vector<64x128xi32>
    %slice3A_2459 = vector.extract_strided_slice %get3A_11 {offsets = [0, 3328], sizes = [1, 128], strides = [1, 1]} : vector<1x8192xf32> to vector<1x128xf32>
    %add3A_2460 = vector.broadcast %slice3A_2175 : vector<64x1xf32> to vector<64x128xf32>
    %add3A_2461 = vector.broadcast %slice3A_2459 : vector<1x128xf32> to vector<64x128xf32>
    %add3A_2462 = arith.addf %add3A_2460, %add3A_2461 : vector<64x128xf32>
    %slice3A_2463 = vector.extract_strided_slice %dot_general3A_5 {offsets = [192, 3328], sizes = [64, 128], strides = [1, 1]} : vector<256x8192xf32> to vector<64x128xf32>
    %add3A_2464 = arith.addf %add3A_2462, %slice3A_2463 : vector<64x128xf32>
    %lt3A_2465 = arith.cmpf olt, %add3A_2464, %select_n3A_2455 : vector<64x128xf32>
    %select_n3A_2466 = arith.select %lt3A_2465, %add3A_2464, %select_n3A_2455 : vector<64x128xi1>, vector<64x128xf32>
    %jit3A_2467 = arith.constant 26 : i32
    %broadcast_in_dim3A_2468 = vector.broadcast %jit3A_2467 : i32 to vector<64x128xi32>
    %select_n3A_2469 = arith.select %lt3A_2465, %broadcast_in_dim3A_2468, %select_n3A_2458 : vector<64x128xi1>, vector<64x128xi32>
    %slice3A_2470 = vector.extract_strided_slice %get3A_11 {offsets = [0, 3456], sizes = [1, 128], strides = [1, 1]} : vector<1x8192xf32> to vector<1x128xf32>
    %add3A_2471 = vector.broadcast %slice3A_2175 : vector<64x1xf32> to vector<64x128xf32>
    %add3A_2472 = vector.broadcast %slice3A_2470 : vector<1x128xf32> to vector<64x128xf32>
    %add3A_2473 = arith.addf %add3A_2471, %add3A_2472 : vector<64x128xf32>
    %slice3A_2474 = vector.extract_strided_slice %dot_general3A_5 {offsets = [192, 3456], sizes = [64, 128], strides = [1, 1]} : vector<256x8192xf32> to vector<64x128xf32>
    %add3A_2475 = arith.addf %add3A_2473, %slice3A_2474 : vector<64x128xf32>
    %lt3A_2476 = arith.cmpf olt, %add3A_2475, %select_n3A_2466 : vector<64x128xf32>
    %select_n3A_2477 = arith.select %lt3A_2476, %add3A_2475, %select_n3A_2466 : vector<64x128xi1>, vector<64x128xf32>
    %jit3A_2478 = arith.constant 27 : i32
    %broadcast_in_dim3A_2479 = vector.broadcast %jit3A_2478 : i32 to vector<64x128xi32>
    %select_n3A_2480 = arith.select %lt3A_2476, %broadcast_in_dim3A_2479, %select_n3A_2469 : vector<64x128xi1>, vector<64x128xi32>
    %slice3A_2481 = vector.extract_strided_slice %get3A_11 {offsets = [0, 3584], sizes = [1, 128], strides = [1, 1]} : vector<1x8192xf32> to vector<1x128xf32>
    %add3A_2482 = vector.broadcast %slice3A_2175 : vector<64x1xf32> to vector<64x128xf32>
    %add3A_2483 = vector.broadcast %slice3A_2481 : vector<1x128xf32> to vector<64x128xf32>
    %add3A_2484 = arith.addf %add3A_2482, %add3A_2483 : vector<64x128xf32>
    %slice3A_2485 = vector.extract_strided_slice %dot_general3A_5 {offsets = [192, 3584], sizes = [64, 128], strides = [1, 1]} : vector<256x8192xf32> to vector<64x128xf32>
    %add3A_2486 = arith.addf %add3A_2484, %slice3A_2485 : vector<64x128xf32>
    %lt3A_2487 = arith.cmpf olt, %add3A_2486, %select_n3A_2477 : vector<64x128xf32>
    %select_n3A_2488 = arith.select %lt3A_2487, %add3A_2486, %select_n3A_2477 : vector<64x128xi1>, vector<64x128xf32>
    %jit3A_2489 = arith.constant 28 : i32
    %broadcast_in_dim3A_2490 = vector.broadcast %jit3A_2489 : i32 to vector<64x128xi32>
    %select_n3A_2491 = arith.select %lt3A_2487, %broadcast_in_dim3A_2490, %select_n3A_2480 : vector<64x128xi1>, vector<64x128xi32>
    %slice3A_2492 = vector.extract_strided_slice %get3A_11 {offsets = [0, 3712], sizes = [1, 128], strides = [1, 1]} : vector<1x8192xf32> to vector<1x128xf32>
    %add3A_2493 = vector.broadcast %slice3A_2175 : vector<64x1xf32> to vector<64x128xf32>
    %add3A_2494 = vector.broadcast %slice3A_2492 : vector<1x128xf32> to vector<64x128xf32>
    %add3A_2495 = arith.addf %add3A_2493, %add3A_2494 : vector<64x128xf32>
    %slice3A_2496 = vector.extract_strided_slice %dot_general3A_5 {offsets = [192, 3712], sizes = [64, 128], strides = [1, 1]} : vector<256x8192xf32> to vector<64x128xf32>
    %add3A_2497 = arith.addf %add3A_2495, %slice3A_2496 : vector<64x128xf32>
    %lt3A_2498 = arith.cmpf olt, %add3A_2497, %select_n3A_2488 : vector<64x128xf32>
    %select_n3A_2499 = arith.select %lt3A_2498, %add3A_2497, %select_n3A_2488 : vector<64x128xi1>, vector<64x128xf32>
    %jit3A_2500 = arith.constant 29 : i32
    %broadcast_in_dim3A_2501 = vector.broadcast %jit3A_2500 : i32 to vector<64x128xi32>
    %select_n3A_2502 = arith.select %lt3A_2498, %broadcast_in_dim3A_2501, %select_n3A_2491 : vector<64x128xi1>, vector<64x128xi32>
    %slice3A_2503 = vector.extract_strided_slice %get3A_11 {offsets = [0, 3840], sizes = [1, 128], strides = [1, 1]} : vector<1x8192xf32> to vector<1x128xf32>
    %add3A_2504 = vector.broadcast %slice3A_2175 : vector<64x1xf32> to vector<64x128xf32>
    %add3A_2505 = vector.broadcast %slice3A_2503 : vector<1x128xf32> to vector<64x128xf32>
    %add3A_2506 = arith.addf %add3A_2504, %add3A_2505 : vector<64x128xf32>
    %slice3A_2507 = vector.extract_strided_slice %dot_general3A_5 {offsets = [192, 3840], sizes = [64, 128], strides = [1, 1]} : vector<256x8192xf32> to vector<64x128xf32>
    %add3A_2508 = arith.addf %add3A_2506, %slice3A_2507 : vector<64x128xf32>
    %lt3A_2509 = arith.cmpf olt, %add3A_2508, %select_n3A_2499 : vector<64x128xf32>
    %select_n3A_2510 = arith.select %lt3A_2509, %add3A_2508, %select_n3A_2499 : vector<64x128xi1>, vector<64x128xf32>
    %jit3A_2511 = arith.constant 30 : i32
    %broadcast_in_dim3A_2512 = vector.broadcast %jit3A_2511 : i32 to vector<64x128xi32>
    %select_n3A_2513 = arith.select %lt3A_2509, %broadcast_in_dim3A_2512, %select_n3A_2502 : vector<64x128xi1>, vector<64x128xi32>
    %slice3A_2514 = vector.extract_strided_slice %get3A_11 {offsets = [0, 3968], sizes = [1, 128], strides = [1, 1]} : vector<1x8192xf32> to vector<1x128xf32>
    %add3A_2515 = vector.broadcast %slice3A_2175 : vector<64x1xf32> to vector<64x128xf32>
    %add3A_2516 = vector.broadcast %slice3A_2514 : vector<1x128xf32> to vector<64x128xf32>
    %add3A_2517 = arith.addf %add3A_2515, %add3A_2516 : vector<64x128xf32>
    %slice3A_2518 = vector.extract_strided_slice %dot_general3A_5 {offsets = [192, 3968], sizes = [64, 128], strides = [1, 1]} : vector<256x8192xf32> to vector<64x128xf32>
    %add3A_2519 = arith.addf %add3A_2517, %slice3A_2518 : vector<64x128xf32>
    %lt3A_2520 = arith.cmpf olt, %add3A_2519, %select_n3A_2510 : vector<64x128xf32>
    %select_n3A_2521 = arith.select %lt3A_2520, %add3A_2519, %select_n3A_2510 : vector<64x128xi1>, vector<64x128xf32>
    %jit3A_2522 = arith.constant 31 : i32
    %broadcast_in_dim3A_2523 = vector.broadcast %jit3A_2522 : i32 to vector<64x128xi32>
    %select_n3A_2524 = arith.select %lt3A_2520, %broadcast_in_dim3A_2523, %select_n3A_2513 : vector<64x128xi1>, vector<64x128xi32>
    %slice3A_2525 = vector.extract_strided_slice %get3A_11 {offsets = [0, 4096], sizes = [1, 128], strides = [1, 1]} : vector<1x8192xf32> to vector<1x128xf32>
    %add3A_2526 = vector.broadcast %slice3A_2175 : vector<64x1xf32> to vector<64x128xf32>
    %add3A_2527 = vector.broadcast %slice3A_2525 : vector<1x128xf32> to vector<64x128xf32>
    %add3A_2528 = arith.addf %add3A_2526, %add3A_2527 : vector<64x128xf32>
    %slice3A_2529 = vector.extract_strided_slice %dot_general3A_5 {offsets = [192, 4096], sizes = [64, 128], strides = [1, 1]} : vector<256x8192xf32> to vector<64x128xf32>
    %add3A_2530 = arith.addf %add3A_2528, %slice3A_2529 : vector<64x128xf32>
    %lt3A_2531 = arith.cmpf olt, %add3A_2530, %select_n3A_2521 : vector<64x128xf32>
    %select_n3A_2532 = arith.select %lt3A_2531, %add3A_2530, %select_n3A_2521 : vector<64x128xi1>, vector<64x128xf32>
    %jit3A_2533 = arith.constant 32 : i32
    %broadcast_in_dim3A_2534 = vector.broadcast %jit3A_2533 : i32 to vector<64x128xi32>
    %select_n3A_2535 = arith.select %lt3A_2531, %broadcast_in_dim3A_2534, %select_n3A_2524 : vector<64x128xi1>, vector<64x128xi32>
    %slice3A_2536 = vector.extract_strided_slice %get3A_11 {offsets = [0, 4224], sizes = [1, 128], strides = [1, 1]} : vector<1x8192xf32> to vector<1x128xf32>
    %add3A_2537 = vector.broadcast %slice3A_2175 : vector<64x1xf32> to vector<64x128xf32>
    %add3A_2538 = vector.broadcast %slice3A_2536 : vector<1x128xf32> to vector<64x128xf32>
    %add3A_2539 = arith.addf %add3A_2537, %add3A_2538 : vector<64x128xf32>
    %slice3A_2540 = vector.extract_strided_slice %dot_general3A_5 {offsets = [192, 4224], sizes = [64, 128], strides = [1, 1]} : vector<256x8192xf32> to vector<64x128xf32>
    %add3A_2541 = arith.addf %add3A_2539, %slice3A_2540 : vector<64x128xf32>
    %lt3A_2542 = arith.cmpf olt, %add3A_2541, %select_n3A_2532 : vector<64x128xf32>
    %select_n3A_2543 = arith.select %lt3A_2542, %add3A_2541, %select_n3A_2532 : vector<64x128xi1>, vector<64x128xf32>
    %jit3A_2544 = arith.constant 33 : i32
    %broadcast_in_dim3A_2545 = vector.broadcast %jit3A_2544 : i32 to vector<64x128xi32>
    %select_n3A_2546 = arith.select %lt3A_2542, %broadcast_in_dim3A_2545, %select_n3A_2535 : vector<64x128xi1>, vector<64x128xi32>
    %slice3A_2547 = vector.extract_strided_slice %get3A_11 {offsets = [0, 4352], sizes = [1, 128], strides = [1, 1]} : vector<1x8192xf32> to vector<1x128xf32>
    %add3A_2548 = vector.broadcast %slice3A_2175 : vector<64x1xf32> to vector<64x128xf32>
    %add3A_2549 = vector.broadcast %slice3A_2547 : vector<1x128xf32> to vector<64x128xf32>
    %add3A_2550 = arith.addf %add3A_2548, %add3A_2549 : vector<64x128xf32>
    %slice3A_2551 = vector.extract_strided_slice %dot_general3A_5 {offsets = [192, 4352], sizes = [64, 128], strides = [1, 1]} : vector<256x8192xf32> to vector<64x128xf32>
    %add3A_2552 = arith.addf %add3A_2550, %slice3A_2551 : vector<64x128xf32>
    %lt3A_2553 = arith.cmpf olt, %add3A_2552, %select_n3A_2543 : vector<64x128xf32>
    %select_n3A_2554 = arith.select %lt3A_2553, %add3A_2552, %select_n3A_2543 : vector<64x128xi1>, vector<64x128xf32>
    %jit3A_2555 = arith.constant 34 : i32
    %broadcast_in_dim3A_2556 = vector.broadcast %jit3A_2555 : i32 to vector<64x128xi32>
    %select_n3A_2557 = arith.select %lt3A_2553, %broadcast_in_dim3A_2556, %select_n3A_2546 : vector<64x128xi1>, vector<64x128xi32>
    %slice3A_2558 = vector.extract_strided_slice %get3A_11 {offsets = [0, 4480], sizes = [1, 128], strides = [1, 1]} : vector<1x8192xf32> to vector<1x128xf32>
    %add3A_2559 = vector.broadcast %slice3A_2175 : vector<64x1xf32> to vector<64x128xf32>
    %add3A_2560 = vector.broadcast %slice3A_2558 : vector<1x128xf32> to vector<64x128xf32>
    %add3A_2561 = arith.addf %add3A_2559, %add3A_2560 : vector<64x128xf32>
    %slice3A_2562 = vector.extract_strided_slice %dot_general3A_5 {offsets = [192, 4480], sizes = [64, 128], strides = [1, 1]} : vector<256x8192xf32> to vector<64x128xf32>
    %add3A_2563 = arith.addf %add3A_2561, %slice3A_2562 : vector<64x128xf32>
    %lt3A_2564 = arith.cmpf olt, %add3A_2563, %select_n3A_2554 : vector<64x128xf32>
    %select_n3A_2565 = arith.select %lt3A_2564, %add3A_2563, %select_n3A_2554 : vector<64x128xi1>, vector<64x128xf32>
    %jit3A_2566 = arith.constant 35 : i32
    %broadcast_in_dim3A_2567 = vector.broadcast %jit3A_2566 : i32 to vector<64x128xi32>
    %select_n3A_2568 = arith.select %lt3A_2564, %broadcast_in_dim3A_2567, %select_n3A_2557 : vector<64x128xi1>, vector<64x128xi32>
    %slice3A_2569 = vector.extract_strided_slice %get3A_11 {offsets = [0, 4608], sizes = [1, 128], strides = [1, 1]} : vector<1x8192xf32> to vector<1x128xf32>
    %add3A_2570 = vector.broadcast %slice3A_2175 : vector<64x1xf32> to vector<64x128xf32>
    %add3A_2571 = vector.broadcast %slice3A_2569 : vector<1x128xf32> to vector<64x128xf32>
    %add3A_2572 = arith.addf %add3A_2570, %add3A_2571 : vector<64x128xf32>
    %slice3A_2573 = vector.extract_strided_slice %dot_general3A_5 {offsets = [192, 4608], sizes = [64, 128], strides = [1, 1]} : vector<256x8192xf32> to vector<64x128xf32>
    %add3A_2574 = arith.addf %add3A_2572, %slice3A_2573 : vector<64x128xf32>
    %lt3A_2575 = arith.cmpf olt, %add3A_2574, %select_n3A_2565 : vector<64x128xf32>
    %select_n3A_2576 = arith.select %lt3A_2575, %add3A_2574, %select_n3A_2565 : vector<64x128xi1>, vector<64x128xf32>
    %jit3A_2577 = arith.constant 36 : i32
    %broadcast_in_dim3A_2578 = vector.broadcast %jit3A_2577 : i32 to vector<64x128xi32>
    %select_n3A_2579 = arith.select %lt3A_2575, %broadcast_in_dim3A_2578, %select_n3A_2568 : vector<64x128xi1>, vector<64x128xi32>
    %slice3A_2580 = vector.extract_strided_slice %get3A_11 {offsets = [0, 4736], sizes = [1, 128], strides = [1, 1]} : vector<1x8192xf32> to vector<1x128xf32>
    %add3A_2581 = vector.broadcast %slice3A_2175 : vector<64x1xf32> to vector<64x128xf32>
    %add3A_2582 = vector.broadcast %slice3A_2580 : vector<1x128xf32> to vector<64x128xf32>
    %add3A_2583 = arith.addf %add3A_2581, %add3A_2582 : vector<64x128xf32>
    %slice3A_2584 = vector.extract_strided_slice %dot_general3A_5 {offsets = [192, 4736], sizes = [64, 128], strides = [1, 1]} : vector<256x8192xf32> to vector<64x128xf32>
    %add3A_2585 = arith.addf %add3A_2583, %slice3A_2584 : vector<64x128xf32>
    %lt3A_2586 = arith.cmpf olt, %add3A_2585, %select_n3A_2576 : vector<64x128xf32>
    %select_n3A_2587 = arith.select %lt3A_2586, %add3A_2585, %select_n3A_2576 : vector<64x128xi1>, vector<64x128xf32>
    %jit3A_2588 = arith.constant 37 : i32
    %broadcast_in_dim3A_2589 = vector.broadcast %jit3A_2588 : i32 to vector<64x128xi32>
    %select_n3A_2590 = arith.select %lt3A_2586, %broadcast_in_dim3A_2589, %select_n3A_2579 : vector<64x128xi1>, vector<64x128xi32>
    %slice3A_2591 = vector.extract_strided_slice %get3A_11 {offsets = [0, 4864], sizes = [1, 128], strides = [1, 1]} : vector<1x8192xf32> to vector<1x128xf32>
    %add3A_2592 = vector.broadcast %slice3A_2175 : vector<64x1xf32> to vector<64x128xf32>
    %add3A_2593 = vector.broadcast %slice3A_2591 : vector<1x128xf32> to vector<64x128xf32>
    %add3A_2594 = arith.addf %add3A_2592, %add3A_2593 : vector<64x128xf32>
    %slice3A_2595 = vector.extract_strided_slice %dot_general3A_5 {offsets = [192, 4864], sizes = [64, 128], strides = [1, 1]} : vector<256x8192xf32> to vector<64x128xf32>
    %add3A_2596 = arith.addf %add3A_2594, %slice3A_2595 : vector<64x128xf32>
    %lt3A_2597 = arith.cmpf olt, %add3A_2596, %select_n3A_2587 : vector<64x128xf32>
    %select_n3A_2598 = arith.select %lt3A_2597, %add3A_2596, %select_n3A_2587 : vector<64x128xi1>, vector<64x128xf32>
    %jit3A_2599 = arith.constant 38 : i32
    %broadcast_in_dim3A_2600 = vector.broadcast %jit3A_2599 : i32 to vector<64x128xi32>
    %select_n3A_2601 = arith.select %lt3A_2597, %broadcast_in_dim3A_2600, %select_n3A_2590 : vector<64x128xi1>, vector<64x128xi32>
    %slice3A_2602 = vector.extract_strided_slice %get3A_11 {offsets = [0, 4992], sizes = [1, 128], strides = [1, 1]} : vector<1x8192xf32> to vector<1x128xf32>
    %add3A_2603 = vector.broadcast %slice3A_2175 : vector<64x1xf32> to vector<64x128xf32>
    %add3A_2604 = vector.broadcast %slice3A_2602 : vector<1x128xf32> to vector<64x128xf32>
    %add3A_2605 = arith.addf %add3A_2603, %add3A_2604 : vector<64x128xf32>
    %slice3A_2606 = vector.extract_strided_slice %dot_general3A_5 {offsets = [192, 4992], sizes = [64, 128], strides = [1, 1]} : vector<256x8192xf32> to vector<64x128xf32>
    %add3A_2607 = arith.addf %add3A_2605, %slice3A_2606 : vector<64x128xf32>
    %lt3A_2608 = arith.cmpf olt, %add3A_2607, %select_n3A_2598 : vector<64x128xf32>
    %select_n3A_2609 = arith.select %lt3A_2608, %add3A_2607, %select_n3A_2598 : vector<64x128xi1>, vector<64x128xf32>
    %jit3A_2610 = arith.constant 39 : i32
    %broadcast_in_dim3A_2611 = vector.broadcast %jit3A_2610 : i32 to vector<64x128xi32>
    %select_n3A_2612 = arith.select %lt3A_2608, %broadcast_in_dim3A_2611, %select_n3A_2601 : vector<64x128xi1>, vector<64x128xi32>
    %slice3A_2613 = vector.extract_strided_slice %get3A_11 {offsets = [0, 5120], sizes = [1, 128], strides = [1, 1]} : vector<1x8192xf32> to vector<1x128xf32>
    %add3A_2614 = vector.broadcast %slice3A_2175 : vector<64x1xf32> to vector<64x128xf32>
    %add3A_2615 = vector.broadcast %slice3A_2613 : vector<1x128xf32> to vector<64x128xf32>
    %add3A_2616 = arith.addf %add3A_2614, %add3A_2615 : vector<64x128xf32>
    %slice3A_2617 = vector.extract_strided_slice %dot_general3A_5 {offsets = [192, 5120], sizes = [64, 128], strides = [1, 1]} : vector<256x8192xf32> to vector<64x128xf32>
    %add3A_2618 = arith.addf %add3A_2616, %slice3A_2617 : vector<64x128xf32>
    %lt3A_2619 = arith.cmpf olt, %add3A_2618, %select_n3A_2609 : vector<64x128xf32>
    %select_n3A_2620 = arith.select %lt3A_2619, %add3A_2618, %select_n3A_2609 : vector<64x128xi1>, vector<64x128xf32>
    %jit3A_2621 = arith.constant 40 : i32
    %broadcast_in_dim3A_2622 = vector.broadcast %jit3A_2621 : i32 to vector<64x128xi32>
    %select_n3A_2623 = arith.select %lt3A_2619, %broadcast_in_dim3A_2622, %select_n3A_2612 : vector<64x128xi1>, vector<64x128xi32>
    %slice3A_2624 = vector.extract_strided_slice %get3A_11 {offsets = [0, 5248], sizes = [1, 128], strides = [1, 1]} : vector<1x8192xf32> to vector<1x128xf32>
    %add3A_2625 = vector.broadcast %slice3A_2175 : vector<64x1xf32> to vector<64x128xf32>
    %add3A_2626 = vector.broadcast %slice3A_2624 : vector<1x128xf32> to vector<64x128xf32>
    %add3A_2627 = arith.addf %add3A_2625, %add3A_2626 : vector<64x128xf32>
    %slice3A_2628 = vector.extract_strided_slice %dot_general3A_5 {offsets = [192, 5248], sizes = [64, 128], strides = [1, 1]} : vector<256x8192xf32> to vector<64x128xf32>
    %add3A_2629 = arith.addf %add3A_2627, %slice3A_2628 : vector<64x128xf32>
    %lt3A_2630 = arith.cmpf olt, %add3A_2629, %select_n3A_2620 : vector<64x128xf32>
    %select_n3A_2631 = arith.select %lt3A_2630, %add3A_2629, %select_n3A_2620 : vector<64x128xi1>, vector<64x128xf32>
    %jit3A_2632 = arith.constant 41 : i32
    %broadcast_in_dim3A_2633 = vector.broadcast %jit3A_2632 : i32 to vector<64x128xi32>
    %select_n3A_2634 = arith.select %lt3A_2630, %broadcast_in_dim3A_2633, %select_n3A_2623 : vector<64x128xi1>, vector<64x128xi32>
    %slice3A_2635 = vector.extract_strided_slice %get3A_11 {offsets = [0, 5376], sizes = [1, 128], strides = [1, 1]} : vector<1x8192xf32> to vector<1x128xf32>
    %add3A_2636 = vector.broadcast %slice3A_2175 : vector<64x1xf32> to vector<64x128xf32>
    %add3A_2637 = vector.broadcast %slice3A_2635 : vector<1x128xf32> to vector<64x128xf32>
    %add3A_2638 = arith.addf %add3A_2636, %add3A_2637 : vector<64x128xf32>
    %slice3A_2639 = vector.extract_strided_slice %dot_general3A_5 {offsets = [192, 5376], sizes = [64, 128], strides = [1, 1]} : vector<256x8192xf32> to vector<64x128xf32>
    %add3A_2640 = arith.addf %add3A_2638, %slice3A_2639 : vector<64x128xf32>
    %lt3A_2641 = arith.cmpf olt, %add3A_2640, %select_n3A_2631 : vector<64x128xf32>
    %select_n3A_2642 = arith.select %lt3A_2641, %add3A_2640, %select_n3A_2631 : vector<64x128xi1>, vector<64x128xf32>
    %jit3A_2643 = arith.constant 42 : i32
    %broadcast_in_dim3A_2644 = vector.broadcast %jit3A_2643 : i32 to vector<64x128xi32>
    %select_n3A_2645 = arith.select %lt3A_2641, %broadcast_in_dim3A_2644, %select_n3A_2634 : vector<64x128xi1>, vector<64x128xi32>
    %slice3A_2646 = vector.extract_strided_slice %get3A_11 {offsets = [0, 5504], sizes = [1, 128], strides = [1, 1]} : vector<1x8192xf32> to vector<1x128xf32>
    %add3A_2647 = vector.broadcast %slice3A_2175 : vector<64x1xf32> to vector<64x128xf32>
    %add3A_2648 = vector.broadcast %slice3A_2646 : vector<1x128xf32> to vector<64x128xf32>
    %add3A_2649 = arith.addf %add3A_2647, %add3A_2648 : vector<64x128xf32>
    %slice3A_2650 = vector.extract_strided_slice %dot_general3A_5 {offsets = [192, 5504], sizes = [64, 128], strides = [1, 1]} : vector<256x8192xf32> to vector<64x128xf32>
    %add3A_2651 = arith.addf %add3A_2649, %slice3A_2650 : vector<64x128xf32>
    %lt3A_2652 = arith.cmpf olt, %add3A_2651, %select_n3A_2642 : vector<64x128xf32>
    %select_n3A_2653 = arith.select %lt3A_2652, %add3A_2651, %select_n3A_2642 : vector<64x128xi1>, vector<64x128xf32>
    %jit3A_2654 = arith.constant 43 : i32
    %broadcast_in_dim3A_2655 = vector.broadcast %jit3A_2654 : i32 to vector<64x128xi32>
    %select_n3A_2656 = arith.select %lt3A_2652, %broadcast_in_dim3A_2655, %select_n3A_2645 : vector<64x128xi1>, vector<64x128xi32>
    %slice3A_2657 = vector.extract_strided_slice %get3A_11 {offsets = [0, 5632], sizes = [1, 128], strides = [1, 1]} : vector<1x8192xf32> to vector<1x128xf32>
    %add3A_2658 = vector.broadcast %slice3A_2175 : vector<64x1xf32> to vector<64x128xf32>
    %add3A_2659 = vector.broadcast %slice3A_2657 : vector<1x128xf32> to vector<64x128xf32>
    %add3A_2660 = arith.addf %add3A_2658, %add3A_2659 : vector<64x128xf32>
    %slice3A_2661 = vector.extract_strided_slice %dot_general3A_5 {offsets = [192, 5632], sizes = [64, 128], strides = [1, 1]} : vector<256x8192xf32> to vector<64x128xf32>
    %add3A_2662 = arith.addf %add3A_2660, %slice3A_2661 : vector<64x128xf32>
    %lt3A_2663 = arith.cmpf olt, %add3A_2662, %select_n3A_2653 : vector<64x128xf32>
    %select_n3A_2664 = arith.select %lt3A_2663, %add3A_2662, %select_n3A_2653 : vector<64x128xi1>, vector<64x128xf32>
    %jit3A_2665 = arith.constant 44 : i32
    %broadcast_in_dim3A_2666 = vector.broadcast %jit3A_2665 : i32 to vector<64x128xi32>
    %select_n3A_2667 = arith.select %lt3A_2663, %broadcast_in_dim3A_2666, %select_n3A_2656 : vector<64x128xi1>, vector<64x128xi32>
    %slice3A_2668 = vector.extract_strided_slice %get3A_11 {offsets = [0, 5760], sizes = [1, 128], strides = [1, 1]} : vector<1x8192xf32> to vector<1x128xf32>
    %add3A_2669 = vector.broadcast %slice3A_2175 : vector<64x1xf32> to vector<64x128xf32>
    %add3A_2670 = vector.broadcast %slice3A_2668 : vector<1x128xf32> to vector<64x128xf32>
    %add3A_2671 = arith.addf %add3A_2669, %add3A_2670 : vector<64x128xf32>
    %slice3A_2672 = vector.extract_strided_slice %dot_general3A_5 {offsets = [192, 5760], sizes = [64, 128], strides = [1, 1]} : vector<256x8192xf32> to vector<64x128xf32>
    %add3A_2673 = arith.addf %add3A_2671, %slice3A_2672 : vector<64x128xf32>
    %lt3A_2674 = arith.cmpf olt, %add3A_2673, %select_n3A_2664 : vector<64x128xf32>
    %select_n3A_2675 = arith.select %lt3A_2674, %add3A_2673, %select_n3A_2664 : vector<64x128xi1>, vector<64x128xf32>
    %jit3A_2676 = arith.constant 45 : i32
    %broadcast_in_dim3A_2677 = vector.broadcast %jit3A_2676 : i32 to vector<64x128xi32>
    %select_n3A_2678 = arith.select %lt3A_2674, %broadcast_in_dim3A_2677, %select_n3A_2667 : vector<64x128xi1>, vector<64x128xi32>
    %slice3A_2679 = vector.extract_strided_slice %get3A_11 {offsets = [0, 5888], sizes = [1, 128], strides = [1, 1]} : vector<1x8192xf32> to vector<1x128xf32>
    %add3A_2680 = vector.broadcast %slice3A_2175 : vector<64x1xf32> to vector<64x128xf32>
    %add3A_2681 = vector.broadcast %slice3A_2679 : vector<1x128xf32> to vector<64x128xf32>
    %add3A_2682 = arith.addf %add3A_2680, %add3A_2681 : vector<64x128xf32>
    %slice3A_2683 = vector.extract_strided_slice %dot_general3A_5 {offsets = [192, 5888], sizes = [64, 128], strides = [1, 1]} : vector<256x8192xf32> to vector<64x128xf32>
    %add3A_2684 = arith.addf %add3A_2682, %slice3A_2683 : vector<64x128xf32>
    %lt3A_2685 = arith.cmpf olt, %add3A_2684, %select_n3A_2675 : vector<64x128xf32>
    %select_n3A_2686 = arith.select %lt3A_2685, %add3A_2684, %select_n3A_2675 : vector<64x128xi1>, vector<64x128xf32>
    %jit3A_2687 = arith.constant 46 : i32
    %broadcast_in_dim3A_2688 = vector.broadcast %jit3A_2687 : i32 to vector<64x128xi32>
    %select_n3A_2689 = arith.select %lt3A_2685, %broadcast_in_dim3A_2688, %select_n3A_2678 : vector<64x128xi1>, vector<64x128xi32>
    %slice3A_2690 = vector.extract_strided_slice %get3A_11 {offsets = [0, 6016], sizes = [1, 128], strides = [1, 1]} : vector<1x8192xf32> to vector<1x128xf32>
    %add3A_2691 = vector.broadcast %slice3A_2175 : vector<64x1xf32> to vector<64x128xf32>
    %add3A_2692 = vector.broadcast %slice3A_2690 : vector<1x128xf32> to vector<64x128xf32>
    %add3A_2693 = arith.addf %add3A_2691, %add3A_2692 : vector<64x128xf32>
    %slice3A_2694 = vector.extract_strided_slice %dot_general3A_5 {offsets = [192, 6016], sizes = [64, 128], strides = [1, 1]} : vector<256x8192xf32> to vector<64x128xf32>
    %add3A_2695 = arith.addf %add3A_2693, %slice3A_2694 : vector<64x128xf32>
    %lt3A_2696 = arith.cmpf olt, %add3A_2695, %select_n3A_2686 : vector<64x128xf32>
    %select_n3A_2697 = arith.select %lt3A_2696, %add3A_2695, %select_n3A_2686 : vector<64x128xi1>, vector<64x128xf32>
    %jit3A_2698 = arith.constant 47 : i32
    %broadcast_in_dim3A_2699 = vector.broadcast %jit3A_2698 : i32 to vector<64x128xi32>
    %select_n3A_2700 = arith.select %lt3A_2696, %broadcast_in_dim3A_2699, %select_n3A_2689 : vector<64x128xi1>, vector<64x128xi32>
    %slice3A_2701 = vector.extract_strided_slice %get3A_11 {offsets = [0, 6144], sizes = [1, 128], strides = [1, 1]} : vector<1x8192xf32> to vector<1x128xf32>
    %add3A_2702 = vector.broadcast %slice3A_2175 : vector<64x1xf32> to vector<64x128xf32>
    %add3A_2703 = vector.broadcast %slice3A_2701 : vector<1x128xf32> to vector<64x128xf32>
    %add3A_2704 = arith.addf %add3A_2702, %add3A_2703 : vector<64x128xf32>
    %slice3A_2705 = vector.extract_strided_slice %dot_general3A_5 {offsets = [192, 6144], sizes = [64, 128], strides = [1, 1]} : vector<256x8192xf32> to vector<64x128xf32>
    %add3A_2706 = arith.addf %add3A_2704, %slice3A_2705 : vector<64x128xf32>
    %lt3A_2707 = arith.cmpf olt, %add3A_2706, %select_n3A_2697 : vector<64x128xf32>
    %select_n3A_2708 = arith.select %lt3A_2707, %add3A_2706, %select_n3A_2697 : vector<64x128xi1>, vector<64x128xf32>
    %jit3A_2709 = arith.constant 48 : i32
    %broadcast_in_dim3A_2710 = vector.broadcast %jit3A_2709 : i32 to vector<64x128xi32>
    %select_n3A_2711 = arith.select %lt3A_2707, %broadcast_in_dim3A_2710, %select_n3A_2700 : vector<64x128xi1>, vector<64x128xi32>
    %slice3A_2712 = vector.extract_strided_slice %get3A_11 {offsets = [0, 6272], sizes = [1, 128], strides = [1, 1]} : vector<1x8192xf32> to vector<1x128xf32>
    %add3A_2713 = vector.broadcast %slice3A_2175 : vector<64x1xf32> to vector<64x128xf32>
    %add3A_2714 = vector.broadcast %slice3A_2712 : vector<1x128xf32> to vector<64x128xf32>
    %add3A_2715 = arith.addf %add3A_2713, %add3A_2714 : vector<64x128xf32>
    %slice3A_2716 = vector.extract_strided_slice %dot_general3A_5 {offsets = [192, 6272], sizes = [64, 128], strides = [1, 1]} : vector<256x8192xf32> to vector<64x128xf32>
    %add3A_2717 = arith.addf %add3A_2715, %slice3A_2716 : vector<64x128xf32>
    %lt3A_2718 = arith.cmpf olt, %add3A_2717, %select_n3A_2708 : vector<64x128xf32>
    %select_n3A_2719 = arith.select %lt3A_2718, %add3A_2717, %select_n3A_2708 : vector<64x128xi1>, vector<64x128xf32>
    %jit3A_2720 = arith.constant 49 : i32
    %broadcast_in_dim3A_2721 = vector.broadcast %jit3A_2720 : i32 to vector<64x128xi32>
    %select_n3A_2722 = arith.select %lt3A_2718, %broadcast_in_dim3A_2721, %select_n3A_2711 : vector<64x128xi1>, vector<64x128xi32>
    %slice3A_2723 = vector.extract_strided_slice %get3A_11 {offsets = [0, 6400], sizes = [1, 128], strides = [1, 1]} : vector<1x8192xf32> to vector<1x128xf32>
    %add3A_2724 = vector.broadcast %slice3A_2175 : vector<64x1xf32> to vector<64x128xf32>
    %add3A_2725 = vector.broadcast %slice3A_2723 : vector<1x128xf32> to vector<64x128xf32>
    %add3A_2726 = arith.addf %add3A_2724, %add3A_2725 : vector<64x128xf32>
    %slice3A_2727 = vector.extract_strided_slice %dot_general3A_5 {offsets = [192, 6400], sizes = [64, 128], strides = [1, 1]} : vector<256x8192xf32> to vector<64x128xf32>
    %add3A_2728 = arith.addf %add3A_2726, %slice3A_2727 : vector<64x128xf32>
    %lt3A_2729 = arith.cmpf olt, %add3A_2728, %select_n3A_2719 : vector<64x128xf32>
    %select_n3A_2730 = arith.select %lt3A_2729, %add3A_2728, %select_n3A_2719 : vector<64x128xi1>, vector<64x128xf32>
    %jit3A_2731 = arith.constant 50 : i32
    %broadcast_in_dim3A_2732 = vector.broadcast %jit3A_2731 : i32 to vector<64x128xi32>
    %select_n3A_2733 = arith.select %lt3A_2729, %broadcast_in_dim3A_2732, %select_n3A_2722 : vector<64x128xi1>, vector<64x128xi32>
    %slice3A_2734 = vector.extract_strided_slice %get3A_11 {offsets = [0, 6528], sizes = [1, 128], strides = [1, 1]} : vector<1x8192xf32> to vector<1x128xf32>
    %add3A_2735 = vector.broadcast %slice3A_2175 : vector<64x1xf32> to vector<64x128xf32>
    %add3A_2736 = vector.broadcast %slice3A_2734 : vector<1x128xf32> to vector<64x128xf32>
    %add3A_2737 = arith.addf %add3A_2735, %add3A_2736 : vector<64x128xf32>
    %slice3A_2738 = vector.extract_strided_slice %dot_general3A_5 {offsets = [192, 6528], sizes = [64, 128], strides = [1, 1]} : vector<256x8192xf32> to vector<64x128xf32>
    %add3A_2739 = arith.addf %add3A_2737, %slice3A_2738 : vector<64x128xf32>
    %lt3A_2740 = arith.cmpf olt, %add3A_2739, %select_n3A_2730 : vector<64x128xf32>
    %select_n3A_2741 = arith.select %lt3A_2740, %add3A_2739, %select_n3A_2730 : vector<64x128xi1>, vector<64x128xf32>
    %jit3A_2742 = arith.constant 51 : i32
    %broadcast_in_dim3A_2743 = vector.broadcast %jit3A_2742 : i32 to vector<64x128xi32>
    %select_n3A_2744 = arith.select %lt3A_2740, %broadcast_in_dim3A_2743, %select_n3A_2733 : vector<64x128xi1>, vector<64x128xi32>
    %slice3A_2745 = vector.extract_strided_slice %get3A_11 {offsets = [0, 6656], sizes = [1, 128], strides = [1, 1]} : vector<1x8192xf32> to vector<1x128xf32>
    %add3A_2746 = vector.broadcast %slice3A_2175 : vector<64x1xf32> to vector<64x128xf32>
    %add3A_2747 = vector.broadcast %slice3A_2745 : vector<1x128xf32> to vector<64x128xf32>
    %add3A_2748 = arith.addf %add3A_2746, %add3A_2747 : vector<64x128xf32>
    %slice3A_2749 = vector.extract_strided_slice %dot_general3A_5 {offsets = [192, 6656], sizes = [64, 128], strides = [1, 1]} : vector<256x8192xf32> to vector<64x128xf32>
    %add3A_2750 = arith.addf %add3A_2748, %slice3A_2749 : vector<64x128xf32>
    %lt3A_2751 = arith.cmpf olt, %add3A_2750, %select_n3A_2741 : vector<64x128xf32>
    %select_n3A_2752 = arith.select %lt3A_2751, %add3A_2750, %select_n3A_2741 : vector<64x128xi1>, vector<64x128xf32>
    %jit3A_2753 = arith.constant 52 : i32
    %broadcast_in_dim3A_2754 = vector.broadcast %jit3A_2753 : i32 to vector<64x128xi32>
    %select_n3A_2755 = arith.select %lt3A_2751, %broadcast_in_dim3A_2754, %select_n3A_2744 : vector<64x128xi1>, vector<64x128xi32>
    %slice3A_2756 = vector.extract_strided_slice %get3A_11 {offsets = [0, 6784], sizes = [1, 128], strides = [1, 1]} : vector<1x8192xf32> to vector<1x128xf32>
    %add3A_2757 = vector.broadcast %slice3A_2175 : vector<64x1xf32> to vector<64x128xf32>
    %add3A_2758 = vector.broadcast %slice3A_2756 : vector<1x128xf32> to vector<64x128xf32>
    %add3A_2759 = arith.addf %add3A_2757, %add3A_2758 : vector<64x128xf32>
    %slice3A_2760 = vector.extract_strided_slice %dot_general3A_5 {offsets = [192, 6784], sizes = [64, 128], strides = [1, 1]} : vector<256x8192xf32> to vector<64x128xf32>
    %add3A_2761 = arith.addf %add3A_2759, %slice3A_2760 : vector<64x128xf32>
    %lt3A_2762 = arith.cmpf olt, %add3A_2761, %select_n3A_2752 : vector<64x128xf32>
    %select_n3A_2763 = arith.select %lt3A_2762, %add3A_2761, %select_n3A_2752 : vector<64x128xi1>, vector<64x128xf32>
    %jit3A_2764 = arith.constant 53 : i32
    %broadcast_in_dim3A_2765 = vector.broadcast %jit3A_2764 : i32 to vector<64x128xi32>
    %select_n3A_2766 = arith.select %lt3A_2762, %broadcast_in_dim3A_2765, %select_n3A_2755 : vector<64x128xi1>, vector<64x128xi32>
    %slice3A_2767 = vector.extract_strided_slice %get3A_11 {offsets = [0, 6912], sizes = [1, 128], strides = [1, 1]} : vector<1x8192xf32> to vector<1x128xf32>
    %add3A_2768 = vector.broadcast %slice3A_2175 : vector<64x1xf32> to vector<64x128xf32>
    %add3A_2769 = vector.broadcast %slice3A_2767 : vector<1x128xf32> to vector<64x128xf32>
    %add3A_2770 = arith.addf %add3A_2768, %add3A_2769 : vector<64x128xf32>
    %slice3A_2771 = vector.extract_strided_slice %dot_general3A_5 {offsets = [192, 6912], sizes = [64, 128], strides = [1, 1]} : vector<256x8192xf32> to vector<64x128xf32>
    %add3A_2772 = arith.addf %add3A_2770, %slice3A_2771 : vector<64x128xf32>
    %lt3A_2773 = arith.cmpf olt, %add3A_2772, %select_n3A_2763 : vector<64x128xf32>
    %select_n3A_2774 = arith.select %lt3A_2773, %add3A_2772, %select_n3A_2763 : vector<64x128xi1>, vector<64x128xf32>
    %jit3A_2775 = arith.constant 54 : i32
    %broadcast_in_dim3A_2776 = vector.broadcast %jit3A_2775 : i32 to vector<64x128xi32>
    %select_n3A_2777 = arith.select %lt3A_2773, %broadcast_in_dim3A_2776, %select_n3A_2766 : vector<64x128xi1>, vector<64x128xi32>
    %slice3A_2778 = vector.extract_strided_slice %get3A_11 {offsets = [0, 7040], sizes = [1, 128], strides = [1, 1]} : vector<1x8192xf32> to vector<1x128xf32>
    %add3A_2779 = vector.broadcast %slice3A_2175 : vector<64x1xf32> to vector<64x128xf32>
    %add3A_2780 = vector.broadcast %slice3A_2778 : vector<1x128xf32> to vector<64x128xf32>
    %add3A_2781 = arith.addf %add3A_2779, %add3A_2780 : vector<64x128xf32>
    %slice3A_2782 = vector.extract_strided_slice %dot_general3A_5 {offsets = [192, 7040], sizes = [64, 128], strides = [1, 1]} : vector<256x8192xf32> to vector<64x128xf32>
    %add3A_2783 = arith.addf %add3A_2781, %slice3A_2782 : vector<64x128xf32>
    %lt3A_2784 = arith.cmpf olt, %add3A_2783, %select_n3A_2774 : vector<64x128xf32>
    %select_n3A_2785 = arith.select %lt3A_2784, %add3A_2783, %select_n3A_2774 : vector<64x128xi1>, vector<64x128xf32>
    %jit3A_2786 = arith.constant 55 : i32
    %broadcast_in_dim3A_2787 = vector.broadcast %jit3A_2786 : i32 to vector<64x128xi32>
    %select_n3A_2788 = arith.select %lt3A_2784, %broadcast_in_dim3A_2787, %select_n3A_2777 : vector<64x128xi1>, vector<64x128xi32>
    %slice3A_2789 = vector.extract_strided_slice %get3A_11 {offsets = [0, 7168], sizes = [1, 128], strides = [1, 1]} : vector<1x8192xf32> to vector<1x128xf32>
    %add3A_2790 = vector.broadcast %slice3A_2175 : vector<64x1xf32> to vector<64x128xf32>
    %add3A_2791 = vector.broadcast %slice3A_2789 : vector<1x128xf32> to vector<64x128xf32>
    %add3A_2792 = arith.addf %add3A_2790, %add3A_2791 : vector<64x128xf32>
    %slice3A_2793 = vector.extract_strided_slice %dot_general3A_5 {offsets = [192, 7168], sizes = [64, 128], strides = [1, 1]} : vector<256x8192xf32> to vector<64x128xf32>
    %add3A_2794 = arith.addf %add3A_2792, %slice3A_2793 : vector<64x128xf32>
    %lt3A_2795 = arith.cmpf olt, %add3A_2794, %select_n3A_2785 : vector<64x128xf32>
    %select_n3A_2796 = arith.select %lt3A_2795, %add3A_2794, %select_n3A_2785 : vector<64x128xi1>, vector<64x128xf32>
    %jit3A_2797 = arith.constant 56 : i32
    %broadcast_in_dim3A_2798 = vector.broadcast %jit3A_2797 : i32 to vector<64x128xi32>
    %select_n3A_2799 = arith.select %lt3A_2795, %broadcast_in_dim3A_2798, %select_n3A_2788 : vector<64x128xi1>, vector<64x128xi32>
    %slice3A_2800 = vector.extract_strided_slice %get3A_11 {offsets = [0, 7296], sizes = [1, 128], strides = [1, 1]} : vector<1x8192xf32> to vector<1x128xf32>
    %add3A_2801 = vector.broadcast %slice3A_2175 : vector<64x1xf32> to vector<64x128xf32>
    %add3A_2802 = vector.broadcast %slice3A_2800 : vector<1x128xf32> to vector<64x128xf32>
    %add3A_2803 = arith.addf %add3A_2801, %add3A_2802 : vector<64x128xf32>
    %slice3A_2804 = vector.extract_strided_slice %dot_general3A_5 {offsets = [192, 7296], sizes = [64, 128], strides = [1, 1]} : vector<256x8192xf32> to vector<64x128xf32>
    %add3A_2805 = arith.addf %add3A_2803, %slice3A_2804 : vector<64x128xf32>
    %lt3A_2806 = arith.cmpf olt, %add3A_2805, %select_n3A_2796 : vector<64x128xf32>
    %select_n3A_2807 = arith.select %lt3A_2806, %add3A_2805, %select_n3A_2796 : vector<64x128xi1>, vector<64x128xf32>
    %jit3A_2808 = arith.constant 57 : i32
    %broadcast_in_dim3A_2809 = vector.broadcast %jit3A_2808 : i32 to vector<64x128xi32>
    %select_n3A_2810 = arith.select %lt3A_2806, %broadcast_in_dim3A_2809, %select_n3A_2799 : vector<64x128xi1>, vector<64x128xi32>
    %slice3A_2811 = vector.extract_strided_slice %get3A_11 {offsets = [0, 7424], sizes = [1, 128], strides = [1, 1]} : vector<1x8192xf32> to vector<1x128xf32>
    %add3A_2812 = vector.broadcast %slice3A_2175 : vector<64x1xf32> to vector<64x128xf32>
    %add3A_2813 = vector.broadcast %slice3A_2811 : vector<1x128xf32> to vector<64x128xf32>
    %add3A_2814 = arith.addf %add3A_2812, %add3A_2813 : vector<64x128xf32>
    %slice3A_2815 = vector.extract_strided_slice %dot_general3A_5 {offsets = [192, 7424], sizes = [64, 128], strides = [1, 1]} : vector<256x8192xf32> to vector<64x128xf32>
    %add3A_2816 = arith.addf %add3A_2814, %slice3A_2815 : vector<64x128xf32>
    %lt3A_2817 = arith.cmpf olt, %add3A_2816, %select_n3A_2807 : vector<64x128xf32>
    %select_n3A_2818 = arith.select %lt3A_2817, %add3A_2816, %select_n3A_2807 : vector<64x128xi1>, vector<64x128xf32>
    %jit3A_2819 = arith.constant 58 : i32
    %broadcast_in_dim3A_2820 = vector.broadcast %jit3A_2819 : i32 to vector<64x128xi32>
    %select_n3A_2821 = arith.select %lt3A_2817, %broadcast_in_dim3A_2820, %select_n3A_2810 : vector<64x128xi1>, vector<64x128xi32>
    %slice3A_2822 = vector.extract_strided_slice %get3A_11 {offsets = [0, 7552], sizes = [1, 128], strides = [1, 1]} : vector<1x8192xf32> to vector<1x128xf32>
    %add3A_2823 = vector.broadcast %slice3A_2175 : vector<64x1xf32> to vector<64x128xf32>
    %add3A_2824 = vector.broadcast %slice3A_2822 : vector<1x128xf32> to vector<64x128xf32>
    %add3A_2825 = arith.addf %add3A_2823, %add3A_2824 : vector<64x128xf32>
    %slice3A_2826 = vector.extract_strided_slice %dot_general3A_5 {offsets = [192, 7552], sizes = [64, 128], strides = [1, 1]} : vector<256x8192xf32> to vector<64x128xf32>
    %add3A_2827 = arith.addf %add3A_2825, %slice3A_2826 : vector<64x128xf32>
    %lt3A_2828 = arith.cmpf olt, %add3A_2827, %select_n3A_2818 : vector<64x128xf32>
    %select_n3A_2829 = arith.select %lt3A_2828, %add3A_2827, %select_n3A_2818 : vector<64x128xi1>, vector<64x128xf32>
    %jit3A_2830 = arith.constant 59 : i32
    %broadcast_in_dim3A_2831 = vector.broadcast %jit3A_2830 : i32 to vector<64x128xi32>
    %select_n3A_2832 = arith.select %lt3A_2828, %broadcast_in_dim3A_2831, %select_n3A_2821 : vector<64x128xi1>, vector<64x128xi32>
    %slice3A_2833 = vector.extract_strided_slice %get3A_11 {offsets = [0, 7680], sizes = [1, 128], strides = [1, 1]} : vector<1x8192xf32> to vector<1x128xf32>
    %add3A_2834 = vector.broadcast %slice3A_2175 : vector<64x1xf32> to vector<64x128xf32>
    %add3A_2835 = vector.broadcast %slice3A_2833 : vector<1x128xf32> to vector<64x128xf32>
    %add3A_2836 = arith.addf %add3A_2834, %add3A_2835 : vector<64x128xf32>
    %slice3A_2837 = vector.extract_strided_slice %dot_general3A_5 {offsets = [192, 7680], sizes = [64, 128], strides = [1, 1]} : vector<256x8192xf32> to vector<64x128xf32>
    %add3A_2838 = arith.addf %add3A_2836, %slice3A_2837 : vector<64x128xf32>
    %lt3A_2839 = arith.cmpf olt, %add3A_2838, %select_n3A_2829 : vector<64x128xf32>
    %select_n3A_2840 = arith.select %lt3A_2839, %add3A_2838, %select_n3A_2829 : vector<64x128xi1>, vector<64x128xf32>
    %jit3A_2841 = arith.constant 60 : i32
    %broadcast_in_dim3A_2842 = vector.broadcast %jit3A_2841 : i32 to vector<64x128xi32>
    %select_n3A_2843 = arith.select %lt3A_2839, %broadcast_in_dim3A_2842, %select_n3A_2832 : vector<64x128xi1>, vector<64x128xi32>
    %slice3A_2844 = vector.extract_strided_slice %get3A_11 {offsets = [0, 7808], sizes = [1, 128], strides = [1, 1]} : vector<1x8192xf32> to vector<1x128xf32>
    %add3A_2845 = vector.broadcast %slice3A_2175 : vector<64x1xf32> to vector<64x128xf32>
    %add3A_2846 = vector.broadcast %slice3A_2844 : vector<1x128xf32> to vector<64x128xf32>
    %add3A_2847 = arith.addf %add3A_2845, %add3A_2846 : vector<64x128xf32>
    %slice3A_2848 = vector.extract_strided_slice %dot_general3A_5 {offsets = [192, 7808], sizes = [64, 128], strides = [1, 1]} : vector<256x8192xf32> to vector<64x128xf32>
    %add3A_2849 = arith.addf %add3A_2847, %slice3A_2848 : vector<64x128xf32>
    %lt3A_2850 = arith.cmpf olt, %add3A_2849, %select_n3A_2840 : vector<64x128xf32>
    %select_n3A_2851 = arith.select %lt3A_2850, %add3A_2849, %select_n3A_2840 : vector<64x128xi1>, vector<64x128xf32>
    %jit3A_2852 = arith.constant 61 : i32
    %broadcast_in_dim3A_2853 = vector.broadcast %jit3A_2852 : i32 to vector<64x128xi32>
    %select_n3A_2854 = arith.select %lt3A_2850, %broadcast_in_dim3A_2853, %select_n3A_2843 : vector<64x128xi1>, vector<64x128xi32>
    %slice3A_2855 = vector.extract_strided_slice %get3A_11 {offsets = [0, 7936], sizes = [1, 128], strides = [1, 1]} : vector<1x8192xf32> to vector<1x128xf32>
    %add3A_2856 = vector.broadcast %slice3A_2175 : vector<64x1xf32> to vector<64x128xf32>
    %add3A_2857 = vector.broadcast %slice3A_2855 : vector<1x128xf32> to vector<64x128xf32>
    %add3A_2858 = arith.addf %add3A_2856, %add3A_2857 : vector<64x128xf32>
    %slice3A_2859 = vector.extract_strided_slice %dot_general3A_5 {offsets = [192, 7936], sizes = [64, 128], strides = [1, 1]} : vector<256x8192xf32> to vector<64x128xf32>
    %add3A_2860 = arith.addf %add3A_2858, %slice3A_2859 : vector<64x128xf32>
    %lt3A_2861 = arith.cmpf olt, %add3A_2860, %select_n3A_2851 : vector<64x128xf32>
    %select_n3A_2862 = arith.select %lt3A_2861, %add3A_2860, %select_n3A_2851 : vector<64x128xi1>, vector<64x128xf32>
    %jit3A_2863 = arith.constant 62 : i32
    %broadcast_in_dim3A_2864 = vector.broadcast %jit3A_2863 : i32 to vector<64x128xi32>
    %select_n3A_2865 = arith.select %lt3A_2861, %broadcast_in_dim3A_2864, %select_n3A_2854 : vector<64x128xi1>, vector<64x128xi32>
    %slice3A_2866 = vector.extract_strided_slice %get3A_11 {offsets = [0, 8064], sizes = [1, 128], strides = [1, 1]} : vector<1x8192xf32> to vector<1x128xf32>
    %add3A_2867 = vector.broadcast %slice3A_2175 : vector<64x1xf32> to vector<64x128xf32>
    %add3A_2868 = vector.broadcast %slice3A_2866 : vector<1x128xf32> to vector<64x128xf32>
    %add3A_2869 = arith.addf %add3A_2867, %add3A_2868 : vector<64x128xf32>
    %slice3A_2870 = vector.extract_strided_slice %dot_general3A_5 {offsets = [192, 8064], sizes = [64, 128], strides = [1, 1]} : vector<256x8192xf32> to vector<64x128xf32>
    %add3A_2871 = arith.addf %add3A_2869, %slice3A_2870 : vector<64x128xf32>
    %lt3A_2872 = arith.cmpf olt, %add3A_2871, %select_n3A_2862 : vector<64x128xf32>
    %select_n3A_2873 = arith.select %lt3A_2872, %add3A_2871, %select_n3A_2862 : vector<64x128xi1>, vector<64x128xf32>
    %jit3A_2874 = arith.constant 63 : i32
    %broadcast_in_dim3A_2875 = vector.broadcast %jit3A_2874 : i32 to vector<64x128xi32>
    %select_n3A_2876 = arith.select %lt3A_2872, %broadcast_in_dim3A_2875, %select_n3A_2865 : vector<64x128xi1>, vector<64x128xi32>
    %reduce_min3A_2877 = arith.constant dense<0x7F800000> : vector<64xf32>
    %reduce_min3A_2878 = vector.multi_reduction <minimumf>, %select_n3A_2873, %reduce_min3A_2877 [1] : vector<64x128xf32> to vector<64xf32>
    %broadcast_in_dim3A_2879 = vector.shape_cast %reduce_min3A_2878 : vector<64xf32> to vector<64x1xf32>
    %convert_element_type3A_2880 = arith.sitofp %select_n3A_2876 : vector<64x128xi32> to vector<64x128xf32>
    %mul3A_2881 = arith.constant 1.280000e+02 : f32
    %mul3A_2882 = vector.broadcast %mul3A_2881 : f32 to vector<64x128xf32>
    %mul3A_2883 = arith.mulf %convert_element_type3A_2880, %mul3A_2882 : vector<64x128xf32>
    %add3A_2884 = arith.addf %mul3A_2883, %convert_element_type3A : vector<64x128xf32>
    %eq3A_2885 = vector.broadcast %broadcast_in_dim3A_2879 : vector<64x1xf32> to vector<64x128xf32>
    %eq3A_2886 = arith.cmpf oeq, %select_n3A_2873, %eq3A_2885 : vector<64x128xf32>
    %jit3A_2887 = arith.constant 8.192000e+03 : f32
    %broadcast_in_dim3A_2888 = vector.broadcast %jit3A_2887 : f32 to vector<64x128xf32>
    %select_n3A_2889 = arith.select %eq3A_2886, %add3A_2884, %broadcast_in_dim3A_2888 : vector<64x128xi1>, vector<64x128xf32>
    %reduce_min3A_2890 = arith.constant dense<0x7F800000> : vector<64xf32>
    %reduce_min3A_2891 = vector.multi_reduction <minimumf>, %select_n3A_2889, %reduce_min3A_2890 [1] : vector<64x128xf32> to vector<64xf32>
    %convert_element_type3A_2892 = arith.fptosi %reduce_min3A_2891 : vector<64xf32> to vector<64xi32>
    %reduce_sum3A_2893 = vector.shape_cast %broadcast_in_dim3A_2879 : vector<64x1xf32> to vector<1x64x1xf32>
    %reduce_sum3A_2894 = arith.constant dense<0.000000e+00> : vector<1xf32>
    %reduce_sum3A_2895 = vector.multi_reduction <add>, %reduce_sum3A_2893, %reduce_sum3A_2894 [1, 2] : vector<1x64x1xf32> to vector<1xf32>
    %reduce_sum3A_2896 = vector.shape_cast %reduce_sum3A_2895 : vector<1xf32> to vector<1x1x1xf32>
    %reduce_sum3A_2897 = vector.extract %reduce_sum3A_2896[0, 0, 0] : f32 from vector<1x1x1xf32>
    %add3A_2898 = arith.addf %add3A_2174, %reduce_sum3A_2897 : f32
    %concatenate3A = tpu.concatenate %convert_element_type3A_720, %convert_element_type3A_1444, %convert_element_type3A_2168, %convert_element_type3A_2892 in 0 : vector<64xi32>, vector<64xi32>, vector<64xi32>, vector<64xi32> -> vector<256xi32>
    %swap3A = arith.constant 0 : index
    %swap3A_2899 = arith.constant 0 : index
    %swap3A_2900 = arith.constant 0 : index
    %swap3A_2901 = vector.load %arg5[%swap3A, %swap3A_2899, %swap3A_2900] : memref<1x1x256xi32, #tpu.memory_space<vmem>>, vector<1x1x256xi32>
    %swap3A_2902 = vector.shape_cast %swap3A_2901 : vector<1x1x256xi32> to vector<256xi32>
    %swap3A_2903 = vector.shape_cast %concatenate3A : vector<256xi32> to vector<1x1x256xi32>
    tpu.vector_store %arg5[%swap3A, %swap3A_2899, %swap3A_2900], %swap3A_2903 {strides = array<i32>} : memref<1x1x256xi32, #tpu.memory_space<vmem>>, vector<1x1x256xi32>,
    %swap3A_2904 = arith.constant 0 : index
    %swap3A_2905 = arith.constant 0 : index
    %swap3A_2906 = arith.constant 0 : index
    %swap3A_2907 = memref.load %arg6[%swap3A_2904, %swap3A_2905, %swap3A_2906] : memref<1x1x1xf32, #tpu.memory_space<smem>>
    memref.store %add3A_2898, %arg6[%swap3A_2904, %swap3A_2905, %swap3A_2906] : memref<1x1x1xf32, #tpu.memory_space<smem>>
    return
  }
  func.func @transform_0(%arg0: i32) -> (i32, i32) {
    %c0_i32 = arith.constant 0 : i32
    %c0_i32_0 = arith.constant 0 : i32
    return %arg0, %c0_i32 : i32, i32
  }
  func.func @transform_1(%arg0: i32) -> (i32, i32) {
    %c0_i32 = arith.constant 0 : i32
    %c0_i32_0 = arith.constant 0 : i32
    %c0_i32_1 = arith.constant 0 : i32
    return %c0_i32, %c0_i32_0 : i32, i32
  }
  func.func @transform_2(%arg0: i32) -> (i32, i32) {
    %c0_i32 = arith.constant 0 : i32
    %c0_i32_0 = arith.constant 0 : i32
    return %arg0, %c0_i32 : i32, i32
  }
  func.func @transform_3(%arg0: i32) -> (i32, i32) {
    %c0_i32 = arith.constant 0 : i32
    %c0_i32_0 = arith.constant 0 : i32
    %c0_i32_1 = arith.constant 0 : i32
    return %c0_i32, %c0_i32_0 : i32, i32
  }
  func.func @transform_4(%arg0: i32) -> (i32, i32, i32) {
    %c0_i32 = arith.constant 0 : i32
    %c0_i32_0 = arith.constant 0 : i32
    %c0_i32_1 = arith.constant 0 : i32
    return %arg0, %c0_i32, %c0_i32_0 : i32, i32, i32
  }
  func.func @transform_5(%arg0: i32) -> (i32, i32, i32) {
    %c0_i32 = arith.constant 0 : i32
    %c0_i32_0 = arith.constant 0 : i32
    %c0_i32_1 = arith.constant 0 : i32
    return %arg0, %c0_i32, %c0_i32_0 : i32, i32, i32
  }
}

</mosaic_0001>

<sc_bundles>
// kernel: kernel.4.cloned.1.call-start
scs
__scs_entry_jumppad:
0x0: {  	(pc) =	sbr.rel $0x88, $3  }
0x1: {  	(tag) =	ssettag $0x0;
	lr =	simm.s32 $0x1  }
0x2: {  	[smem:$0x3F9F] =	sst lr;
	_ =	strace $0xD0000000  }
0x3: {  	_ = 	snop  }
0x4: {  	_ = 	snop  }
0x5: {  	_ = 	snop  }
0x6: {  	_ = 	snop  }
0x7: {  	_ = 	snop  }
__scs_overlays_trampoline_lowered:
0x8: {  	[smem:$0x3FAE] =	sst s0  }
0x9: {  	[smem:$0x3FAF] =	sst s1  }
0xa: {  	[smem:$0x3FB0] =	sst s2  }
0xb: {  	[smem:$0x3FB1] =	sst s3  }
0xc: {  	[smem:$0x3FB2] =	sst s4  }
0xd: {  	[smem:$0x3FB3] =	sst s5  }
0xe: {  	[smem:$0x3FB4] =	sst s6  }
0xf: {  	[smem:$0x3FB5] =	sst s7  }
0x10: {  	[smem:$0x3FB6] =	sst s8  }
0x11: {  	[smem:$0x3FB7] =	sst s9;
	s0 =	simm.s32 @!p0 $0x0  }
0x12: {  	s1 =	sld [smem:$0x3F9D];
	s0 =	simm.s32 @p0 $0x1  }
0x13: {  	[smem:$0x3FB8] =	sst s0;
	s0 =	simm.s32 @!p1 $0x0  }
0x14: {  	s2 =	sld [smem:$0x3F9C];
	s0 =	simm.s32 @p1 $0x1  }
0x15: {  	[smem:$0x3FB9] =	sst s0;
	s0 =	simm.s32 @!p2 $0x0  }
0x16: {  	s3 =	sld [smem:$0x3FDB];
	s0 =	simm.s32 @p2 $0x1  }
0x17: {  	s4 =	simm.s32 $0x1BF5;
	[smem:$0x3FBB] =	sst s0  }
0x18: {  	s0 =	sld [smem:$0x3F9E];
	_ =	swait.ge [sflag:s4], $0x0  }
0x19: {  	s7 =	sld [smem:$0x3F9F]  }
0x1a: {  	s8 =	sadd.s32 $0xFFFFE003, lr  }
0x1b: {  	s9 =	sadd.s32 $0xFFFFFEF7, lr;
	s5 =	simm.s32 $0xFFFFFFFF;
	p2 =	slt.u32 s8, $0xFFFFF086  }
0x1c: {  	p1 =	slt.u32 s9, $0xF7A;
	s5 =	simm.s32 @!p2 $0x0  }
0x1d: {  	s5 =	simm.s32 @p1 $0x1;
	p0 =	seq.s32 s7, s2  }
0x1e: {  	s7 =	smul.u32 @!p0 $0xF7A, s2;
	p2 =	seq.s32 @!p0 s5, $0x0  }
0x1f: {  	s9 =	smul.u32 $0xF7A, s1;
	s8 =	simm.s32 @!p0 $0x1BF5;
	p2 =	por !p2, p0  }
0x20: {  	[sflag:s8] =	ssyncset.s32 @!p0 $0xFFFFF086;
	s6 =	sadd.s32 @!p0 s3, s7;
	s7 =	simm.s32 @!p0 $0x108  }
0x21: {  	s3 =	sadd.s32 s3, s9;
	s6 =	sadd.s32 @!p0 $0x88, s6;
	s7 =	simm.s32 @p2 $0x1082  }
0x22: {  	[simem:s7], [sflag:s8] =	dma.local @!p0 [hbm:s6], $0xF7A  }
0x23: {  	s9 =	sor.u32 $0xD0000000, s2;
	s6 =	simm.s32 $0x108;
	_ =	swait.ge @!p0 [sflag:s8], $0x0  }
0x24: {  	s3 =	sadd.s32 $0x88, s3;
	s6 =	simm.s32 @!p1 $0x1082;
	[sflag:s4] =	ssyncset.s32 $0xFFFFF086  }
0x25: {  	[simem:s6], [sflag:s4] =	dma.local [hbm:s3], $0xF7A  }
0x26: {  	[smem:$0x3F9F] =	sst s1;
	(tag) =	ssettag s2;
	_ =	strace s9  }
0x27: {  	s1 =	sld [smem:$0x3FAF]  }
0x28: {  	s2 =	sld [smem:$0x3FB0]  }
0x29: {  	s4 =	sld [smem:$0x3FB2]  }
0x2a: {  	p0 =	seq.s32 s5, $0x0;
	s5 =	sld [smem:$0x3FB3]  }
0x2b: {  	s6 =	sld [smem:$0x3FB4]  }
0x2c: {  	s7 =	sld [smem:$0x3FB5]  }
0x2d: {  	s3 =	simm.s32 $0x108;
	s8 =	sld [smem:$0x3FB6]  }
0x2e: {  	s3 =	simm.s32 @!p0 $0x1082;
	s9 =	sld [smem:$0x3FB7]  }
0x2f: {  	lr =	sadd.s32 s0, s3;
	s0 =	sld [smem:$0x3FAE]  }
0x30: {  	s3 =	sld [smem:$0x3FB1]  }
0x31: {  	[smem:$0x3FBA] =	sst s10  }
0x32: {  	s10 =	sld [smem:$0x3FB8];
	_ =	sdelay $0x3  }
0x33: {  	p0 =	seq.s32 s10, $0x1;
	s10 =	sld [smem:$0x3FBA];
	_ =	sdelay $0x3  }
0x34: {  	[smem:$0x3FBA] =	sst s10  }
0x35: {  	s10 =	sld [smem:$0x3FB9];
	_ =	sdelay $0x3  }
0x36: {  	p1 =	seq.s32 s10, $0x1;
	s10 =	sld [smem:$0x3FBA];
	_ =	sdelay $0x3  }
0x37: {  	[smem:$0x3FBA] =	sst s10  }
0x38: {  	s10 =	sld [smem:$0x3FBB]  }
0x39: {  	_ = 	snop;
	(pc) =	sbr.ind lr, $3  }
0x3a: {  	_ = 	snop  }
0x3b: {  	_ = 	snop  }
0x3c: {  	p2 =	seq.s32 s10, $0x1;
	s10 =	sld [smem:$0x3FBA]  }
0x3d: {  	_ =	shalt  }
0x3e: {  	_ =	shalt  }
0x3f: {  	_ =	shalt  }
0x40: {  	_ =	shalt  }
0x41: {  	_ =	shalt  }
0x42: {  	_ =	shalt  }
0x43: {  	_ =	shalt  }
0x44: {  	_ =	shalt  }
0x45: {  	_ =	shalt  }
0x46: {  	_ =	shalt  }
0x47: {  	_ =	shalt  }
0x48: {  	_ =	shalt  }
0x49: {  	_ =	shalt  }
0x4a: {  	_ =	shalt  }
0x4b: {  	_ =	shalt  }
0x4c: {  	_ =	shalt  }
0x4d: {  	_ =	shalt  }
0x4e: {  	_ =	shalt  }
0x4f: {  	_ =	shalt  }
0x50: {  	_ =	shalt  }
0x51: {  	_ =	shalt  }
0x52: {  	_ =	shalt  }
0x53: {  	_ =	shalt  }
0x54: {  	_ =	shalt  }
0x55: {  	_ =	shalt  }
0x56: {  	_ =	shalt  }
0x57: {  	_ =	shalt  }
0x58: {  	_ =	shalt  }
0x59: {  	_ =	shalt  }
0x5a: {  	_ =	shalt  }
0x5b: {  	_ =	shalt  }
0x5c: {  	_ =	shalt  }
0x5d: {  	_ =	shalt  }
0x5e: {  	_ =	shalt  }
0x5f: {  	_ =	shalt  }
0x60: {  	_ =	shalt  }
0x61: {  	_ =	shalt  }
0x62: {  	_ =	shalt  }
0x63: {  	_ =	shalt  }
0x64: {  	_ =	shalt  }
0x65: {  	_ =	shalt  }
0x66: {  	_ =	shalt  }
0x67: {  	_ =	shalt  }
0x68: {  	_ =	shalt  }
0x69: {  	_ =	shalt  }
0x6a: {  	_ =	shalt  }
0x6b: {  	_ =	shalt  }
0x6c: {  	_ =	shalt  }
0x6d: {  	_ =	shalt  }
0x6e: {  	_ =	shalt  }
0x6f: {  	_ =	shalt  }
0x70: {  	_ =	shalt  }
0x71: {  	_ =	shalt  }
0x72: {  	_ =	shalt  }
0x73: {  	_ =	shalt  }
0x74: {  	_ =	shalt  }
0x75: {  	_ =	shalt  }
0x76: {  	_ =	shalt  }
0x77: {  	_ =	shalt  }
0x78: {  	_ =	shalt  }
0x79: {  	_ =	shalt  }
0x7a: {  	_ =	shalt  }
0x7b: {  	_ =	shalt  }
0x7c: {  	_ =	shalt  }
0x7d: {  	_ =	shalt  }
0x7e: {  	_ =	shalt  }
0x7f: {  	_ =	shalt  }
0x80: {  	_ =	shalt  }
0x81: {  	_ =	shalt  }
0x82: {  	_ =	shalt  }
0x83: {  	_ =	shalt  }
0x84: {  	_ =	shalt  }
0x85: {  	_ =	shalt  }
0x86: {  	_ =	shalt  }
0x87: {  	_ =	shalt  }
.Lfunc_end0:
.L_simem_size_0:
called_computation_lowered:
.L_overlay_start_0:
0x88: {  	s2 =	sld [smem:$0x3FD9]  }
0x89: {  	s3 =	sld [smem:$0x3FFE];
	_ =	sdelay $0x1  }
0x8a: {  	s1 =	srdreg.scid  }
0x8b: {  	s0 =	sand.u32 $0x1, s1  }
0x8c: {  	s14 =	sshll.u32 s0, $0xA;
	s2 =	sadd.s32 s3, s2  }
0x8d: {  	s2 =	sadd.s32 s2, s14  }
0x8e: {  	[smem:$0x3FC6] =	sst s2  }
0x8f: {  	_ = 	snop  }
0x90: {  	s2 =	sld [smem:$0x3FD0];
	_ =	sdelay $0x2  }
0x91: {  	s15 =	simm.s32 $0xA;
	s4 =	simm.s32 $0x10  }
0x92: {  	[smem:s4], [sflag:s15] =	dma.local [hbm:s2], $0x1  }
0x93: {  	_ =	swait.eq [sflag:s15], $0x1  }
0x94: {  	[sflag:s15] =	ssyncset.done $0x0  }
0x95: {  	[sflag:s15] =	ssyncadd.s32 $0xFFFFFFFF  }
0x96: {  	s16 =	sld [smem:$0x10];
	(tm) =	ssettm $0x1  }
0x97: {  	s17 =	sld [smem:$0x3FFB];
	_ =	sdelay $0x3  }
0x98: {  	_ =	strace s17  }
0x99: {  	s3 =	sld [smem:$0x3FFC];
	_ =	sdelay $0x3  }
0x9a: {  	_ =	strace s3  }
0x9b: {  	s3 =	sld [smem:$0x3FFD];
	_ =	sdelay $0x3  }
0x9c: {  	_ =	strace s3  }
0x9d: {  	_ =	strace $0x8FFFFFFF  }
0x9e: {  	s18 =	sld [smem:$0x3FDB];
	_ =	sdelay $0x1  }
0x9f: {  	s19 =	simm.s32 $_scs_section_size  }
0xa0: {  	s5 =	simm.s32 $_size__tile_overlayer_lowered;
	s6 =	simm.s32 $_tile_overlayer_lowered  }
0xa1: {  	s22 =	simm.s32 $0x1BFF;
	s21 =	sshll.u32 s6, $0x1;
	s3 =	sadd.s32 s19, s18  }
0xa2: {  	s7 =	simm.s32 $0x0;
	s20 =	sshll.u32 s5, $0x1;
	s5 =	sadd.s32 s21, s3  }
0xa3: {  	[timem:s7], [sflag:s22] =	dma.local [hbm:s5], s20  }
0xa4: {  	_ =	swait.ge [sflag:s22], s20  }
0xa5: {  	s4 =	ssub.s32 $0x0, s20;
	[sflag:s22] =	ssyncset.done $0x0  }
0xa6: {  	[sflag:s22] =	ssyncadd.s32 s4;
	_ =	sdelay $0x1  }
0xa7: {  	s23 =	simm.s32 $0x1B8B  }
0xa8: {  	_ =	swait.ge [sflag:s23], $0x1  }
0xa9: {  	[sflag:s23] =	ssyncset.done $0x0  }
0xaa: {  	s25 =	simm.s32 $0x1B8E;
	s24 =	sld [smem:$0x3FFE];
	[sflag:s23] =	ssyncadd.s32 $0xFFFFFFFF  }
0xab: {  	s26 =	simm.s32 $execute0_lowered;
	[smem:$0x3FD2] =	sst s25  }
0xac: {  	s5 =	sshll.u32 s26, $0x1;
	_ =	strace $0x80000046;
	[dreg:$0x1] =	wrdreg $0xFFFFFFFF  }
0xad: {  	s28 =	simm.s32 $_size_execute0_lowered;
	s3 =	sadd.s32 s3, s5;
	[dreg:$0x0] =	wrdreg $0x0  }
0xae: {  	s5 =	sshll.u32 s28, $0x1;
	[dreg:$0x2] =	wrdreg s3  }
0xaf: {  	[dreg:$0x3] =	wrdreg s5  }
0xb0: {  	[dreg:$0x4] =	wrdreg $0xC0  }
0xb1: {  	_ =	task [dreg:s7], $0x5FFFF  }
0xb2: {  	[dreg:$0x1] =	wrdreg $0xFFFFFFFF  }
0xb3: {  	[dreg:$0x0] =	wrdreg $0x60  }
0xb4: {  	[dreg:$0x2] =	wrdreg s24  }
0xb5: {  	[dreg:$0x3] =	wrdreg s16  }
0xb6: {  	[dreg:$0x4] =	wrdreg $0x9  }
0xb7: {  	_ =	task.clear_ibuf [dreg:s7], $0x5FFFF;
	_ =	strace $0x90000046  }
0xb8: {  	s29 =	simm.s32 $0x9;
	_ =	strace $0x80000048  }
0xb9: {  	_ =	swait.ge [sflag:s29], $0x1  }
0xba: {  	[sflag:s29] =	ssyncadd.s32 $0xFFFFFFFF  }
0xbb: {  	_ =	strace $0x90000048  }
0xbc: {  	_ =	sfence  }
0xbd: {  	s30 =	sld [smem:$0x0];
	_ =	sdelay $0x2  }
0xbe: {  	s31 =	sshll.u32 s1, $0xD;
	s1 =	sshrl.u32 s1, $0x2  }
0xbf: {  	s3 =	sand.u32 $0x4000, s31;
	s1 =	sadd.s32 s1, s30  }
0xc0: {  	s0 =	sor.u32 s3, s0;
	s1 =	sshll.u32 s1, $0x11  }
0xc1: {  	s0 =	sor.u32 s1, s0  }
0xc2: {  	s0 =	sadd.s32 $0x8F2B, s0  }
0xc3: {  	[sflag:s0] =	ssyncadd.remote.s32 $0x1  }
0xc4: {  	_ =	sfence.sel $0xFFFF  }
0xc5: {  	[dreg:$0x0] =	wrdreg $0xFFFFFFFF;
	(pc) =	sbr.abs _section_cstart, $3  }
0xc6: {  	[dreg:$0x1] =	wrdreg $0xFFFFFFFF  }
0xc7: {  	_ =	task.clear_ibuf [dreg:s7], $0x2FFFF;
	_ =	strace $0x9FFFFFFF  }
0xc8: {  	(tm) =	ssettm $0x7FFFFFFF  }
0xc9: {  	_ =	shalt  }
tec
execute0_lowered:
.L_overlay_start_1:
0x0: {  	(tag) =	ssettag $0x1  }
0x1: {  	s1 =	srdreg.scid  }
0x2: {  	s0 =	stileid.u32;
	s14 =	sand.u32 $0x1, s1  }
0x3: {  	s2 =	rddreg [dreg:$0x0];
	s29 =	sshll.u32 s0, $0xA;
	s3 =	sshll.u32 s14, $0x9  }
0x4: {  	s15 =	rddreg [dreg:$0x1];
	s16 =	sor.u32 s3, s29  }
0x5: {  	s1 =	rddreg [dreg:$0x2];
	s3 =	simm.s32 $0x0;
	s4 =	sshrl.u32 s16, $0x3  }
0x6: {  	[smem:$0x7FF] =	sst s3;
	s4 =	sadd.s32 s4, s2  }
0x7: {  	_ =	strace $0x80000047;
	s5 =	sadd.s32 $0x8000, s4;
	s4 =	simm.s32 $0x2  }
0x8: {  	[tilespmem:s3], [sflag:$0x2] =	stream.linear.gather [hbm4b:s5+s3], $0x200, $0x38;
	[tilespmem:$0x4200] =	vst v63  }
0x9: {  	_ =	swait.ge [sflag:s4], $0x200  }
0xa: {  	[sflag:s4] =	ssyncset.done $0x0  }
0xb: {  	s6 =	simm.s32 $0x80;
	s7 =	simm.s32 $0x200;
	[sflag:s4] =	ssyncadd.s32 $0xFFFFFE00  }
0xc: {  	[tilespmem:s7], [sflag:$0x1] =	stream.indirect.gather [hbm4b:s2+s6], $0x20, s3, s6, $0xb8;
	[tilespmem:$0x4200] =	vst v63  }
0xd: {  	s8 =	simm.s32 $0x1200  }
0xe: {  	[tilespmem:s8], [sflag:$0x1] =	stream.indirect.gather [hbm4b:s2+s6], $0x20, s6, s6, $0xb8;
	[tilespmem:$0x4200] =	vst v63  }
0xf: {  	s9 =	simm.s32 $0x100;
	s10 =	simm.s32 $0x2200  }
0x10: {  	[tilespmem:s10], [sflag:$0x1] =	stream.indirect.gather [hbm4b:s2+s6], $0x20, s9, s6, $0xb8;
	[tilespmem:$0x4200] =	vst v63  }
0x11: {  	s11 =	simm.s32 $0x180;
	s12 =	simm.s32 $0x3200;
	s13 =	simm.s32 $0x1  }
0x12: {  	[tilespmem:s12], [sflag:$0x1] =	stream.indirect.gather [hbm4b:s2+s6], $0x20, s11, s6, $0xb8;
	[tilespmem:$0x4200] =	vst v63  }
0x13: {  	_ =	swait.ge [sflag:s13], $0x1000  }
0x14: {  	[sflag:s13] =	ssyncset.done $0x0  }
0x15: {  	[sflag:s13] =	ssyncadd.s32 $0xFFFFF000  }
0x16: {  	_ =	swait.ge [sflag:s13], $0x1000  }
0x17: {  	[sflag:s13] =	ssyncset.done $0x0  }
0x18: {  	s14 =	ssub.s32 $0x2, s14;
	[sflag:s13] =	ssyncadd.s32 $0xFFFFF000  }
0x19: {  	s17 =	sshrl.u32 s14, $0x1;
	_ =	swait.ge [sflag:s13], $0x1000  }
0x1a: {  	s17 =	ssub.s32 s14, s17;
	[sflag:s13] =	ssyncset.done $0x0  }
0x1b: {  	s31 =	smax.u32 s17, $0x1;
	[sflag:s13] =	ssyncadd.s32 $0xFFFFF000  }
0x1c: {  	p0 =	sne.s32 s31, $0x1;
	_ =	swait.ge [sflag:s13], $0x1000  }
.Ltmp0:
0x1d: {  	s30 =	sshll.u32 s16, $0x2;
	[sflag:s13] =	ssyncset.done $0x0;
	(pc) =	sbr.rel @!p0 .LBB2_2-.Ltmp0, $4  }
0x1e: {  	s14 =	sadd.s32 s15, s30;
	[sflag:s13] =	ssyncadd.s32 $0xFFFFF000  }
0x1f: {  	[hbm4b:s14+s3] =	stream.linear.scatter [tilespmem:s7], [sflag:$0x2], $0x4000, $0x38;
	[tilespmem:$0x4200] =	vst v63  }
0x20: {  	_ =	swait.ge [sflag:s4], $0x4000  }
0x21: {  	s15 =	sadd.s32 $0xFFFFFFFF, s31;
	[sflag:s4] =	ssyncset.done $0x0  }
.LBB2_1:
0x22: {  	p0 =	sne.s32 s15, $0x1;
	s15 =	sadd.s32 $0xFFFFFFFF, s15;
	[sflag:s4] =	ssyncadd.s32 $0xFFFFC000  }
0x23: {  	[tilespmem:s3], [sflag:$0x2] =	stream.linear.gather [hbm4b:s5+s3], $0x200, $0x38;
	[tilespmem:$0x4200] =	vst v63  }
0x24: {  	_ =	swait.ge [sflag:s4], $0x200  }
0x25: {  	[sflag:s4] =	ssyncset.done $0x0  }
0x26: {  	[sflag:s4] =	ssyncadd.s32 $0xFFFFFE00  }
0x27: {  	[tilespmem:s7], [sflag:$0x1] =	stream.indirect.gather [hbm4b:s2+s6], $0x20, s3, s6, $0xb8;
	[tilespmem:$0x4200] =	vst v63  }
0x28: {  	_ = 	snop  }
0x29: {  	[tilespmem:s8], [sflag:$0x1] =	stream.indirect.gather [hbm4b:s2+s6], $0x20, s6, s6, $0xb8;
	[tilespmem:$0x4200] =	vst v63  }
0x2a: {  	_ = 	snop  }
0x2b: {  	[tilespmem:s10], [sflag:$0x1] =	stream.indirect.gather [hbm4b:s2+s6], $0x20, s9, s6, $0xb8;
	[tilespmem:$0x4200] =	vst v63  }
0x2c: {  	_ = 	snop  }
0x2d: {  	[tilespmem:s12], [sflag:$0x1] =	stream.indirect.gather [hbm4b:s2+s6], $0x20, s11, s6, $0xb8;
	[tilespmem:$0x4200] =	vst v63  }
0x2e: {  	_ =	swait.ge [sflag:s13], $0x1000  }
0x2f: {  	[sflag:s13] =	ssyncset.done $0x0  }
0x30: {  	[sflag:s13] =	ssyncadd.s32 $0xFFFFF000  }
0x31: {  	_ =	swait.ge [sflag:s13], $0x1000  }
0x32: {  	[sflag:s13] =	ssyncset.done $0x0  }
0x33: {  	[sflag:s13] =	ssyncadd.s32 $0xFFFFF000  }
0x34: {  	_ =	swait.ge [sflag:s13], $0x1000  }
0x35: {  	[sflag:s13] =	ssyncset.done $0x0  }
0x36: {  	[sflag:s13] =	ssyncadd.s32 $0xFFFFF000  }
0x37: {  	_ =	swait.ge [sflag:s13], $0x1000  }
.Ltmp1:
0x38: {  	[sflag:s13] =	ssyncset.done $0x0;
	(pc) =	sbr.rel @p0 .LBB2_1-.Ltmp1, $4  }
0x39: {  	[sflag:s13] =	ssyncadd.s32 $0xFFFFF000  }
0x3a: {  	[hbm4b:s14+s3] =	stream.linear.scatter [tilespmem:s7], [sflag:$0x2], $0x4000, $0x38;
	[tilespmem:$0x4200] =	vst v63  }
0x3b: {  	_ =	swait.ge [sflag:s4], $0x4000  }
0x3c: {  	[sflag:s4] =	ssyncset.done $0x0  }
.LBB2_2:
0x3d: {  	[sflag:s4] =	ssyncadd.s32 $0xFFFFC000  }
0x3e: {  	_ =	sfence.sel $0x180000  }
0x3f: {  	[bflag:$0x0] =	sbarrier.arrive $0xFFFF  }
0x40: {  	p0 =	sne.s32 s0, $0x0;
	_ =	strace $0x90000047  }
0x41: {  	s0 =	sadd.s32 @!p0 $0x100000, s1;
	[bflag:$0x2] =	sbarrier.arrive $0xFFFF  }
0x42: {  	[sflag:s0] =	ssyncadd.tile.s32 @!p0 $0x1;
	_ =	shalt  }
.Lfunc_end2:
_tile_overlayer_lowered:
.L_overlay_start_2:
0x43: {  	(tag) =	ssettag $0x2  }
0x44: {  	s0 =	rddreg [dreg:$0x0];
	s2 =	stileid.u32  }
0x45: {  	s1 =	rddreg [dreg:$0x1];
	p0 =	sne.s32 s2, $0x0  }
0x46: {  	s3 =	rddreg [dreg:$0x2];
	[bflag:$0x3] =	sbarrier.arrive $0xFFFF;
	s2 =	simm.s32 @!p0 $0x1C02  }
0x47: {  	[timem:s3], [sflag:s2] =	dma.local @!p0 [hbm:s0], s1  }
0x48: {  	s0 =	simm.s32 @!p0 $0x2  }
0x49: {  	_ =	swait.ge @!p0 [sflag:s0], s1  }
0x4a: {  	s1 =	ssub.s32 @!p0 $0x0, s1;
	[sflag:s0] =	ssyncset.done @!p0 $0x0  }
0x4b: {  	[sflag:s0] =	ssyncadd.s32 @!p0 s1  }
0x4c: {  	[bflag:$0x3] =	sbarrier.arrive $0xFFFF  }
0x4d: {  	_ =	shalt  }

</sc_bundles>
